<compile_context>
chip_gen: v7x
topology: tpu7x:2x2x1
jax: 0.10.2.dev20260603
libtpu: 0.0.44.dev20260713+nightly
codegen_flags: <defaults>
</compile_context>

<pallas_src>
import functools

import jax
import jax.numpy as jnp
from jax import lax
from jax.experimental import pallas as pl
from jax.experimental.pallas import tpu as pltpu
from jax.experimental.pallas import tpu_sc as plsc

NR = 8192
H = 4096
K = 2
N = NR * K
E = 16
NC = 2
NS = 16
NW = NC * NS
CH = N // NW
TOK = CH // K
G = 8

_mesh = plsc.VectorSubcoreMesh(core_axis_name="c", subcore_axis_name="s")
_params = pltpu.CompilerParams(needs_layout_passes=False)


def _wid():
    return lax.axis_index("c") * NS + lax.axis_index("s")


@functools.partial(
    pl.kernel,
    out_type=jax.ShapeDtypeStruct((NW * E,), jnp.int32),
    mesh=_mesh,
    compiler_params=_params,
    scratch_types=[
        pltpu.VMEM((CH,), jnp.int32),
        pltpu.VMEM((E,), jnp.int32),
    ],
)
def _hist(eidx_hbm, hist_hbm, ev_ref, out_ref):
    wid = _wid()
    pltpu.sync_copy(eidx_hbm.at[pl.ds(wid * CH, CH)], ev_ref)
    lanes = lax.iota(jnp.int32, 16)

    def body(j, accs):
        ev = ev_ref[pl.ds(j * 16, 16)]
        return tuple(accs[e] + (ev == e).astype(jnp.int32) for e in range(E))

    accs = lax.fori_loop(
        0, CH // 16, body, tuple(jnp.zeros((16,), jnp.int32) for _ in range(E)))
    cnt = jnp.zeros((16,), jnp.int32)
    for e in range(E):
        cnt = jnp.where(lanes == e, jnp.sum(accs[e]), cnt)
    out_ref[...] = cnt
    pltpu.sync_copy(out_ref, hist_hbm.at[pl.ds(wid * E, E)])


@functools.partial(
    pl.kernel,
    out_type=(
        jax.ShapeDtypeStruct((N,), jnp.int32),
        jax.ShapeDtypeStruct((E,), jnp.int32),
    ),
    mesh=_mesh,
    compiler_params=_params,
    scratch_types=[
        pltpu.VMEM((CH,), jnp.int32),
        pltpu.VMEM((NW * E,), jnp.int32),
        pltpu.VMEM((CH,), jnp.int32),
        pltpu.VMEM((E,), jnp.int32),
    ],
)
def _route(eidx_hbm, hist_hbm, eri_hbm, cnt_hbm,
           ev_ref, hist_ref, pos_ref, tmp_ref):
    wid = _wid()
    base = wid * CH
    lanes = lax.iota(jnp.int32, 16)

    pltpu.sync_copy(eidx_hbm.at[pl.ds(base, CH)], ev_ref)
    pltpu.sync_copy(hist_hbm, hist_ref)

    prefix = jnp.zeros((16,), jnp.int32)
    totals = jnp.zeros((16,), jnp.int32)
    for t in range(NW):
        h = hist_ref[pl.ds(t * E, E)]
        totals = totals + h
        prefix = prefix + jnp.where(t < wid, h, jnp.zeros_like(h))
    base_v = plsc.cumsum(totals) - totals + prefix

    @pl.when(wid == 0)
    def _():
        tmp_ref[...] = totals
        pltpu.sync_copy(tmp_ref, cnt_hbm)

    bases0 = tuple(
        jnp.broadcast_to(
            jnp.sum(jnp.where(lanes == e, base_v, jnp.zeros_like(base_v))),
            (16,))
        for e in range(E))

    def body(j, bases):
        ev = ev_ref[pl.ds(j * 16, 16)]
        pos_v = jnp.zeros((16,), jnp.int32)
        nxt = []
        for e in range(E):
            m = ev == e
            c = plsc.cumsum(m.astype(jnp.int32))
            pos_v = jnp.where(m, bases[e] + c - 1, pos_v)
            nxt.append(bases[e] + plsc.all_reduce_population_count(m))
        pos_ref[pl.ds(j * 16, 16)] = pos_v
        return tuple(nxt)

    lax.fori_loop(0, CH // 16, body, bases0)
    pltpu.sync_copy(pos_ref, eri_hbm.at[pl.ds(base, CH)])


@functools.partial(
    pl.kernel,
    out_type=(
        jax.ShapeDtypeStruct((N, H), jnp.float32),
        jax.ShapeDtypeStruct((N,), jnp.float32),
    ),
    mesh=_mesh,
    compiler_params=_params,
    scratch_types=[
        pltpu.VMEM((CH,), jnp.int32),
        pltpu.VMEM((TOK,), jnp.float32),
        pltpu.VMEM((TOK // G, G), jnp.int32),
        pltpu.VMEM((TOK // G, G), jnp.int32),
        pltpu.VMEM((TOK // 128, 128), jnp.int32),
        pltpu.VMEM((TOK // 128, 128), jnp.int32),
        pltpu.VMEM((G, H), jnp.float32),
        pltpu.VMEM((G, H), jnp.float32),
        pltpu.VMEM((G, H), jnp.float32),
        pltpu.SemaphoreType.DMA,
        pltpu.SemaphoreType.DMA,
        pltpu.SemaphoreType.DMA,
    ],
)
def _gather(x_hbm, scale_hbm, eri_hbm, ex_hbm, esc_hbm,
            pos_ref, scl_ref, ide_ref, ido_ref, ide128_ref, ido128_ref,
            rows0_ref, rows1_ref, rows2_ref, sem_g, sem_w, sem_s):
    wid = _wid()
    base = wid * CH
    tok0 = wid * TOK
    lanes = lax.iota(jnp.int32, 16)

    pltpu.sync_copy(eri_hbm.at[pl.ds(base, CH)], pos_ref)
    pltpu.sync_copy(scale_hbm.at[pl.ds(tok0, TOK)], scl_ref)

    def fill(j, _):
        pv = pos_ref[pl.ds(j * 16, 16)]
        l = j * 16 + lanes
        tok = l // 2
        m_e = (l % 2) == 0
        m_o = jnp.logical_not(m_e)
        plsc.store_scatter(ide_ref, [tok // G, tok % G], pv, mask=m_e)
        plsc.store_scatter(ido_ref, [tok // G, tok % G], pv, mask=m_o)
        plsc.store_scatter(ide128_ref, [tok // 128, tok % 128], pv, mask=m_e)
        plsc.store_scatter(ido128_ref, [tok // 128, tok % 128], pv, mask=m_o)
        return 0

    lax.fori_loop(0, CH // 16, fill, 0)

    for r in range(TOK // 128):
        src = scl_ref.at[pl.ds(r * 128, 128)]
        pltpu.async_copy(src, esc_hbm.at[ide128_ref.at[r]], sem_s)
        pltpu.async_copy(src, esc_hbm.at[ido128_ref.at[r]], sem_s)

    bufs = (rows0_ref, rows1_ref, rows2_ref)
    nb = len(bufs)
    nit = TOK // G

    def gat(i, buf):
        pltpu.async_copy(x_hbm.at[pl.ds(tok0 + i * G, G)], buf, sem_g)

    def gat_wait(i, buf):
        pltpu.make_async_copy(x_hbm.at[pl.ds(tok0 + i * G, G)], buf,
                              sem_g).wait()

    def wrt(i, buf):
        pltpu.async_copy(buf, ex_hbm.at[ide_ref.at[i]], sem_w)
        pltpu.async_copy(buf, ex_hbm.at[ido_ref.at[i]], sem_w)

    def wrt_wait(i, buf):
        pltpu.make_async_copy(buf, ex_hbm.at[ide_ref.at[i]], sem_w).wait()
        pltpu.make_async_copy(buf, ex_hbm.at[ido_ref.at[i]], sem_w).wait()

    main = (nit // nb) * nb
    for b in range(nb):
        gat(b, bufs[b])

    @pl.loop(0, main, step=nb)
    def _(i0):
        for b in range(nb):
            i = i0 + b
            buf = bufs[b]
            gat_wait(i, buf)
            wrt(i, buf)

            @pl.when(i + nb < nit)
            def _():
                wrt_wait(i, buf)
                gat(i + nb, buf)

    for i in range(main, nit):
        gat_wait(i, bufs[i % nb])
        wrt(i, bufs[i % nb])
    for i in range(nit - nb, nit):
        wrt_wait(i, bufs[i % nb])
    for r in range(TOK // 128):
        src = scl_ref.at[pl.ds(r * 128, 128)]
        pltpu.make_async_copy(src, esc_hbm.at[ide128_ref.at[r]], sem_s).wait()
        pltpu.make_async_copy(src, esc_hbm.at[ido128_ref.at[r]], sem_s).wait()


def kernel(x, expert_idx, scale, expert_num):
    eidx = expert_idx.reshape(-1).astype(jnp.int32)
    hist = _hist(eidx)
    eri, cnt = _route(eidx, hist)
    ex, esc = _gather(x, scale, eri)
    etn = jnp.where(jnp.arange(E) < expert_num, cnt, 0).astype(jnp.int64)
    return ex, eri, etn, esc

# --- scband reference (transcript-rebuilt; emitter-appended) ---
"""Pipeline reference for scband-model-86586540687779 (READ-ONLY COPY).

The authoritative reference and input builder live on the scoring server;
editing this copy changes nothing except your own understanding.
"""

import jax, jax.numpy as jnp
import numpy as np


def setup_inputs(seed: int = 0) -> dict:
    key = jax.random.key(seed)
    k1, k2, k3 = jax.random.split(key, 3)
    x = jax.random.normal(k1, (8192, 4096), dtype=jnp.float32)
    expert_idx = jax.random.randint(k2, (8192, 2), 0, 16)
    scale = jax.random.uniform(k3, (8192,), dtype=jnp.float32)
    return {"x": x, "expert_idx": expert_idx, "scale": scale, "expert_num": 16}


def reference(x, expert_idx, scale, expert_num):
    # Faithful dropless (drop_pad_mode=0) moe_init_routing_v2:
    #  - active_num=0 -> keep all num_rows*k expanded rows
    #  - expert_capacity=0 -> no capacity dropping
    #  - active_expert_range = [0, expert_num] -> all expert ids valid
    #  - expert_tokens_num_type=1 -> per-expert token counts
    #  - quant_mode=-1 with scale provided -> gather scale by sorted token order
    #  - row_idx_type=0 -> expanded_row_idx is the inverse permutation (gather map)
    num_rows, h = x.shape
    k = expert_idx.shape[-1]
    n = num_rows * k
    eidx = expert_idx.reshape(-1)
    # stable sort of flattened expert ids (jnp.argsort is stable by default)
    sorted_idx = jnp.argsort(eidx)
    row_map = sorted_idx // k  # source token row for each expanded row
    expanded_x = jnp.take(x, row_map, axis=0)
    # inverse permutation: position of each (row, k) slot in the expanded output
    expanded_row_idx = jnp.zeros((n,), dtype=jnp.int32).at[sorted_idx].set(
        jnp.arange(n, dtype=jnp.int32))
    # per-expert token counts (expert_tokens_num_type == 1)
    counts = jnp.bincount(eidx, length=16)
    expert_tokens_num = jnp.where(
        jnp.arange(16) < expert_num, counts, 0).astype(jnp.int64)
    # expanded scale: scale of the source token, in sorted order
    expanded_scale = jnp.take(scale, row_map, axis=0).astype(jnp.float32)
    return (expanded_x, expanded_row_idx, expert_tokens_num, expanded_scale)

if __name__ == "__main__":
    import jax
    _d = setup_inputs()
    print(jax.jit(kernel)(*tuple(_d.values())))

</pallas_src>

<mosaic_0001>
#map = affine_map<(d0, d1) -> (0, 0)>
#map1 = affine_map<(d0, d1) -> (0)>
module attributes {stable_mosaic.version = 14 : i64} {
  func.func @_gather(%arg0: i32, %arg1: i32, %arg2: memref<8192x4096xf32, #tpu.memory_space<hbm>>, %arg3: memref<8192xf32, #tpu.memory_space<hbm>>, %arg4: memref<16384xi32, #tpu.memory_space<hbm>>, %arg5: memref<16384x4096xf32, #tpu.memory_space<hbm>>, %arg6: memref<16384xf32, #tpu.memory_space<hbm>>, %arg7: memref<512xi32, #tpu.memory_space<vmem>>, %arg8: memref<256xf32, #tpu.memory_space<vmem>>, %arg9: memref<32x8xi32, #tpu.memory_space<vmem>>, %arg10: memref<32x8xi32, #tpu.memory_space<vmem>>, %arg11: memref<2x128xi32, #tpu.memory_space<vmem>>, %arg12: memref<2x128xi32, #tpu.memory_space<vmem>>, %arg13: memref<8x4096xf32, #tpu.memory_space<vmem>>, %arg14: memref<8x4096xf32, #tpu.memory_space<vmem>>, %arg15: memref<8x4096xf32, #tpu.memory_space<vmem>>, %arg16: memref<!tpu.dma_semaphore, #tpu.memory_space<semaphore_mem>>, %arg17: memref<!tpu.dma_semaphore, #tpu.memory_space<semaphore_mem>>, %arg18: memref<!tpu.dma_semaphore, #tpu.memory_space<semaphore_mem>>) attributes {dimension_semantics = [#tpu.dimension_semantics<core_parallel>, #tpu.dimension_semantics<subcore_parallel>], iteration_bounds = array<i64: 2, 16>, scalar_prefetch = 0 : i64, scratch_operands = 12 : i64, tpu.core_type = #tpu.core_type<sc_vector_subcore>, window_params = [{transform_indices = #map}, {transform_indices = #map1}, {transform_indices = #map1}, {transform_indices = #map}, {transform_indices = #map1}]} {
    %mul3A = arith.constant 16 : i32
    %mul3A_0 = arith.muli %arg0, %mul3A : i32
    %add3A = arith.addi %mul3A_0, %arg1 : i32
    %mul3A_1 = arith.constant 512 : i32
    %mul3A_2 = arith.muli %add3A, %mul3A_1 : i32
    %mul3A_3 = arith.constant 256 : i32
    %mul3A_4 = arith.muli %add3A, %mul3A_3 : i32
    %iota3A = tpu.iota {dimensions = array<i32: 0>} : vector<16xi32>
    "tpu.region"() ({
      %run_scoped3A = tpu.sem_alloc : memref<!tpu.dma_semaphore, #tpu.memory_space<semaphore_mem>>
      %dma_start3A_178 = tpu.memref_slice %arg4[%mul3A_2] : memref<16384xi32, #tpu.memory_space<hbm>> -> memref<512xi32, #tpu.memory_space<hbm>>
      %dma_start3A_179 = tpu.memref_slice %arg4[%mul3A_2] : memref<16384xi32, #tpu.memory_space<hbm>> -> memref<512xi32, #tpu.memory_space<hbm>>
      tpu.enqueue_dma source(%dma_start3A_179 : memref<512xi32, #tpu.memory_space<hbm>>) target(%arg7 : memref<512xi32, #tpu.memory_space<vmem>>) target_semaphore(%run_scoped3A : memref<!tpu.dma_semaphore, #tpu.memory_space<semaphore_mem>>)
      %dma_wait3A_180 = tpu.memref_slice %arg4[%mul3A_2] : memref<16384xi32, #tpu.memory_space<hbm>> -> memref<512xi32, #tpu.memory_space<hbm>>
      %dma_wait3A_181 = tpu.memref_slice %arg4[%mul3A_2] : memref<16384xi32, #tpu.memory_space<hbm>> -> memref<512xi32, #tpu.memory_space<hbm>>
      tpu.wait_dma2 semaphore(%run_scoped3A : memref<!tpu.dma_semaphore, #tpu.memory_space<semaphore_mem>>) src(%dma_wait3A_181 : memref<512xi32, #tpu.memory_space<hbm>>) dst(%arg7 : memref<512xi32, #tpu.memory_space<vmem>>)
      tpu.yield
    }) : () -> ()
    "tpu.region"() ({
      %run_scoped3A = tpu.sem_alloc : memref<!tpu.dma_semaphore, #tpu.memory_space<semaphore_mem>>
      %dma_start3A_178 = tpu.memref_slice %arg3[%mul3A_4] : memref<8192xf32, #tpu.memory_space<hbm>> -> memref<256xf32, #tpu.memory_space<hbm>>
      %dma_start3A_179 = tpu.memref_slice %arg3[%mul3A_4] : memref<8192xf32, #tpu.memory_space<hbm>> -> memref<256xf32, #tpu.memory_space<hbm>>
      tpu.enqueue_dma source(%dma_start3A_179 : memref<256xf32, #tpu.memory_space<hbm>>) target(%arg8 : memref<256xf32, #tpu.memory_space<vmem>>) target_semaphore(%run_scoped3A : memref<!tpu.dma_semaphore, #tpu.memory_space<semaphore_mem>>)
      %dma_wait3A_180 = tpu.memref_slice %arg3[%mul3A_4] : memref<8192xf32, #tpu.memory_space<hbm>> -> memref<256xf32, #tpu.memory_space<hbm>>
      %dma_wait3A_181 = tpu.memref_slice %arg3[%mul3A_4] : memref<8192xf32, #tpu.memory_space<hbm>> -> memref<256xf32, #tpu.memory_space<hbm>>
      tpu.wait_dma2 semaphore(%run_scoped3A : memref<!tpu.dma_semaphore, #tpu.memory_space<semaphore_mem>>) src(%dma_wait3A_181 : memref<256xf32, #tpu.memory_space<hbm>>) dst(%arg8 : memref<256xf32, #tpu.memory_space<vmem>>)
      tpu.yield
    }) : () -> ()
    %scan3A = arith.constant 0 : i32
    %scan3A_5 = arith.constant 0 : i32
    %scan3A_6 = arith.constant 32 : i32
    %scan3A_7 = arith.addi %scan3A_5, %scan3A_6 : i32
    %scan3A_8 = arith.constant 1 : i32
    %scan3A_9 = scf.for %scan3A_178 = %scan3A_5 to %scan3A_7 step %scan3A_8 iter_args(%scan3A_179 = %scan3A) -> (i32)  : i32 {
      %mul3A_180 = arith.constant 16 : i32
      %mul3A_181 = arith.muli %scan3A_178, %mul3A_180 : i32
      %get3A = arith.index_cast %mul3A_181 : i32 to index
      %get3A_182 = tpu.vector_load %arg7[%get3A] {strides = array<i32>} : memref<512xi32, #tpu.memory_space<vmem>>, vector<16xi32>,
      %mul3A_183 = arith.constant 16 : i32
      %mul3A_184 = arith.muli %scan3A_178, %mul3A_183 : i32
      %add3A_185 = vector.broadcast %mul3A_184 : i32 to vector<16xi32>
      %add3A_186 = arith.addi %add3A_185, %iota3A : vector<16xi32>
      %jit3A = arith.constant 2 : i32
      %div3A = vector.broadcast %jit3A : i32 to vector<16xi32>
      %div3A_187 = arith.divsi %add3A_186, %div3A : vector<16xi32>
      %sign3A = arith.constant 0 : i32
      %sign3A_188 = vector.broadcast %sign3A : i32 to vector<16xi32>
      %sign3A_189 = arith.cmpi sgt, %add3A_186, %sign3A_188 : vector<16xi32>
      %sign3A_190 = arith.extui %sign3A_189 : vector<16xi1> to vector<16xi32>
      %sign3A_191 = arith.constant 0 : i32
      %sign3A_192 = vector.broadcast %sign3A_191 : i32 to vector<16xi32>
      %sign3A_193 = arith.cmpi slt, %add3A_186, %sign3A_192 : vector<16xi32>
      %sign3A_194 = arith.extui %sign3A_193 : vector<16xi1> to vector<16xi32>
      %sign3A_195 = arith.subi %sign3A_190, %sign3A_194 : vector<16xi32>
      %sign3A_196 = arith.constant 0 : i32
      %sign3A_197 = arith.cmpi sgt, %jit3A, %sign3A_196 : i32
      %sign3A_198 = arith.extui %sign3A_197 : i1 to i32
      %sign3A_199 = arith.constant 0 : i32
      %sign3A_200 = arith.cmpi slt, %jit3A, %sign3A_199 : i32
      %sign3A_201 = arith.extui %sign3A_200 : i1 to i32
      %sign3A_202 = arith.subi %sign3A_198, %sign3A_201 : i32
      %ne3A = vector.broadcast %sign3A_202 : i32 to vector<16xi32>
      %ne3A_203 = arith.cmpi ne, %sign3A_195, %ne3A : vector<16xi32>
      %rem3A = vector.broadcast %jit3A : i32 to vector<16xi32>
      %rem3A_204 = arith.remsi %add3A_186, %rem3A : vector<16xi32>
      %ne3A_205 = arith.constant 0 : i32
      %ne3A_206 = vector.broadcast %ne3A_205 : i32 to vector<16xi32>
      %ne3A_207 = arith.cmpi ne, %rem3A_204, %ne3A_206 : vector<16xi32>
      %and3A = arith.andi %ne3A_203, %ne3A_207 : vector<16xi1>
      %sub3A = arith.constant 1 : i32
      %sub3A_208 = vector.broadcast %sub3A : i32 to vector<16xi32>
      %sub3A_209 = arith.subi %div3A_187, %sub3A_208 : vector<16xi32>
      %select_n3A = arith.select %and3A, %sub3A_209, %div3A_187 : vector<16xi1>, vector<16xi32>
      %jit3A_210 = arith.constant 2 : i32
      %eq3A = arith.constant 0 : i32
      %eq3A_211 = arith.cmpi eq, %jit3A_210, %eq3A : i32
      %jit3A_212 = arith.constant 1 : i32
      %select_n3A_213 = arith.select %eq3A_211, %jit3A_212, %jit3A_210 : i32
      %rem3A_214 = vector.broadcast %select_n3A_213 : i32 to vector<16xi32>
      %rem3A_215 = arith.remsi %add3A_186, %rem3A_214 : vector<16xi32>
      %ne3A_216 = arith.constant 0 : i32
      %ne3A_217 = vector.broadcast %ne3A_216 : i32 to vector<16xi32>
      %ne3A_218 = arith.cmpi ne, %rem3A_215, %ne3A_217 : vector<16xi32>
      %lt3A = arith.constant 0 : i32
      %lt3A_219 = vector.broadcast %lt3A : i32 to vector<16xi32>
      %lt3A_220 = arith.cmpi slt, %rem3A_215, %lt3A_219 : vector<16xi32>
      %lt3A_221 = arith.constant 0 : i32
      %lt3A_222 = arith.cmpi slt, %select_n3A_213, %lt3A_221 : i32
      %ne3A_223 = vector.broadcast %lt3A_222 : i1 to vector<16xi1>
      %ne3A_224 = vector.broadcast %ne3A_223 : vector<16xi1> to vector<16xi1>
      %ne3A_225 = arith.xori %lt3A_220, %ne3A_224 : vector<16xi1>
      %and3A_226 = arith.andi %ne3A_225, %ne3A_218 : vector<16xi1>
      %add3A_227 = vector.broadcast %select_n3A_213 : i32 to vector<16xi32>
      %add3A_228 = arith.addi %rem3A_215, %add3A_227 : vector<16xi32>
      %select_n3A_229 = arith.select %and3A_226, %add3A_228, %rem3A_215 : vector<16xi1>, vector<16xi32>
      %eq3A_230 = arith.constant 0 : i32
      %eq3A_231 = vector.broadcast %eq3A_230 : i32 to vector<16xi32>
      %eq3A_232 = arith.cmpi eq, %select_n3A_229, %eq3A_231 : vector<16xi32>
      %not3A = arith.constant dense<true> : vector<16xi1>
      %not3A_233 = arith.xori %eq3A_232, %not3A : vector<16xi1>
      %jit3A_234 = arith.constant 8 : i32
      %div3A_235 = vector.broadcast %jit3A_234 : i32 to vector<16xi32>
      %div3A_236 = arith.divsi %select_n3A, %div3A_235 : vector<16xi32>
      %sign3A_237 = arith.constant 0 : i32
      %sign3A_238 = vector.broadcast %sign3A_237 : i32 to vector<16xi32>
      %sign3A_239 = arith.cmpi sgt, %select_n3A, %sign3A_238 : vector<16xi32>
      %sign3A_240 = arith.extui %sign3A_239 : vector<16xi1> to vector<16xi32>
      %sign3A_241 = arith.constant 0 : i32
      %sign3A_242 = vector.broadcast %sign3A_241 : i32 to vector<16xi32>
      %sign3A_243 = arith.cmpi slt, %select_n3A, %sign3A_242 : vector<16xi32>
      %sign3A_244 = arith.extui %sign3A_243 : vector<16xi1> to vector<16xi32>
      %sign3A_245 = arith.subi %sign3A_240, %sign3A_244 : vector<16xi32>
      %sign3A_246 = arith.constant 0 : i32
      %sign3A_247 = arith.cmpi sgt, %jit3A_234, %sign3A_246 : i32
      %sign3A_248 = arith.extui %sign3A_247 : i1 to i32
      %sign3A_249 = arith.constant 0 : i32
      %sign3A_250 = arith.cmpi slt, %jit3A_234, %sign3A_249 : i32
      %sign3A_251 = arith.extui %sign3A_250 : i1 to i32
      %sign3A_252 = arith.subi %sign3A_248, %sign3A_251 : i32
      %ne3A_253 = vector.broadcast %sign3A_252 : i32 to vector<16xi32>
      %ne3A_254 = arith.cmpi ne, %sign3A_245, %ne3A_253 : vector<16xi32>
      %rem3A_255 = vector.broadcast %jit3A_234 : i32 to vector<16xi32>
      %rem3A_256 = arith.remsi %select_n3A, %rem3A_255 : vector<16xi32>
      %ne3A_257 = arith.constant 0 : i32
      %ne3A_258 = vector.broadcast %ne3A_257 : i32 to vector<16xi32>
      %ne3A_259 = arith.cmpi ne, %rem3A_256, %ne3A_258 : vector<16xi32>
      %and3A_260 = arith.andi %ne3A_254, %ne3A_259 : vector<16xi1>
      %sub3A_261 = arith.constant 1 : i32
      %sub3A_262 = vector.broadcast %sub3A_261 : i32 to vector<16xi32>
      %sub3A_263 = arith.subi %div3A_236, %sub3A_262 : vector<16xi32>
      %select_n3A_264 = arith.select %and3A_260, %sub3A_263, %div3A_236 : vector<16xi1>, vector<16xi32>
      %jit3A_265 = arith.constant 8 : i32
      %eq3A_266 = arith.constant 0 : i32
      %eq3A_267 = arith.cmpi eq, %jit3A_265, %eq3A_266 : i32
      %jit3A_268 = arith.constant 1 : i32
      %select_n3A_269 = arith.select %eq3A_267, %jit3A_268, %jit3A_265 : i32
      %rem3A_270 = vector.broadcast %select_n3A_269 : i32 to vector<16xi32>
      %rem3A_271 = arith.remsi %select_n3A, %rem3A_270 : vector<16xi32>
      %ne3A_272 = arith.constant 0 : i32
      %ne3A_273 = vector.broadcast %ne3A_272 : i32 to vector<16xi32>
      %ne3A_274 = arith.cmpi ne, %rem3A_271, %ne3A_273 : vector<16xi32>
      %lt3A_275 = arith.constant 0 : i32
      %lt3A_276 = vector.broadcast %lt3A_275 : i32 to vector<16xi32>
      %lt3A_277 = arith.cmpi slt, %rem3A_271, %lt3A_276 : vector<16xi32>
      %lt3A_278 = arith.constant 0 : i32
      %lt3A_279 = arith.cmpi slt, %select_n3A_269, %lt3A_278 : i32
      %ne3A_280 = vector.broadcast %lt3A_279 : i1 to vector<16xi1>
      %ne3A_281 = vector.broadcast %ne3A_280 : vector<16xi1> to vector<16xi1>
      %ne3A_282 = arith.xori %lt3A_277, %ne3A_281 : vector<16xi1>
      %and3A_283 = arith.andi %ne3A_282, %ne3A_274 : vector<16xi1>
      %add3A_284 = vector.broadcast %select_n3A_269 : i32 to vector<16xi32>
      %add3A_285 = arith.addi %rem3A_271, %add3A_284 : vector<16xi32>
      %select_n3A_286 = arith.select %and3A_283, %add3A_285, %rem3A_271 : vector<16xi1>, vector<16xi32>
      tpu.vector_store_idx %arg9[%select_n3A_264, %select_n3A_286], %get3A_182 masked %eq3A_232 : memref<32x8xi32, #tpu.memory_space<vmem>>[vector<16xi32>, vector<16xi32>], vector<16xi32>, vector<16xi1>
      %jit3A_287 = arith.constant 8 : i32
      %div3A_288 = vector.broadcast %jit3A_287 : i32 to vector<16xi32>
      %div3A_289 = arith.divsi %select_n3A, %div3A_288 : vector<16xi32>
      %sign3A_290 = arith.constant 0 : i32
      %sign3A_291 = vector.broadcast %sign3A_290 : i32 to vector<16xi32>
      %sign3A_292 = arith.cmpi sgt, %select_n3A, %sign3A_291 : vector<16xi32>
      %sign3A_293 = arith.extui %sign3A_292 : vector<16xi1> to vector<16xi32>
      %sign3A_294 = arith.constant 0 : i32
      %sign3A_295 = vector.broadcast %sign3A_294 : i32 to vector<16xi32>
      %sign3A_296 = arith.cmpi slt, %select_n3A, %sign3A_295 : vector<16xi32>
      %sign3A_297 = arith.extui %sign3A_296 : vector<16xi1> to vector<16xi32>
      %sign3A_298 = arith.subi %sign3A_293, %sign3A_297 : vector<16xi32>
      %sign3A_299 = arith.constant 0 : i32
      %sign3A_300 = arith.cmpi sgt, %jit3A_287, %sign3A_299 : i32
      %sign3A_301 = arith.extui %sign3A_300 : i1 to i32
      %sign3A_302 = arith.constant 0 : i32
      %sign3A_303 = arith.cmpi slt, %jit3A_287, %sign3A_302 : i32
      %sign3A_304 = arith.extui %sign3A_303 : i1 to i32
      %sign3A_305 = arith.subi %sign3A_301, %sign3A_304 : i32
      %ne3A_306 = vector.broadcast %sign3A_305 : i32 to vector<16xi32>
      %ne3A_307 = arith.cmpi ne, %sign3A_298, %ne3A_306 : vector<16xi32>
      %rem3A_308 = vector.broadcast %jit3A_287 : i32 to vector<16xi32>
      %rem3A_309 = arith.remsi %select_n3A, %rem3A_308 : vector<16xi32>
      %ne3A_310 = arith.constant 0 : i32
      %ne3A_311 = vector.broadcast %ne3A_310 : i32 to vector<16xi32>
      %ne3A_312 = arith.cmpi ne, %rem3A_309, %ne3A_311 : vector<16xi32>
      %and3A_313 = arith.andi %ne3A_307, %ne3A_312 : vector<16xi1>
      %sub3A_314 = arith.constant 1 : i32
      %sub3A_315 = vector.broadcast %sub3A_314 : i32 to vector<16xi32>
      %sub3A_316 = arith.subi %div3A_289, %sub3A_315 : vector<16xi32>
      %select_n3A_317 = arith.select %and3A_313, %sub3A_316, %div3A_289 : vector<16xi1>, vector<16xi32>
      %jit3A_318 = arith.constant 8 : i32
      %eq3A_319 = arith.constant 0 : i32
      %eq3A_320 = arith.cmpi eq, %jit3A_318, %eq3A_319 : i32
      %jit3A_321 = arith.constant 1 : i32
      %select_n3A_322 = arith.select %eq3A_320, %jit3A_321, %jit3A_318 : i32
      %rem3A_323 = vector.broadcast %select_n3A_322 : i32 to vector<16xi32>
      %rem3A_324 = arith.remsi %select_n3A, %rem3A_323 : vector<16xi32>
      %ne3A_325 = arith.constant 0 : i32
      %ne3A_326 = vector.broadcast %ne3A_325 : i32 to vector<16xi32>
      %ne3A_327 = arith.cmpi ne, %rem3A_324, %ne3A_326 : vector<16xi32>
      %lt3A_328 = arith.constant 0 : i32
      %lt3A_329 = vector.broadcast %lt3A_328 : i32 to vector<16xi32>
      %lt3A_330 = arith.cmpi slt, %rem3A_324, %lt3A_329 : vector<16xi32>
      %lt3A_331 = arith.constant 0 : i32
      %lt3A_332 = arith.cmpi slt, %select_n3A_322, %lt3A_331 : i32
      %ne3A_333 = vector.broadcast %lt3A_332 : i1 to vector<16xi1>
      %ne3A_334 = vector.broadcast %ne3A_333 : vector<16xi1> to vector<16xi1>
      %ne3A_335 = arith.xori %lt3A_330, %ne3A_334 : vector<16xi1>
      %and3A_336 = arith.andi %ne3A_335, %ne3A_327 : vector<16xi1>
      %add3A_337 = vector.broadcast %select_n3A_322 : i32 to vector<16xi32>
      %add3A_338 = arith.addi %rem3A_324, %add3A_337 : vector<16xi32>
      %select_n3A_339 = arith.select %and3A_336, %add3A_338, %rem3A_324 : vector<16xi1>, vector<16xi32>
      tpu.vector_store_idx %arg10[%select_n3A_317, %select_n3A_339], %get3A_182 masked %not3A_233 : memref<32x8xi32, #tpu.memory_space<vmem>>[vector<16xi32>, vector<16xi32>], vector<16xi32>, vector<16xi1>
      %jit3A_340 = arith.constant 128 : i32
      %div3A_341 = vector.broadcast %jit3A_340 : i32 to vector<16xi32>
      %div3A_342 = arith.divsi %select_n3A, %div3A_341 : vector<16xi32>
      %sign3A_343 = arith.constant 0 : i32
      %sign3A_344 = vector.broadcast %sign3A_343 : i32 to vector<16xi32>
      %sign3A_345 = arith.cmpi sgt, %select_n3A, %sign3A_344 : vector<16xi32>
      %sign3A_346 = arith.extui %sign3A_345 : vector<16xi1> to vector<16xi32>
      %sign3A_347 = arith.constant 0 : i32
      %sign3A_348 = vector.broadcast %sign3A_347 : i32 to vector<16xi32>
      %sign3A_349 = arith.cmpi slt, %select_n3A, %sign3A_348 : vector<16xi32>
      %sign3A_350 = arith.extui %sign3A_349 : vector<16xi1> to vector<16xi32>
      %sign3A_351 = arith.subi %sign3A_346, %sign3A_350 : vector<16xi32>
      %sign3A_352 = arith.constant 0 : i32
      %sign3A_353 = arith.cmpi sgt, %jit3A_340, %sign3A_352 : i32
      %sign3A_354 = arith.extui %sign3A_353 : i1 to i32
      %sign3A_355 = arith.constant 0 : i32
      %sign3A_356 = arith.cmpi slt, %jit3A_340, %sign3A_355 : i32
      %sign3A_357 = arith.extui %sign3A_356 : i1 to i32
      %sign3A_358 = arith.subi %sign3A_354, %sign3A_357 : i32
      %ne3A_359 = vector.broadcast %sign3A_358 : i32 to vector<16xi32>
      %ne3A_360 = arith.cmpi ne, %sign3A_351, %ne3A_359 : vector<16xi32>
      %rem3A_361 = vector.broadcast %jit3A_340 : i32 to vector<16xi32>
      %rem3A_362 = arith.remsi %select_n3A, %rem3A_361 : vector<16xi32>
      %ne3A_363 = arith.constant 0 : i32
      %ne3A_364 = vector.broadcast %ne3A_363 : i32 to vector<16xi32>
      %ne3A_365 = arith.cmpi ne, %rem3A_362, %ne3A_364 : vector<16xi32>
      %and3A_366 = arith.andi %ne3A_360, %ne3A_365 : vector<16xi1>
      %sub3A_367 = arith.constant 1 : i32
      %sub3A_368 = vector.broadcast %sub3A_367 : i32 to vector<16xi32>
      %sub3A_369 = arith.subi %div3A_342, %sub3A_368 : vector<16xi32>
      %select_n3A_370 = arith.select %and3A_366, %sub3A_369, %div3A_342 : vector<16xi1>, vector<16xi32>
      %jit3A_371 = arith.constant 128 : i32
      %eq3A_372 = arith.constant 0 : i32
      %eq3A_373 = arith.cmpi eq, %jit3A_371, %eq3A_372 : i32
      %jit3A_374 = arith.constant 1 : i32
      %select_n3A_375 = arith.select %eq3A_373, %jit3A_374, %jit3A_371 : i32
      %rem3A_376 = vector.broadcast %select_n3A_375 : i32 to vector<16xi32>
      %rem3A_377 = arith.remsi %select_n3A, %rem3A_376 : vector<16xi32>
      %ne3A_378 = arith.constant 0 : i32
      %ne3A_379 = vector.broadcast %ne3A_378 : i32 to vector<16xi32>
      %ne3A_380 = arith.cmpi ne, %rem3A_377, %ne3A_379 : vector<16xi32>
      %lt3A_381 = arith.constant 0 : i32
      %lt3A_382 = vector.broadcast %lt3A_381 : i32 to vector<16xi32>
      %lt3A_383 = arith.cmpi slt, %rem3A_377, %lt3A_382 : vector<16xi32>
      %lt3A_384 = arith.constant 0 : i32
      %lt3A_385 = arith.cmpi slt, %select_n3A_375, %lt3A_384 : i32
      %ne3A_386 = vector.broadcast %lt3A_385 : i1 to vector<16xi1>
      %ne3A_387 = vector.broadcast %ne3A_386 : vector<16xi1> to vector<16xi1>
      %ne3A_388 = arith.xori %lt3A_383, %ne3A_387 : vector<16xi1>
      %and3A_389 = arith.andi %ne3A_388, %ne3A_380 : vector<16xi1>
      %add3A_390 = vector.broadcast %select_n3A_375 : i32 to vector<16xi32>
      %add3A_391 = arith.addi %rem3A_377, %add3A_390 : vector<16xi32>
      %select_n3A_392 = arith.select %and3A_389, %add3A_391, %rem3A_377 : vector<16xi1>, vector<16xi32>
      tpu.vector_store_idx %arg11[%select_n3A_370, %select_n3A_392], %get3A_182 masked %eq3A_232 : memref<2x128xi32, #tpu.memory_space<vmem>>[vector<16xi32>, vector<16xi32>], vector<16xi32>, vector<16xi1>
      %jit3A_393 = arith.constant 128 : i32
      %div3A_394 = vector.broadcast %jit3A_393 : i32 to vector<16xi32>
      %div3A_395 = arith.divsi %select_n3A, %div3A_394 : vector<16xi32>
      %sign3A_396 = arith.constant 0 : i32
      %sign3A_397 = vector.broadcast %sign3A_396 : i32 to vector<16xi32>
      %sign3A_398 = arith.cmpi sgt, %select_n3A, %sign3A_397 : vector<16xi32>
      %sign3A_399 = arith.extui %sign3A_398 : vector<16xi1> to vector<16xi32>
      %sign3A_400 = arith.constant 0 : i32
      %sign3A_401 = vector.broadcast %sign3A_400 : i32 to vector<16xi32>
      %sign3A_402 = arith.cmpi slt, %select_n3A, %sign3A_401 : vector<16xi32>
      %sign3A_403 = arith.extui %sign3A_402 : vector<16xi1> to vector<16xi32>
      %sign3A_404 = arith.subi %sign3A_399, %sign3A_403 : vector<16xi32>
      %sign3A_405 = arith.constant 0 : i32
      %sign3A_406 = arith.cmpi sgt, %jit3A_393, %sign3A_405 : i32
      %sign3A_407 = arith.extui %sign3A_406 : i1 to i32
      %sign3A_408 = arith.constant 0 : i32
      %sign3A_409 = arith.cmpi slt, %jit3A_393, %sign3A_408 : i32
      %sign3A_410 = arith.extui %sign3A_409 : i1 to i32
      %sign3A_411 = arith.subi %sign3A_407, %sign3A_410 : i32
      %ne3A_412 = vector.broadcast %sign3A_411 : i32 to vector<16xi32>
      %ne3A_413 = arith.cmpi ne, %sign3A_404, %ne3A_412 : vector<16xi32>
      %rem3A_414 = vector.broadcast %jit3A_393 : i32 to vector<16xi32>
      %rem3A_415 = arith.remsi %select_n3A, %rem3A_414 : vector<16xi32>
      %ne3A_416 = arith.constant 0 : i32
      %ne3A_417 = vector.broadcast %ne3A_416 : i32 to vector<16xi32>
      %ne3A_418 = arith.cmpi ne, %rem3A_415, %ne3A_417 : vector<16xi32>
      %and3A_419 = arith.andi %ne3A_413, %ne3A_418 : vector<16xi1>
      %sub3A_420 = arith.constant 1 : i32
      %sub3A_421 = vector.broadcast %sub3A_420 : i32 to vector<16xi32>
      %sub3A_422 = arith.subi %div3A_395, %sub3A_421 : vector<16xi32>
      %select_n3A_423 = arith.select %and3A_419, %sub3A_422, %div3A_395 : vector<16xi1>, vector<16xi32>
      %jit3A_424 = arith.constant 128 : i32
      %eq3A_425 = arith.constant 0 : i32
      %eq3A_426 = arith.cmpi eq, %jit3A_424, %eq3A_425 : i32
      %jit3A_427 = arith.constant 1 : i32
      %select_n3A_428 = arith.select %eq3A_426, %jit3A_427, %jit3A_424 : i32
      %rem3A_429 = vector.broadcast %select_n3A_428 : i32 to vector<16xi32>
      %rem3A_430 = arith.remsi %select_n3A, %rem3A_429 : vector<16xi32>
      %ne3A_431 = arith.constant 0 : i32
      %ne3A_432 = vector.broadcast %ne3A_431 : i32 to vector<16xi32>
      %ne3A_433 = arith.cmpi ne, %rem3A_430, %ne3A_432 : vector<16xi32>
      %lt3A_434 = arith.constant 0 : i32
      %lt3A_435 = vector.broadcast %lt3A_434 : i32 to vector<16xi32>
      %lt3A_436 = arith.cmpi slt, %rem3A_430, %lt3A_435 : vector<16xi32>
      %lt3A_437 = arith.constant 0 : i32
      %lt3A_438 = arith.cmpi slt, %select_n3A_428, %lt3A_437 : i32
      %ne3A_439 = vector.broadcast %lt3A_438 : i1 to vector<16xi1>
      %ne3A_440 = vector.broadcast %ne3A_439 : vector<16xi1> to vector<16xi1>
      %ne3A_441 = arith.xori %lt3A_436, %ne3A_440 : vector<16xi1>
      %and3A_442 = arith.andi %ne3A_441, %ne3A_433 : vector<16xi1>
      %add3A_443 = vector.broadcast %select_n3A_428 : i32 to vector<16xi32>
      %add3A_444 = arith.addi %rem3A_430, %add3A_443 : vector<16xi32>
      %select_n3A_445 = arith.select %and3A_442, %add3A_444, %rem3A_430 : vector<16xi1>, vector<16xi32>
      tpu.vector_store_idx %arg12[%select_n3A_423, %select_n3A_445], %get3A_182 masked %not3A_233 : memref<2x128xi32, #tpu.memory_space<vmem>>[vector<16xi32>, vector<16xi32>], vector<16xi32>, vector<16xi1>
      %scan3A_446 = arith.constant 0 : i32
      scf.yield %scan3A_446 : i32
    }
    %scan3A_10 = arith.constant 32 : i32
    %dma_start3A = arith.constant 0 : i32
    %dma_start3A_11 = arith.constant 0 : i32
    %dma_start3A_12 = tpu.memref_slice %arg8[%dma_start3A_11] : memref<256xf32, #tpu.memory_space<vmem>> -> memref<128xf32, #tpu.memory_space<vmem>>
    %dma_start3A_13 = arith.constant 0 : i32
    %dma_start3A_14 = tpu.memref_slice %arg11[%dma_start3A, %dma_start3A_13] : memref<2x128xi32, #tpu.memory_space<vmem>> -> memref<1x128xi32, #tpu.memory_space<vmem>>
    %dma_start3A_15 = tpu.memref_squeeze %dma_start3A_14 : memref<1x128xi32, #tpu.memory_space<vmem>> -> memref<128xi32, #tpu.memory_space<vmem>>
    %dma_start3A_16 = arith.constant 0 : i32
    %dma_start3A_17 = tpu.memref_slice %arg6[%dma_start3A_16] : memref<16384xf32, #tpu.memory_space<hbm>> -> memref<16384xf32, #tpu.memory_space<hbm>>
    tpu.enqueue_indirect_dma source(%dma_start3A_12 : memref<128xf32, #tpu.memory_space<vmem>>) target(%dma_start3A_17 : memref<16384xf32, #tpu.memory_space<hbm>>) offsets(%dma_start3A_15 : memref<128xi32, #tpu.memory_space<vmem>>) semaphore(%arg18 : memref<!tpu.dma_semaphore, #tpu.memory_space<semaphore_mem>>)
    %dma_start3A_18 = arith.constant 0 : i32
    %dma_start3A_19 = arith.constant 0 : i32
    %dma_start3A_20 = tpu.memref_slice %arg8[%dma_start3A_19] : memref<256xf32, #tpu.memory_space<vmem>> -> memref<128xf32, #tpu.memory_space<vmem>>
    %dma_start3A_21 = arith.constant 0 : i32
    %dma_start3A_22 = tpu.memref_slice %arg12[%dma_start3A_18, %dma_start3A_21] : memref<2x128xi32, #tpu.memory_space<vmem>> -> memref<1x128xi32, #tpu.memory_space<vmem>>
    %dma_start3A_23 = tpu.memref_squeeze %dma_start3A_22 : memref<1x128xi32, #tpu.memory_space<vmem>> -> memref<128xi32, #tpu.memory_space<vmem>>
    %dma_start3A_24 = arith.constant 0 : i32
    %dma_start3A_25 = tpu.memref_slice %arg6[%dma_start3A_24] : memref<16384xf32, #tpu.memory_space<hbm>> -> memref<16384xf32, #tpu.memory_space<hbm>>
    tpu.enqueue_indirect_dma source(%dma_start3A_20 : memref<128xf32, #tpu.memory_space<vmem>>) target(%dma_start3A_25 : memref<16384xf32, #tpu.memory_space<hbm>>) offsets(%dma_start3A_23 : memref<128xi32, #tpu.memory_space<vmem>>) semaphore(%arg18 : memref<!tpu.dma_semaphore, #tpu.memory_space<semaphore_mem>>)
    %dma_start3A_26 = arith.constant 1 : i32
    %dma_start3A_27 = arith.constant 128 : i32
    %dma_start3A_28 = tpu.memref_slice %arg8[%dma_start3A_27] : memref<256xf32, #tpu.memory_space<vmem>> -> memref<128xf32, #tpu.memory_space<vmem>>
    %dma_start3A_29 = arith.constant 0 : i32
    %dma_start3A_30 = tpu.memref_slice %arg11[%dma_start3A_26, %dma_start3A_29] : memref<2x128xi32, #tpu.memory_space<vmem>> -> memref<1x128xi32, #tpu.memory_space<vmem>>
    %dma_start3A_31 = tpu.memref_squeeze %dma_start3A_30 : memref<1x128xi32, #tpu.memory_space<vmem>> -> memref<128xi32, #tpu.memory_space<vmem>>
    %dma_start3A_32 = arith.constant 0 : i32
    %dma_start3A_33 = tpu.memref_slice %arg6[%dma_start3A_32] : memref<16384xf32, #tpu.memory_space<hbm>> -> memref<16384xf32, #tpu.memory_space<hbm>>
    tpu.enqueue_indirect_dma source(%dma_start3A_28 : memref<128xf32, #tpu.memory_space<vmem>>) target(%dma_start3A_33 : memref<16384xf32, #tpu.memory_space<hbm>>) offsets(%dma_start3A_31 : memref<128xi32, #tpu.memory_space<vmem>>) semaphore(%arg18 : memref<!tpu.dma_semaphore, #tpu.memory_space<semaphore_mem>>)
    %dma_start3A_34 = arith.constant 1 : i32
    %dma_start3A_35 = arith.constant 128 : i32
    %dma_start3A_36 = tpu.memref_slice %arg8[%dma_start3A_35] : memref<256xf32, #tpu.memory_space<vmem>> -> memref<128xf32, #tpu.memory_space<vmem>>
    %dma_start3A_37 = arith.constant 0 : i32
    %dma_start3A_38 = tpu.memref_slice %arg12[%dma_start3A_34, %dma_start3A_37] : memref<2x128xi32, #tpu.memory_space<vmem>> -> memref<1x128xi32, #tpu.memory_space<vmem>>
    %dma_start3A_39 = tpu.memref_squeeze %dma_start3A_38 : memref<1x128xi32, #tpu.memory_space<vmem>> -> memref<128xi32, #tpu.memory_space<vmem>>
    %dma_start3A_40 = arith.constant 0 : i32
    %dma_start3A_41 = tpu.memref_slice %arg6[%dma_start3A_40] : memref<16384xf32, #tpu.memory_space<hbm>> -> memref<16384xf32, #tpu.memory_space<hbm>>
    tpu.enqueue_indirect_dma source(%dma_start3A_36 : memref<128xf32, #tpu.memory_space<vmem>>) target(%dma_start3A_41 : memref<16384xf32, #tpu.memory_space<hbm>>) offsets(%dma_start3A_39 : memref<128xi32, #tpu.memory_space<vmem>>) semaphore(%arg18 : memref<!tpu.dma_semaphore, #tpu.memory_space<semaphore_mem>>)
    %add3A_42 = arith.constant 0 : i32
    %add3A_43 = arith.addi %mul3A_4, %add3A_42 : i32
    %dma_start3A_44 = arith.constant 0 : i32
    %dma_start3A_45 = tpu.memref_slice %arg2[%add3A_43, %dma_start3A_44] : memref<8192x4096xf32, #tpu.memory_space<hbm>> -> memref<8x4096xf32, #tpu.memory_space<hbm>>
    %dma_start3A_46 = arith.constant 0 : i32
    %dma_start3A_47 = tpu.memref_slice %arg2[%add3A_43, %dma_start3A_46] : memref<8192x4096xf32, #tpu.memory_space<hbm>> -> memref<8x4096xf32, #tpu.memory_space<hbm>>
    tpu.enqueue_dma source(%dma_start3A_47 : memref<8x4096xf32, #tpu.memory_space<hbm>>) target(%arg13 : memref<8x4096xf32, #tpu.memory_space<vmem>>) target_semaphore(%arg16 : memref<!tpu.dma_semaphore, #tpu.memory_space<semaphore_mem>>)
    %add3A_48 = arith.constant 8 : i32
    %add3A_49 = arith.addi %mul3A_4, %add3A_48 : i32
    %dma_start3A_50 = arith.constant 0 : i32
    %dma_start3A_51 = tpu.memref_slice %arg2[%add3A_49, %dma_start3A_50] : memref<8192x4096xf32, #tpu.memory_space<hbm>> -> memref<8x4096xf32, #tpu.memory_space<hbm>>
    %dma_start3A_52 = arith.constant 0 : i32
    %dma_start3A_53 = tpu.memref_slice %arg2[%add3A_49, %dma_start3A_52] : memref<8192x4096xf32, #tpu.memory_space<hbm>> -> memref<8x4096xf32, #tpu.memory_space<hbm>>
    tpu.enqueue_dma source(%dma_start3A_53 : memref<8x4096xf32, #tpu.memory_space<hbm>>) target(%arg14 : memref<8x4096xf32, #tpu.memory_space<vmem>>) target_semaphore(%arg16 : memref<!tpu.dma_semaphore, #tpu.memory_space<semaphore_mem>>)
    %add3A_54 = arith.constant 16 : i32
    %add3A_55 = arith.addi %mul3A_4, %add3A_54 : i32
    %dma_start3A_56 = arith.constant 0 : i32
    %dma_start3A_57 = tpu.memref_slice %arg2[%add3A_55, %dma_start3A_56] : memref<8192x4096xf32, #tpu.memory_space<hbm>> -> memref<8x4096xf32, #tpu.memory_space<hbm>>
    %dma_start3A_58 = arith.constant 0 : i32
    %dma_start3A_59 = tpu.memref_slice %arg2[%add3A_55, %dma_start3A_58] : memref<8192x4096xf32, #tpu.memory_space<hbm>> -> memref<8x4096xf32, #tpu.memory_space<hbm>>
    tpu.enqueue_dma source(%dma_start3A_59 : memref<8x4096xf32, #tpu.memory_space<hbm>>) target(%arg15 : memref<8x4096xf32, #tpu.memory_space<vmem>>) target_semaphore(%arg16 : memref<!tpu.dma_semaphore, #tpu.memory_space<semaphore_mem>>)
    %scan3A_60 = arith.constant 0 : i32
    %scan3A_61 = arith.constant 10 : i32
    %scan3A_62 = arith.addi %scan3A_60, %scan3A_61 : i32
    %scan3A_63 = arith.constant 1 : i32
    scf.for %scan3A_178 = %scan3A_60 to %scan3A_62 step %scan3A_63  : i32 {
      %mul3A_179 = arith.constant 3 : i32
      %mul3A_180 = arith.muli %scan3A_178, %mul3A_179 : i32
      %add3A_181 = arith.constant 0 : i32
      %add3A_182 = arith.addi %add3A_181, %mul3A_180 : i32
      %add3A_183 = arith.constant 0 : i32
      %add3A_184 = arith.addi %add3A_182, %add3A_183 : i32
      %mul3A_185 = arith.constant 8 : i32
      %mul3A_186 = arith.muli %add3A_184, %mul3A_185 : i32
      %add3A_187 = arith.addi %mul3A_4, %mul3A_186 : i32
      %dma_wait3A_188 = arith.constant 0 : i32
      %dma_wait3A_189 = tpu.memref_slice %arg2[%add3A_187, %dma_wait3A_188] : memref<8192x4096xf32, #tpu.memory_space<hbm>> -> memref<8x4096xf32, #tpu.memory_space<hbm>>
      %dma_wait3A_190 = arith.constant 0 : i32
      %dma_wait3A_191 = tpu.memref_slice %arg2[%add3A_187, %dma_wait3A_190] : memref<8192x4096xf32, #tpu.memory_space<hbm>> -> memref<8x4096xf32, #tpu.memory_space<hbm>>
      tpu.wait_dma2 semaphore(%arg16 : memref<!tpu.dma_semaphore, #tpu.memory_space<semaphore_mem>>) src(%dma_wait3A_191 : memref<8x4096xf32, #tpu.memory_space<hbm>>) dst(%arg13 : memref<8x4096xf32, #tpu.memory_space<vmem>>)
      %dma_start3A_192 = arith.constant 0 : i32
      %dma_start3A_193 = tpu.memref_slice %arg9[%add3A_184, %dma_start3A_192] : memref<32x8xi32, #tpu.memory_space<vmem>> -> memref<1x8xi32, #tpu.memory_space<vmem>>
      %dma_start3A_194 = tpu.memref_squeeze %dma_start3A_193 : memref<1x8xi32, #tpu.memory_space<vmem>> -> memref<8xi32, #tpu.memory_space<vmem>>
      %dma_start3A_195 = arith.constant 0 : i32
      %dma_start3A_196 = arith.constant 0 : i32
      %dma_start3A_197 = tpu.memref_slice %arg5[%dma_start3A_195, %dma_start3A_196] : memref<16384x4096xf32, #tpu.memory_space<hbm>> -> memref<16384x4096xf32, #tpu.memory_space<hbm>>
      tpu.enqueue_indirect_dma source(%arg13 : memref<8x4096xf32, #tpu.memory_space<vmem>>) target(%dma_start3A_197 : memref<16384x4096xf32, #tpu.memory_space<hbm>>) offsets(%dma_start3A_194 : memref<8xi32, #tpu.memory_space<vmem>>) semaphore(%arg17 : memref<!tpu.dma_semaphore, #tpu.memory_space<semaphore_mem>>)
      %dma_start3A_198 = arith.constant 0 : i32
      %dma_start3A_199 = tpu.memref_slice %arg10[%add3A_184, %dma_start3A_198] : memref<32x8xi32, #tpu.memory_space<vmem>> -> memref<1x8xi32, #tpu.memory_space<vmem>>
      %dma_start3A_200 = tpu.memref_squeeze %dma_start3A_199 : memref<1x8xi32, #tpu.memory_space<vmem>> -> memref<8xi32, #tpu.memory_space<vmem>>
      %dma_start3A_201 = arith.constant 0 : i32
      %dma_start3A_202 = arith.constant 0 : i32
      %dma_start3A_203 = tpu.memref_slice %arg5[%dma_start3A_201, %dma_start3A_202] : memref<16384x4096xf32, #tpu.memory_space<hbm>> -> memref<16384x4096xf32, #tpu.memory_space<hbm>>
      tpu.enqueue_indirect_dma source(%arg13 : memref<8x4096xf32, #tpu.memory_space<vmem>>) target(%dma_start3A_203 : memref<16384x4096xf32, #tpu.memory_space<hbm>>) offsets(%dma_start3A_200 : memref<8xi32, #tpu.memory_space<vmem>>) semaphore(%arg17 : memref<!tpu.dma_semaphore, #tpu.memory_space<semaphore_mem>>)
      %add3A_204 = arith.constant 3 : i32
      %add3A_205 = arith.addi %add3A_184, %add3A_204 : i32
      %lt3A = arith.constant 32 : i32
      %lt3A_206 = arith.cmpi slt, %add3A_205, %lt3A : i32
      %convert_element_type3A = arith.extui %lt3A_206 : i1 to i32
      %cond3A = arith.constant 0 : i32
      %cond3A_207 = arith.cmpi ne, %convert_element_type3A, %cond3A : i32
      scf.if %cond3A_207 {
        %dma_wait3A_264 = arith.constant 0 : i32
        %dma_wait3A_265 = tpu.memref_slice %arg9[%add3A_184, %dma_wait3A_264] : memref<32x8xi32, #tpu.memory_space<vmem>> -> memref<1x8xi32, #tpu.memory_space<vmem>>
        %dma_wait3A_266 = tpu.memref_squeeze %dma_wait3A_265 : memref<1x8xi32, #tpu.memory_space<vmem>> -> memref<8xi32, #tpu.memory_space<vmem>>
        %dma_wait3A_267 = arith.constant 0 : i32
        %dma_wait3A_268 = arith.constant 0 : i32
        %dma_wait3A_269 = tpu.memref_slice %arg5[%dma_wait3A_267, %dma_wait3A_268] : memref<16384x4096xf32, #tpu.memory_space<hbm>> -> memref<16384x4096xf32, #tpu.memory_space<hbm>>
        tpu.wait_indirect_dma semaphore(%arg17 : memref<!tpu.dma_semaphore, #tpu.memory_space<semaphore_mem>>) src(%arg13 : memref<8x4096xf32, #tpu.memory_space<vmem>>) dst(%dma_wait3A_269 : memref<16384x4096xf32, #tpu.memory_space<hbm>>)
        %dma_wait3A_270 = arith.constant 0 : i32
        %dma_wait3A_271 = tpu.memref_slice %arg10[%add3A_184, %dma_wait3A_270] : memref<32x8xi32, #tpu.memory_space<vmem>> -> memref<1x8xi32, #tpu.memory_space<vmem>>
        %dma_wait3A_272 = tpu.memref_squeeze %dma_wait3A_271 : memref<1x8xi32, #tpu.memory_space<vmem>> -> memref<8xi32, #tpu.memory_space<vmem>>
        %dma_wait3A_273 = arith.constant 0 : i32
        %dma_wait3A_274 = arith.constant 0 : i32
        %dma_wait3A_275 = tpu.memref_slice %arg5[%dma_wait3A_273, %dma_wait3A_274] : memref<16384x4096xf32, #tpu.memory_space<hbm>> -> memref<16384x4096xf32, #tpu.memory_space<hbm>>
        tpu.wait_indirect_dma semaphore(%arg17 : memref<!tpu.dma_semaphore, #tpu.memory_space<semaphore_mem>>) src(%arg13 : memref<8x4096xf32, #tpu.memory_space<vmem>>) dst(%dma_wait3A_275 : memref<16384x4096xf32, #tpu.memory_space<hbm>>)
        %add3A_276 = arith.constant 3 : i32
        %add3A_277 = arith.addi %add3A_184, %add3A_276 : i32
        %mul3A_278 = arith.constant 8 : i32
        %mul3A_279 = arith.muli %add3A_277, %mul3A_278 : i32
        %add3A_280 = arith.addi %mul3A_4, %mul3A_279 : i32
        %dma_start3A_281 = arith.constant 0 : i32
        %dma_start3A_282 = tpu.memref_slice %arg2[%add3A_280, %dma_start3A_281] : memref<8192x4096xf32, #tpu.memory_space<hbm>> -> memref<8x4096xf32, #tpu.memory_space<hbm>>
        %dma_start3A_283 = arith.constant 0 : i32
        %dma_start3A_284 = tpu.memref_slice %arg2[%add3A_280, %dma_start3A_283] : memref<8192x4096xf32, #tpu.memory_space<hbm>> -> memref<8x4096xf32, #tpu.memory_space<hbm>>
        tpu.enqueue_dma source(%dma_start3A_284 : memref<8x4096xf32, #tpu.memory_space<hbm>>) target(%arg13 : memref<8x4096xf32, #tpu.memory_space<vmem>>) target_semaphore(%arg16 : memref<!tpu.dma_semaphore, #tpu.memory_space<semaphore_mem>>)
      } else {
      }
      %add3A_208 = arith.constant 1 : i32
      %add3A_209 = arith.addi %add3A_182, %add3A_208 : i32
      %mul3A_210 = arith.constant 8 : i32
      %mul3A_211 = arith.muli %add3A_209, %mul3A_210 : i32
      %add3A_212 = arith.addi %mul3A_4, %mul3A_211 : i32
      %dma_wait3A_213 = arith.constant 0 : i32
      %dma_wait3A_214 = tpu.memref_slice %arg2[%add3A_212, %dma_wait3A_213] : memref<8192x4096xf32, #tpu.memory_space<hbm>> -> memref<8x4096xf32, #tpu.memory_space<hbm>>
      %dma_wait3A_215 = arith.constant 0 : i32
      %dma_wait3A_216 = tpu.memref_slice %arg2[%add3A_212, %dma_wait3A_215] : memref<8192x4096xf32, #tpu.memory_space<hbm>> -> memref<8x4096xf32, #tpu.memory_space<hbm>>
      tpu.wait_dma2 semaphore(%arg16 : memref<!tpu.dma_semaphore, #tpu.memory_space<semaphore_mem>>) src(%dma_wait3A_216 : memref<8x4096xf32, #tpu.memory_space<hbm>>) dst(%arg14 : memref<8x4096xf32, #tpu.memory_space<vmem>>)
      %dma_start3A_217 = arith.constant 0 : i32
      %dma_start3A_218 = tpu.memref_slice %arg9[%add3A_209, %dma_start3A_217] : memref<32x8xi32, #tpu.memory_space<vmem>> -> memref<1x8xi32, #tpu.memory_space<vmem>>
      %dma_start3A_219 = tpu.memref_squeeze %dma_start3A_218 : memref<1x8xi32, #tpu.memory_space<vmem>> -> memref<8xi32, #tpu.memory_space<vmem>>
      %dma_start3A_220 = arith.constant 0 : i32
      %dma_start3A_221 = arith.constant 0 : i32
      %dma_start3A_222 = tpu.memref_slice %arg5[%dma_start3A_220, %dma_start3A_221] : memref<16384x4096xf32, #tpu.memory_space<hbm>> -> memref<16384x4096xf32, #tpu.memory_space<hbm>>
      tpu.enqueue_indirect_dma source(%arg14 : memref<8x4096xf32, #tpu.memory_space<vmem>>) target(%dma_start3A_222 : memref<16384x4096xf32, #tpu.memory_space<hbm>>) offsets(%dma_start3A_219 : memref<8xi32, #tpu.memory_space<vmem>>) semaphore(%arg17 : memref<!tpu.dma_semaphore, #tpu.memory_space<semaphore_mem>>)
      %dma_start3A_223 = arith.constant 0 : i32
      %dma_start3A_224 = tpu.memref_slice %arg10[%add3A_209, %dma_start3A_223] : memref<32x8xi32, #tpu.memory_space<vmem>> -> memref<1x8xi32, #tpu.memory_space<vmem>>
      %dma_start3A_225 = tpu.memref_squeeze %dma_start3A_224 : memref<1x8xi32, #tpu.memory_space<vmem>> -> memref<8xi32, #tpu.memory_space<vmem>>
      %dma_start3A_226 = arith.constant 0 : i32
      %dma_start3A_227 = arith.constant 0 : i32
      %dma_start3A_228 = tpu.memref_slice %arg5[%dma_start3A_226, %dma_start3A_227] : memref<16384x4096xf32, #tpu.memory_space<hbm>> -> memref<16384x4096xf32, #tpu.memory_space<hbm>>
      tpu.enqueue_indirect_dma source(%arg14 : memref<8x4096xf32, #tpu.memory_space<vmem>>) target(%dma_start3A_228 : memref<16384x4096xf32, #tpu.memory_space<hbm>>) offsets(%dma_start3A_225 : memref<8xi32, #tpu.memory_space<vmem>>) semaphore(%arg17 : memref<!tpu.dma_semaphore, #tpu.memory_space<semaphore_mem>>)
      %add3A_229 = arith.constant 3 : i32
      %add3A_230 = arith.addi %add3A_209, %add3A_229 : i32
      %lt3A_231 = arith.constant 32 : i32
      %lt3A_232 = arith.cmpi slt, %add3A_230, %lt3A_231 : i32
      %convert_element_type3A_233 = arith.extui %lt3A_232 : i1 to i32
      %cond3A_234 = arith.constant 0 : i32
      %cond3A_235 = arith.cmpi ne, %convert_element_type3A_233, %cond3A_234 : i32
      scf.if %cond3A_235 {
        %dma_wait3A_264 = arith.constant 0 : i32
        %dma_wait3A_265 = tpu.memref_slice %arg9[%add3A_209, %dma_wait3A_264] : memref<32x8xi32, #tpu.memory_space<vmem>> -> memref<1x8xi32, #tpu.memory_space<vmem>>
        %dma_wait3A_266 = tpu.memref_squeeze %dma_wait3A_265 : memref<1x8xi32, #tpu.memory_space<vmem>> -> memref<8xi32, #tpu.memory_space<vmem>>
        %dma_wait3A_267 = arith.constant 0 : i32
        %dma_wait3A_268 = arith.constant 0 : i32
        %dma_wait3A_269 = tpu.memref_slice %arg5[%dma_wait3A_267, %dma_wait3A_268] : memref<16384x4096xf32, #tpu.memory_space<hbm>> -> memref<16384x4096xf32, #tpu.memory_space<hbm>>
        tpu.wait_indirect_dma semaphore(%arg17 : memref<!tpu.dma_semaphore, #tpu.memory_space<semaphore_mem>>) src(%arg14 : memref<8x4096xf32, #tpu.memory_space<vmem>>) dst(%dma_wait3A_269 : memref<16384x4096xf32, #tpu.memory_space<hbm>>)
        %dma_wait3A_270 = arith.constant 0 : i32
        %dma_wait3A_271 = tpu.memref_slice %arg10[%add3A_209, %dma_wait3A_270] : memref<32x8xi32, #tpu.memory_space<vmem>> -> memref<1x8xi32, #tpu.memory_space<vmem>>
        %dma_wait3A_272 = tpu.memref_squeeze %dma_wait3A_271 : memref<1x8xi32, #tpu.memory_space<vmem>> -> memref<8xi32, #tpu.memory_space<vmem>>
        %dma_wait3A_273 = arith.constant 0 : i32
        %dma_wait3A_274 = arith.constant 0 : i32
        %dma_wait3A_275 = tpu.memref_slice %arg5[%dma_wait3A_273, %dma_wait3A_274] : memref<16384x4096xf32, #tpu.memory_space<hbm>> -> memref<16384x4096xf32, #tpu.memory_space<hbm>>
        tpu.wait_indirect_dma semaphore(%arg17 : memref<!tpu.dma_semaphore, #tpu.memory_space<semaphore_mem>>) src(%arg14 : memref<8x4096xf32, #tpu.memory_space<vmem>>) dst(%dma_wait3A_275 : memref<16384x4096xf32, #tpu.memory_space<hbm>>)
        %add3A_276 = arith.constant 3 : i32
        %add3A_277 = arith.addi %add3A_209, %add3A_276 : i32
        %mul3A_278 = arith.constant 8 : i32
        %mul3A_279 = arith.muli %add3A_277, %mul3A_278 : i32
        %add3A_280 = arith.addi %mul3A_4, %mul3A_279 : i32
        %dma_start3A_281 = arith.constant 0 : i32
        %dma_start3A_282 = tpu.memref_slice %arg2[%add3A_280, %dma_start3A_281] : memref<8192x4096xf32, #tpu.memory_space<hbm>> -> memref<8x4096xf32, #tpu.memory_space<hbm>>
        %dma_start3A_283 = arith.constant 0 : i32
        %dma_start3A_284 = tpu.memref_slice %arg2[%add3A_280, %dma_start3A_283] : memref<8192x4096xf32, #tpu.memory_space<hbm>> -> memref<8x4096xf32, #tpu.memory_space<hbm>>
        tpu.enqueue_dma source(%dma_start3A_284 : memref<8x4096xf32, #tpu.memory_space<hbm>>) target(%arg14 : memref<8x4096xf32, #tpu.memory_space<vmem>>) target_semaphore(%arg16 : memref<!tpu.dma_semaphore, #tpu.memory_space<semaphore_mem>>)
      } else {
      }
      %add3A_236 = arith.constant 2 : i32
      %add3A_237 = arith.addi %add3A_182, %add3A_236 : i32
      %mul3A_238 = arith.constant 8 : i32
      %mul3A_239 = arith.muli %add3A_237, %mul3A_238 : i32
      %add3A_240 = arith.addi %mul3A_4, %mul3A_239 : i32
      %dma_wait3A_241 = arith.constant 0 : i32
      %dma_wait3A_242 = tpu.memref_slice %arg2[%add3A_240, %dma_wait3A_241] : memref<8192x4096xf32, #tpu.memory_space<hbm>> -> memref<8x4096xf32, #tpu.memory_space<hbm>>
      %dma_wait3A_243 = arith.constant 0 : i32
      %dma_wait3A_244 = tpu.memref_slice %arg2[%add3A_240, %dma_wait3A_243] : memref<8192x4096xf32, #tpu.memory_space<hbm>> -> memref<8x4096xf32, #tpu.memory_space<hbm>>
      tpu.wait_dma2 semaphore(%arg16 : memref<!tpu.dma_semaphore, #tpu.memory_space<semaphore_mem>>) src(%dma_wait3A_244 : memref<8x4096xf32, #tpu.memory_space<hbm>>) dst(%arg15 : memref<8x4096xf32, #tpu.memory_space<vmem>>)
      %dma_start3A_245 = arith.constant 0 : i32
      %dma_start3A_246 = tpu.memref_slice %arg9[%add3A_237, %dma_start3A_245] : memref<32x8xi32, #tpu.memory_space<vmem>> -> memref<1x8xi32, #tpu.memory_space<vmem>>
      %dma_start3A_247 = tpu.memref_squeeze %dma_start3A_246 : memref<1x8xi32, #tpu.memory_space<vmem>> -> memref<8xi32, #tpu.memory_space<vmem>>
      %dma_start3A_248 = arith.constant 0 : i32
      %dma_start3A_249 = arith.constant 0 : i32
      %dma_start3A_250 = tpu.memref_slice %arg5[%dma_start3A_248, %dma_start3A_249] : memref<16384x4096xf32, #tpu.memory_space<hbm>> -> memref<16384x4096xf32, #tpu.memory_space<hbm>>
      tpu.enqueue_indirect_dma source(%arg15 : memref<8x4096xf32, #tpu.memory_space<vmem>>) target(%dma_start3A_250 : memref<16384x4096xf32, #tpu.memory_space<hbm>>) offsets(%dma_start3A_247 : memref<8xi32, #tpu.memory_space<vmem>>) semaphore(%arg17 : memref<!tpu.dma_semaphore, #tpu.memory_space<semaphore_mem>>)
      %dma_start3A_251 = arith.constant 0 : i32
      %dma_start3A_252 = tpu.memref_slice %arg10[%add3A_237, %dma_start3A_251] : memref<32x8xi32, #tpu.memory_space<vmem>> -> memref<1x8xi32, #tpu.memory_space<vmem>>
      %dma_start3A_253 = tpu.memref_squeeze %dma_start3A_252 : memref<1x8xi32, #tpu.memory_space<vmem>> -> memref<8xi32, #tpu.memory_space<vmem>>
      %dma_start3A_254 = arith.constant 0 : i32
      %dma_start3A_255 = arith.constant 0 : i32
      %dma_start3A_256 = tpu.memref_slice %arg5[%dma_start3A_254, %dma_start3A_255] : memref<16384x4096xf32, #tpu.memory_space<hbm>> -> memref<16384x4096xf32, #tpu.memory_space<hbm>>
      tpu.enqueue_indirect_dma source(%arg15 : memref<8x4096xf32, #tpu.memory_space<vmem>>) target(%dma_start3A_256 : memref<16384x4096xf32, #tpu.memory_space<hbm>>) offsets(%dma_start3A_253 : memref<8xi32, #tpu.memory_space<vmem>>) semaphore(%arg17 : memref<!tpu.dma_semaphore, #tpu.memory_space<semaphore_mem>>)
      %add3A_257 = arith.constant 3 : i32
      %add3A_258 = arith.addi %add3A_237, %add3A_257 : i32
      %lt3A_259 = arith.constant 32 : i32
      %lt3A_260 = arith.cmpi slt, %add3A_258, %lt3A_259 : i32
      %convert_element_type3A_261 = arith.extui %lt3A_260 : i1 to i32
      %cond3A_262 = arith.constant 0 : i32
      %cond3A_263 = arith.cmpi ne, %convert_element_type3A_261, %cond3A_262 : i32
      scf.if %cond3A_263 {
        %dma_wait3A_264 = arith.constant 0 : i32
        %dma_wait3A_265 = tpu.memref_slice %arg9[%add3A_237, %dma_wait3A_264] : memref<32x8xi32, #tpu.memory_space<vmem>> -> memref<1x8xi32, #tpu.memory_space<vmem>>
        %dma_wait3A_266 = tpu.memref_squeeze %dma_wait3A_265 : memref<1x8xi32, #tpu.memory_space<vmem>> -> memref<8xi32, #tpu.memory_space<vmem>>
        %dma_wait3A_267 = arith.constant 0 : i32
        %dma_wait3A_268 = arith.constant 0 : i32
        %dma_wait3A_269 = tpu.memref_slice %arg5[%dma_wait3A_267, %dma_wait3A_268] : memref<16384x4096xf32, #tpu.memory_space<hbm>> -> memref<16384x4096xf32, #tpu.memory_space<hbm>>
        tpu.wait_indirect_dma semaphore(%arg17 : memref<!tpu.dma_semaphore, #tpu.memory_space<semaphore_mem>>) src(%arg15 : memref<8x4096xf32, #tpu.memory_space<vmem>>) dst(%dma_wait3A_269 : memref<16384x4096xf32, #tpu.memory_space<hbm>>)
        %dma_wait3A_270 = arith.constant 0 : i32
        %dma_wait3A_271 = tpu.memref_slice %arg10[%add3A_237, %dma_wait3A_270] : memref<32x8xi32, #tpu.memory_space<vmem>> -> memref<1x8xi32, #tpu.memory_space<vmem>>
        %dma_wait3A_272 = tpu.memref_squeeze %dma_wait3A_271 : memref<1x8xi32, #tpu.memory_space<vmem>> -> memref<8xi32, #tpu.memory_space<vmem>>
        %dma_wait3A_273 = arith.constant 0 : i32
        %dma_wait3A_274 = arith.constant 0 : i32
        %dma_wait3A_275 = tpu.memref_slice %arg5[%dma_wait3A_273, %dma_wait3A_274] : memref<16384x4096xf32, #tpu.memory_space<hbm>> -> memref<16384x4096xf32, #tpu.memory_space<hbm>>
        tpu.wait_indirect_dma semaphore(%arg17 : memref<!tpu.dma_semaphore, #tpu.memory_space<semaphore_mem>>) src(%arg15 : memref<8x4096xf32, #tpu.memory_space<vmem>>) dst(%dma_wait3A_275 : memref<16384x4096xf32, #tpu.memory_space<hbm>>)
        %add3A_276 = arith.constant 3 : i32
        %add3A_277 = arith.addi %add3A_237, %add3A_276 : i32
        %mul3A_278 = arith.constant 8 : i32
        %mul3A_279 = arith.muli %add3A_277, %mul3A_278 : i32
        %add3A_280 = arith.addi %mul3A_4, %mul3A_279 : i32
        %dma_start3A_281 = arith.constant 0 : i32
        %dma_start3A_282 = tpu.memref_slice %arg2[%add3A_280, %dma_start3A_281] : memref<8192x4096xf32, #tpu.memory_space<hbm>> -> memref<8x4096xf32, #tpu.memory_space<hbm>>
        %dma_start3A_283 = arith.constant 0 : i32
        %dma_start3A_284 = tpu.memref_slice %arg2[%add3A_280, %dma_start3A_283] : memref<8192x4096xf32, #tpu.memory_space<hbm>> -> memref<8x4096xf32, #tpu.memory_space<hbm>>
        tpu.enqueue_dma source(%dma_start3A_284 : memref<8x4096xf32, #tpu.memory_space<hbm>>) target(%arg15 : memref<8x4096xf32, #tpu.memory_space<vmem>>) target_semaphore(%arg16 : memref<!tpu.dma_semaphore, #tpu.memory_space<semaphore_mem>>)
      } else {
      }
    }
    %scan3A_64 = arith.constant 10 : i32
    %add3A_65 = arith.constant 240 : i32
    %add3A_66 = arith.addi %mul3A_4, %add3A_65 : i32
    %dma_wait3A = arith.constant 0 : i32
    %dma_wait3A_67 = tpu.memref_slice %arg2[%add3A_66, %dma_wait3A] : memref<8192x4096xf32, #tpu.memory_space<hbm>> -> memref<8x4096xf32, #tpu.memory_space<hbm>>
    %dma_wait3A_68 = arith.constant 0 : i32
    %dma_wait3A_69 = tpu.memref_slice %arg2[%add3A_66, %dma_wait3A_68] : memref<8192x4096xf32, #tpu.memory_space<hbm>> -> memref<8x4096xf32, #tpu.memory_space<hbm>>
    tpu.wait_dma2 semaphore(%arg16 : memref<!tpu.dma_semaphore, #tpu.memory_space<semaphore_mem>>) src(%dma_wait3A_69 : memref<8x4096xf32, #tpu.memory_space<hbm>>) dst(%arg13 : memref<8x4096xf32, #tpu.memory_space<vmem>>)
    %dma_start3A_70 = arith.constant 30 : i32
    %dma_start3A_71 = arith.constant 0 : i32
    %dma_start3A_72 = tpu.memref_slice %arg9[%dma_start3A_70, %dma_start3A_71] : memref<32x8xi32, #tpu.memory_space<vmem>> -> memref<1x8xi32, #tpu.memory_space<vmem>>
    %dma_start3A_73 = tpu.memref_squeeze %dma_start3A_72 : memref<1x8xi32, #tpu.memory_space<vmem>> -> memref<8xi32, #tpu.memory_space<vmem>>
    %dma_start3A_74 = arith.constant 0 : i32
    %dma_start3A_75 = arith.constant 0 : i32
    %dma_start3A_76 = tpu.memref_slice %arg5[%dma_start3A_74, %dma_start3A_75] : memref<16384x4096xf32, #tpu.memory_space<hbm>> -> memref<16384x4096xf32, #tpu.memory_space<hbm>>
    tpu.enqueue_indirect_dma source(%arg13 : memref<8x4096xf32, #tpu.memory_space<vmem>>) target(%dma_start3A_76 : memref<16384x4096xf32, #tpu.memory_space<hbm>>) offsets(%dma_start3A_73 : memref<8xi32, #tpu.memory_space<vmem>>) semaphore(%arg17 : memref<!tpu.dma_semaphore, #tpu.memory_space<semaphore_mem>>)
    %dma_start3A_77 = arith.constant 30 : i32
    %dma_start3A_78 = arith.constant 0 : i32
    %dma_start3A_79 = tpu.memref_slice %arg10[%dma_start3A_77, %dma_start3A_78] : memref<32x8xi32, #tpu.memory_space<vmem>> -> memref<1x8xi32, #tpu.memory_space<vmem>>
    %dma_start3A_80 = tpu.memref_squeeze %dma_start3A_79 : memref<1x8xi32, #tpu.memory_space<vmem>> -> memref<8xi32, #tpu.memory_space<vmem>>
    %dma_start3A_81 = arith.constant 0 : i32
    %dma_start3A_82 = arith.constant 0 : i32
    %dma_start3A_83 = tpu.memref_slice %arg5[%dma_start3A_81, %dma_start3A_82] : memref<16384x4096xf32, #tpu.memory_space<hbm>> -> memref<16384x4096xf32, #tpu.memory_space<hbm>>
    tpu.enqueue_indirect_dma source(%arg13 : memref<8x4096xf32, #tpu.memory_space<vmem>>) target(%dma_start3A_83 : memref<16384x4096xf32, #tpu.memory_space<hbm>>) offsets(%dma_start3A_80 : memref<8xi32, #tpu.memory_space<vmem>>) semaphore(%arg17 : memref<!tpu.dma_semaphore, #tpu.memory_space<semaphore_mem>>)
    %add3A_84 = arith.constant 248 : i32
    %add3A_85 = arith.addi %mul3A_4, %add3A_84 : i32
    %dma_wait3A_86 = arith.constant 0 : i32
    %dma_wait3A_87 = tpu.memref_slice %arg2[%add3A_85, %dma_wait3A_86] : memref<8192x4096xf32, #tpu.memory_space<hbm>> -> memref<8x4096xf32, #tpu.memory_space<hbm>>
    %dma_wait3A_88 = arith.constant 0 : i32
    %dma_wait3A_89 = tpu.memref_slice %arg2[%add3A_85, %dma_wait3A_88] : memref<8192x4096xf32, #tpu.memory_space<hbm>> -> memref<8x4096xf32, #tpu.memory_space<hbm>>
    tpu.wait_dma2 semaphore(%arg16 : memref<!tpu.dma_semaphore, #tpu.memory_space<semaphore_mem>>) src(%dma_wait3A_89 : memref<8x4096xf32, #tpu.memory_space<hbm>>) dst(%arg14 : memref<8x4096xf32, #tpu.memory_space<vmem>>)
    %dma_start3A_90 = arith.constant 31 : i32
    %dma_start3A_91 = arith.constant 0 : i32
    %dma_start3A_92 = tpu.memref_slice %arg9[%dma_start3A_90, %dma_start3A_91] : memref<32x8xi32, #tpu.memory_space<vmem>> -> memref<1x8xi32, #tpu.memory_space<vmem>>
    %dma_start3A_93 = tpu.memref_squeeze %dma_start3A_92 : memref<1x8xi32, #tpu.memory_space<vmem>> -> memref<8xi32, #tpu.memory_space<vmem>>
    %dma_start3A_94 = arith.constant 0 : i32
    %dma_start3A_95 = arith.constant 0 : i32
    %dma_start3A_96 = tpu.memref_slice %arg5[%dma_start3A_94, %dma_start3A_95] : memref<16384x4096xf32, #tpu.memory_space<hbm>> -> memref<16384x4096xf32, #tpu.memory_space<hbm>>
    tpu.enqueue_indirect_dma source(%arg14 : memref<8x4096xf32, #tpu.memory_space<vmem>>) target(%dma_start3A_96 : memref<16384x4096xf32, #tpu.memory_space<hbm>>) offsets(%dma_start3A_93 : memref<8xi32, #tpu.memory_space<vmem>>) semaphore(%arg17 : memref<!tpu.dma_semaphore, #tpu.memory_space<semaphore_mem>>)
    %dma_start3A_97 = arith.constant 31 : i32
    %dma_start3A_98 = arith.constant 0 : i32
    %dma_start3A_99 = tpu.memref_slice %arg10[%dma_start3A_97, %dma_start3A_98] : memref<32x8xi32, #tpu.memory_space<vmem>> -> memref<1x8xi32, #tpu.memory_space<vmem>>
    %dma_start3A_100 = tpu.memref_squeeze %dma_start3A_99 : memref<1x8xi32, #tpu.memory_space<vmem>> -> memref<8xi32, #tpu.memory_space<vmem>>
    %dma_start3A_101 = arith.constant 0 : i32
    %dma_start3A_102 = arith.constant 0 : i32
    %dma_start3A_103 = tpu.memref_slice %arg5[%dma_start3A_101, %dma_start3A_102] : memref<16384x4096xf32, #tpu.memory_space<hbm>> -> memref<16384x4096xf32, #tpu.memory_space<hbm>>
    tpu.enqueue_indirect_dma source(%arg14 : memref<8x4096xf32, #tpu.memory_space<vmem>>) target(%dma_start3A_103 : memref<16384x4096xf32, #tpu.memory_space<hbm>>) offsets(%dma_start3A_100 : memref<8xi32, #tpu.memory_space<vmem>>) semaphore(%arg17 : memref<!tpu.dma_semaphore, #tpu.memory_space<semaphore_mem>>)
    %dma_wait3A_104 = arith.constant 29 : i32
    %dma_wait3A_105 = arith.constant 0 : i32
    %dma_wait3A_106 = tpu.memref_slice %arg9[%dma_wait3A_104, %dma_wait3A_105] : memref<32x8xi32, #tpu.memory_space<vmem>> -> memref<1x8xi32, #tpu.memory_space<vmem>>
    %dma_wait3A_107 = tpu.memref_squeeze %dma_wait3A_106 : memref<1x8xi32, #tpu.memory_space<vmem>> -> memref<8xi32, #tpu.memory_space<vmem>>
    %dma_wait3A_108 = arith.constant 0 : i32
    %dma_wait3A_109 = arith.constant 0 : i32
    %dma_wait3A_110 = tpu.memref_slice %arg5[%dma_wait3A_108, %dma_wait3A_109] : memref<16384x4096xf32, #tpu.memory_space<hbm>> -> memref<16384x4096xf32, #tpu.memory_space<hbm>>
    tpu.wait_indirect_dma semaphore(%arg17 : memref<!tpu.dma_semaphore, #tpu.memory_space<semaphore_mem>>) src(%arg15 : memref<8x4096xf32, #tpu.memory_space<vmem>>) dst(%dma_wait3A_110 : memref<16384x4096xf32, #tpu.memory_space<hbm>>)
    %dma_wait3A_111 = arith.constant 29 : i32
    %dma_wait3A_112 = arith.constant 0 : i32
    %dma_wait3A_113 = tpu.memref_slice %arg10[%dma_wait3A_111, %dma_wait3A_112] : memref<32x8xi32, #tpu.memory_space<vmem>> -> memref<1x8xi32, #tpu.memory_space<vmem>>
    %dma_wait3A_114 = tpu.memref_squeeze %dma_wait3A_113 : memref<1x8xi32, #tpu.memory_space<vmem>> -> memref<8xi32, #tpu.memory_space<vmem>>
    %dma_wait3A_115 = arith.constant 0 : i32
    %dma_wait3A_116 = arith.constant 0 : i32
    %dma_wait3A_117 = tpu.memref_slice %arg5[%dma_wait3A_115, %dma_wait3A_116] : memref<16384x4096xf32, #tpu.memory_space<hbm>> -> memref<16384x4096xf32, #tpu.memory_space<hbm>>
    tpu.wait_indirect_dma semaphore(%arg17 : memref<!tpu.dma_semaphore, #tpu.memory_space<semaphore_mem>>) src(%arg15 : memref<8x4096xf32, #tpu.memory_space<vmem>>) dst(%dma_wait3A_117 : memref<16384x4096xf32, #tpu.memory_space<hbm>>)
    %dma_wait3A_118 = arith.constant 30 : i32
    %dma_wait3A_119 = arith.constant 0 : i32
    %dma_wait3A_120 = tpu.memref_slice %arg9[%dma_wait3A_118, %dma_wait3A_119] : memref<32x8xi32, #tpu.memory_space<vmem>> -> memref<1x8xi32, #tpu.memory_space<vmem>>
    %dma_wait3A_121 = tpu.memref_squeeze %dma_wait3A_120 : memref<1x8xi32, #tpu.memory_space<vmem>> -> memref<8xi32, #tpu.memory_space<vmem>>
    %dma_wait3A_122 = arith.constant 0 : i32
    %dma_wait3A_123 = arith.constant 0 : i32
    %dma_wait3A_124 = tpu.memref_slice %arg5[%dma_wait3A_122, %dma_wait3A_123] : memref<16384x4096xf32, #tpu.memory_space<hbm>> -> memref<16384x4096xf32, #tpu.memory_space<hbm>>
    tpu.wait_indirect_dma semaphore(%arg17 : memref<!tpu.dma_semaphore, #tpu.memory_space<semaphore_mem>>) src(%arg13 : memref<8x4096xf32, #tpu.memory_space<vmem>>) dst(%dma_wait3A_124 : memref<16384x4096xf32, #tpu.memory_space<hbm>>)
    %dma_wait3A_125 = arith.constant 30 : i32
    %dma_wait3A_126 = arith.constant 0 : i32
    %dma_wait3A_127 = tpu.memref_slice %arg10[%dma_wait3A_125, %dma_wait3A_126] : memref<32x8xi32, #tpu.memory_space<vmem>> -> memref<1x8xi32, #tpu.memory_space<vmem>>
    %dma_wait3A_128 = tpu.memref_squeeze %dma_wait3A_127 : memref<1x8xi32, #tpu.memory_space<vmem>> -> memref<8xi32, #tpu.memory_space<vmem>>
    %dma_wait3A_129 = arith.constant 0 : i32
    %dma_wait3A_130 = arith.constant 0 : i32
    %dma_wait3A_131 = tpu.memref_slice %arg5[%dma_wait3A_129, %dma_wait3A_130] : memref<16384x4096xf32, #tpu.memory_space<hbm>> -> memref<16384x4096xf32, #tpu.memory_space<hbm>>
    tpu.wait_indirect_dma semaphore(%arg17 : memref<!tpu.dma_semaphore, #tpu.memory_space<semaphore_mem>>) src(%arg13 : memref<8x4096xf32, #tpu.memory_space<vmem>>) dst(%dma_wait3A_131 : memref<16384x4096xf32, #tpu.memory_space<hbm>>)
    %dma_wait3A_132 = arith.constant 31 : i32
    %dma_wait3A_133 = arith.constant 0 : i32
    %dma_wait3A_134 = tpu.memref_slice %arg9[%dma_wait3A_132, %dma_wait3A_133] : memref<32x8xi32, #tpu.memory_space<vmem>> -> memref<1x8xi32, #tpu.memory_space<vmem>>
    %dma_wait3A_135 = tpu.memref_squeeze %dma_wait3A_134 : memref<1x8xi32, #tpu.memory_space<vmem>> -> memref<8xi32, #tpu.memory_space<vmem>>
    %dma_wait3A_136 = arith.constant 0 : i32
    %dma_wait3A_137 = arith.constant 0 : i32
    %dma_wait3A_138 = tpu.memref_slice %arg5[%dma_wait3A_136, %dma_wait3A_137] : memref<16384x4096xf32, #tpu.memory_space<hbm>> -> memref<16384x4096xf32, #tpu.memory_space<hbm>>
    tpu.wait_indirect_dma semaphore(%arg17 : memref<!tpu.dma_semaphore, #tpu.memory_space<semaphore_mem>>) src(%arg14 : memref<8x4096xf32, #tpu.memory_space<vmem>>) dst(%dma_wait3A_138 : memref<16384x4096xf32, #tpu.memory_space<hbm>>)
    %dma_wait3A_139 = arith.constant 31 : i32
    %dma_wait3A_140 = arith.constant 0 : i32
    %dma_wait3A_141 = tpu.memref_slice %arg10[%dma_wait3A_139, %dma_wait3A_140] : memref<32x8xi32, #tpu.memory_space<vmem>> -> memref<1x8xi32, #tpu.memory_space<vmem>>
    %dma_wait3A_142 = tpu.memref_squeeze %dma_wait3A_141 : memref<1x8xi32, #tpu.memory_space<vmem>> -> memref<8xi32, #tpu.memory_space<vmem>>
    %dma_wait3A_143 = arith.constant 0 : i32
    %dma_wait3A_144 = arith.constant 0 : i32
    %dma_wait3A_145 = tpu.memref_slice %arg5[%dma_wait3A_143, %dma_wait3A_144] : memref<16384x4096xf32, #tpu.memory_space<hbm>> -> memref<16384x4096xf32, #tpu.memory_space<hbm>>
    tpu.wait_indirect_dma semaphore(%arg17 : memref<!tpu.dma_semaphore, #tpu.memory_space<semaphore_mem>>) src(%arg14 : memref<8x4096xf32, #tpu.memory_space<vmem>>) dst(%dma_wait3A_145 : memref<16384x4096xf32, #tpu.memory_space<hbm>>)
    %dma_wait3A_146 = arith.constant 0 : i32
    %dma_wait3A_147 = arith.constant 0 : i32
    %dma_wait3A_148 = tpu.memref_slice %arg8[%dma_wait3A_147] : memref<256xf32, #tpu.memory_space<vmem>> -> memref<128xf32, #tpu.memory_space<vmem>>
    %dma_wait3A_149 = arith.constant 0 : i32
    %dma_wait3A_150 = tpu.memref_slice %arg11[%dma_wait3A_146, %dma_wait3A_149] : memref<2x128xi32, #tpu.memory_space<vmem>> -> memref<1x128xi32, #tpu.memory_space<vmem>>
    %dma_wait3A_151 = tpu.memref_squeeze %dma_wait3A_150 : memref<1x128xi32, #tpu.memory_space<vmem>> -> memref<128xi32, #tpu.memory_space<vmem>>
    %dma_wait3A_152 = arith.constant 0 : i32
    %dma_wait3A_153 = tpu.memref_slice %arg6[%dma_wait3A_152] : memref<16384xf32, #tpu.memory_space<hbm>> -> memref<16384xf32, #tpu.memory_space<hbm>>
    tpu.wait_indirect_dma semaphore(%arg18 : memref<!tpu.dma_semaphore, #tpu.memory_space<semaphore_mem>>) src(%dma_wait3A_148 : memref<128xf32, #tpu.memory_space<vmem>>) dst(%dma_wait3A_153 : memref<16384xf32, #tpu.memory_space<hbm>>)
    %dma_wait3A_154 = arith.constant 0 : i32
    %dma_wait3A_155 = arith.constant 0 : i32
    %dma_wait3A_156 = tpu.memref_slice %arg8[%dma_wait3A_155] : memref<256xf32, #tpu.memory_space<vmem>> -> memref<128xf32, #tpu.memory_space<vmem>>
    %dma_wait3A_157 = arith.constant 0 : i32
    %dma_wait3A_158 = tpu.memref_slice %arg12[%dma_wait3A_154, %dma_wait3A_157] : memref<2x128xi32, #tpu.memory_space<vmem>> -> memref<1x128xi32, #tpu.memory_space<vmem>>
    %dma_wait3A_159 = tpu.memref_squeeze %dma_wait3A_158 : memref<1x128xi32, #tpu.memory_space<vmem>> -> memref<128xi32, #tpu.memory_space<vmem>>
    %dma_wait3A_160 = arith.constant 0 : i32
    %dma_wait3A_161 = tpu.memref_slice %arg6[%dma_wait3A_160] : memref<16384xf32, #tpu.memory_space<hbm>> -> memref<16384xf32, #tpu.memory_space<hbm>>
    tpu.wait_indirect_dma semaphore(%arg18 : memref<!tpu.dma_semaphore, #tpu.memory_space<semaphore_mem>>) src(%dma_wait3A_156 : memref<128xf32, #tpu.memory_space<vmem>>) dst(%dma_wait3A_161 : memref<16384xf32, #tpu.memory_space<hbm>>)
    %dma_wait3A_162 = arith.constant 1 : i32
    %dma_wait3A_163 = arith.constant 128 : i32
    %dma_wait3A_164 = tpu.memref_slice %arg8[%dma_wait3A_163] : memref<256xf32, #tpu.memory_space<vmem>> -> memref<128xf32, #tpu.memory_space<vmem>>
    %dma_wait3A_165 = arith.constant 0 : i32
    %dma_wait3A_166 = tpu.memref_slice %arg11[%dma_wait3A_162, %dma_wait3A_165] : memref<2x128xi32, #tpu.memory_space<vmem>> -> memref<1x128xi32, #tpu.memory_space<vmem>>
    %dma_wait3A_167 = tpu.memref_squeeze %dma_wait3A_166 : memref<1x128xi32, #tpu.memory_space<vmem>> -> memref<128xi32, #tpu.memory_space<vmem>>
    %dma_wait3A_168 = arith.constant 0 : i32
    %dma_wait3A_169 = tpu.memref_slice %arg6[%dma_wait3A_168] : memref<16384xf32, #tpu.memory_space<hbm>> -> memref<16384xf32, #tpu.memory_space<hbm>>
    tpu.wait_indirect_dma semaphore(%arg18 : memref<!tpu.dma_semaphore, #tpu.memory_space<semaphore_mem>>) src(%dma_wait3A_164 : memref<128xf32, #tpu.memory_space<vmem>>) dst(%dma_wait3A_169 : memref<16384xf32, #tpu.memory_space<hbm>>)
    %dma_wait3A_170 = arith.constant 1 : i32
    %dma_wait3A_171 = arith.constant 128 : i32
    %dma_wait3A_172 = tpu.memref_slice %arg8[%dma_wait3A_171] : memref<256xf32, #tpu.memory_space<vmem>> -> memref<128xf32, #tpu.memory_space<vmem>>
    %dma_wait3A_173 = arith.constant 0 : i32
    %dma_wait3A_174 = tpu.memref_slice %arg12[%dma_wait3A_170, %dma_wait3A_173] : memref<2x128xi32, #tpu.memory_space<vmem>> -> memref<1x128xi32, #tpu.memory_space<vmem>>
    %dma_wait3A_175 = tpu.memref_squeeze %dma_wait3A_174 : memref<1x128xi32, #tpu.memory_space<vmem>> -> memref<128xi32, #tpu.memory_space<vmem>>
    %dma_wait3A_176 = arith.constant 0 : i32
    %dma_wait3A_177 = tpu.memref_slice %arg6[%dma_wait3A_176] : memref<16384xf32, #tpu.memory_space<hbm>> -> memref<16384xf32, #tpu.memory_space<hbm>>
    tpu.wait_indirect_dma semaphore(%arg18 : memref<!tpu.dma_semaphore, #tpu.memory_space<semaphore_mem>>) src(%dma_wait3A_172 : memref<128xf32, #tpu.memory_space<vmem>>) dst(%dma_wait3A_177 : memref<16384xf32, #tpu.memory_space<hbm>>)
    return
  }
}

#map = affine_map<(d0, d1) -> (0)>
module attributes {stable_mosaic.version = 14 : i64} {
  func.func @_hist(%arg0: i32, %arg1: i32, %arg2: memref<16384xi32, #tpu.memory_space<hbm>>, %arg3: memref<512xi32, #tpu.memory_space<hbm>>, %arg4: memref<512xi32, #tpu.memory_space<vmem>>, %arg5: memref<16xi32, #tpu.memory_space<vmem>>) attributes {dimension_semantics = [#tpu.dimension_semantics<core_parallel>, #tpu.dimension_semantics<subcore_parallel>], iteration_bounds = array<i64: 2, 16>, scalar_prefetch = 0 : i64, scratch_operands = 2 : i64, tpu.core_type = #tpu.core_type<sc_vector_subcore>, window_params = [{transform_indices = #map}, {transform_indices = #map}]} {
    %mul3A = arith.constant 16 : i32
    %mul3A_0 = arith.muli %arg0, %mul3A : i32
    %add3A = arith.addi %mul3A_0, %arg1 : i32
    %mul3A_1 = arith.constant 512 : i32
    %mul3A_2 = arith.muli %add3A, %mul3A_1 : i32
    "tpu.region"() ({
      %run_scoped3A = tpu.sem_alloc : memref<!tpu.dma_semaphore, #tpu.memory_space<semaphore_mem>>
      %dma_start3A = tpu.memref_slice %arg2[%mul3A_2] : memref<16384xi32, #tpu.memory_space<hbm>> -> memref<512xi32, #tpu.memory_space<hbm>>
      %dma_start3A_185 = tpu.memref_slice %arg2[%mul3A_2] : memref<16384xi32, #tpu.memory_space<hbm>> -> memref<512xi32, #tpu.memory_space<hbm>>
      tpu.enqueue_dma source(%dma_start3A_185 : memref<512xi32, #tpu.memory_space<hbm>>) target(%arg4 : memref<512xi32, #tpu.memory_space<vmem>>) target_semaphore(%run_scoped3A : memref<!tpu.dma_semaphore, #tpu.memory_space<semaphore_mem>>)
      %dma_wait3A = tpu.memref_slice %arg2[%mul3A_2] : memref<16384xi32, #tpu.memory_space<hbm>> -> memref<512xi32, #tpu.memory_space<hbm>>
      %dma_wait3A_186 = tpu.memref_slice %arg2[%mul3A_2] : memref<16384xi32, #tpu.memory_space<hbm>> -> memref<512xi32, #tpu.memory_space<hbm>>
      tpu.wait_dma2 semaphore(%run_scoped3A : memref<!tpu.dma_semaphore, #tpu.memory_space<semaphore_mem>>) src(%dma_wait3A_186 : memref<512xi32, #tpu.memory_space<hbm>>) dst(%arg4 : memref<512xi32, #tpu.memory_space<vmem>>)
      tpu.yield
    }) : () -> ()
    %iota3A = tpu.iota {dimensions = array<i32: 0>} : vector<16xi32>
    %broadcast_in_dim3A = arith.constant 0 : i32
    %broadcast_in_dim3A_3 = vector.broadcast %broadcast_in_dim3A : i32 to vector<16xi32>
    %broadcast_in_dim3A_4 = arith.constant 0 : i32
    %broadcast_in_dim3A_5 = vector.broadcast %broadcast_in_dim3A_4 : i32 to vector<16xi32>
    %broadcast_in_dim3A_6 = arith.constant 0 : i32
    %broadcast_in_dim3A_7 = vector.broadcast %broadcast_in_dim3A_6 : i32 to vector<16xi32>
    %broadcast_in_dim3A_8 = arith.constant 0 : i32
    %broadcast_in_dim3A_9 = vector.broadcast %broadcast_in_dim3A_8 : i32 to vector<16xi32>
    %broadcast_in_dim3A_10 = arith.constant 0 : i32
    %broadcast_in_dim3A_11 = vector.broadcast %broadcast_in_dim3A_10 : i32 to vector<16xi32>
    %broadcast_in_dim3A_12 = arith.constant 0 : i32
    %broadcast_in_dim3A_13 = vector.broadcast %broadcast_in_dim3A_12 : i32 to vector<16xi32>
    %broadcast_in_dim3A_14 = arith.constant 0 : i32
    %broadcast_in_dim3A_15 = vector.broadcast %broadcast_in_dim3A_14 : i32 to vector<16xi32>
    %broadcast_in_dim3A_16 = arith.constant 0 : i32
    %broadcast_in_dim3A_17 = vector.broadcast %broadcast_in_dim3A_16 : i32 to vector<16xi32>
    %broadcast_in_dim3A_18 = arith.constant 0 : i32
    %broadcast_in_dim3A_19 = vector.broadcast %broadcast_in_dim3A_18 : i32 to vector<16xi32>
    %broadcast_in_dim3A_20 = arith.constant 0 : i32
    %broadcast_in_dim3A_21 = vector.broadcast %broadcast_in_dim3A_20 : i32 to vector<16xi32>
    %broadcast_in_dim3A_22 = arith.constant 0 : i32
    %broadcast_in_dim3A_23 = vector.broadcast %broadcast_in_dim3A_22 : i32 to vector<16xi32>
    %broadcast_in_dim3A_24 = arith.constant 0 : i32
    %broadcast_in_dim3A_25 = vector.broadcast %broadcast_in_dim3A_24 : i32 to vector<16xi32>
    %broadcast_in_dim3A_26 = arith.constant 0 : i32
    %broadcast_in_dim3A_27 = vector.broadcast %broadcast_in_dim3A_26 : i32 to vector<16xi32>
    %broadcast_in_dim3A_28 = arith.constant 0 : i32
    %broadcast_in_dim3A_29 = vector.broadcast %broadcast_in_dim3A_28 : i32 to vector<16xi32>
    %broadcast_in_dim3A_30 = arith.constant 0 : i32
    %broadcast_in_dim3A_31 = vector.broadcast %broadcast_in_dim3A_30 : i32 to vector<16xi32>
    %broadcast_in_dim3A_32 = arith.constant 0 : i32
    %broadcast_in_dim3A_33 = vector.broadcast %broadcast_in_dim3A_32 : i32 to vector<16xi32>
    %scan3A = arith.constant 0 : i32
    %scan3A_34 = arith.constant 32 : i32
    %scan3A_35 = arith.addi %scan3A, %scan3A_34 : i32
    %scan3A_36 = arith.constant 1 : i32
    %scan3A_37:16 = scf.for %scan3A_185 = %scan3A to %scan3A_35 step %scan3A_36 iter_args(%scan3A_186 = %broadcast_in_dim3A_3, %scan3A_187 = %broadcast_in_dim3A_5, %scan3A_188 = %broadcast_in_dim3A_7, %scan3A_189 = %broadcast_in_dim3A_9, %scan3A_190 = %broadcast_in_dim3A_11, %scan3A_191 = %broadcast_in_dim3A_13, %scan3A_192 = %broadcast_in_dim3A_15, %scan3A_193 = %broadcast_in_dim3A_17, %scan3A_194 = %broadcast_in_dim3A_19, %scan3A_195 = %broadcast_in_dim3A_21, %scan3A_196 = %broadcast_in_dim3A_23, %scan3A_197 = %broadcast_in_dim3A_25, %scan3A_198 = %broadcast_in_dim3A_27, %scan3A_199 = %broadcast_in_dim3A_29, %scan3A_200 = %broadcast_in_dim3A_31, %scan3A_201 = %broadcast_in_dim3A_33) -> (vector<16xi32>, vector<16xi32>, vector<16xi32>, vector<16xi32>, vector<16xi32>, vector<16xi32>, vector<16xi32>, vector<16xi32>, vector<16xi32>, vector<16xi32>, vector<16xi32>, vector<16xi32>, vector<16xi32>, vector<16xi32>, vector<16xi32>, vector<16xi32>)  : i32 {
      %mul3A_202 = arith.constant 16 : i32
      %mul3A_203 = arith.muli %scan3A_185, %mul3A_202 : i32
      %get3A = arith.index_cast %mul3A_203 : i32 to index
      %get3A_204 = tpu.vector_load %arg4[%get3A] {strides = array<i32>} : memref<512xi32, #tpu.memory_space<vmem>>, vector<16xi32>,
      %eq3A_205 = arith.constant 0 : i32
      %eq3A_206 = vector.broadcast %eq3A_205 : i32 to vector<16xi32>
      %eq3A_207 = arith.cmpi eq, %get3A_204, %eq3A_206 : vector<16xi32>
      %convert_element_type3A = arith.extui %eq3A_207 : vector<16xi1> to vector<16xi32>
      %add3A_208 = arith.addi %scan3A_186, %convert_element_type3A : vector<16xi32>
      %eq3A_209 = arith.constant 1 : i32
      %eq3A_210 = vector.broadcast %eq3A_209 : i32 to vector<16xi32>
      %eq3A_211 = arith.cmpi eq, %get3A_204, %eq3A_210 : vector<16xi32>
      %convert_element_type3A_212 = arith.extui %eq3A_211 : vector<16xi1> to vector<16xi32>
      %add3A_213 = arith.addi %scan3A_187, %convert_element_type3A_212 : vector<16xi32>
      %eq3A_214 = arith.constant 2 : i32
      %eq3A_215 = vector.broadcast %eq3A_214 : i32 to vector<16xi32>
      %eq3A_216 = arith.cmpi eq, %get3A_204, %eq3A_215 : vector<16xi32>
      %convert_element_type3A_217 = arith.extui %eq3A_216 : vector<16xi1> to vector<16xi32>
      %add3A_218 = arith.addi %scan3A_188, %convert_element_type3A_217 : vector<16xi32>
      %eq3A_219 = arith.constant 3 : i32
      %eq3A_220 = vector.broadcast %eq3A_219 : i32 to vector<16xi32>
      %eq3A_221 = arith.cmpi eq, %get3A_204, %eq3A_220 : vector<16xi32>
      %convert_element_type3A_222 = arith.extui %eq3A_221 : vector<16xi1> to vector<16xi32>
      %add3A_223 = arith.addi %scan3A_189, %convert_element_type3A_222 : vector<16xi32>
      %eq3A_224 = arith.constant 4 : i32
      %eq3A_225 = vector.broadcast %eq3A_224 : i32 to vector<16xi32>
      %eq3A_226 = arith.cmpi eq, %get3A_204, %eq3A_225 : vector<16xi32>
      %convert_element_type3A_227 = arith.extui %eq3A_226 : vector<16xi1> to vector<16xi32>
      %add3A_228 = arith.addi %scan3A_190, %convert_element_type3A_227 : vector<16xi32>
      %eq3A_229 = arith.constant 5 : i32
      %eq3A_230 = vector.broadcast %eq3A_229 : i32 to vector<16xi32>
      %eq3A_231 = arith.cmpi eq, %get3A_204, %eq3A_230 : vector<16xi32>
      %convert_element_type3A_232 = arith.extui %eq3A_231 : vector<16xi1> to vector<16xi32>
      %add3A_233 = arith.addi %scan3A_191, %convert_element_type3A_232 : vector<16xi32>
      %eq3A_234 = arith.constant 6 : i32
      %eq3A_235 = vector.broadcast %eq3A_234 : i32 to vector<16xi32>
      %eq3A_236 = arith.cmpi eq, %get3A_204, %eq3A_235 : vector<16xi32>
      %convert_element_type3A_237 = arith.extui %eq3A_236 : vector<16xi1> to vector<16xi32>
      %add3A_238 = arith.addi %scan3A_192, %convert_element_type3A_237 : vector<16xi32>
      %eq3A_239 = arith.constant 7 : i32
      %eq3A_240 = vector.broadcast %eq3A_239 : i32 to vector<16xi32>
      %eq3A_241 = arith.cmpi eq, %get3A_204, %eq3A_240 : vector<16xi32>
      %convert_element_type3A_242 = arith.extui %eq3A_241 : vector<16xi1> to vector<16xi32>
      %add3A_243 = arith.addi %scan3A_193, %convert_element_type3A_242 : vector<16xi32>
      %eq3A_244 = arith.constant 8 : i32
      %eq3A_245 = vector.broadcast %eq3A_244 : i32 to vector<16xi32>
      %eq3A_246 = arith.cmpi eq, %get3A_204, %eq3A_245 : vector<16xi32>
      %convert_element_type3A_247 = arith.extui %eq3A_246 : vector<16xi1> to vector<16xi32>
      %add3A_248 = arith.addi %scan3A_194, %convert_element_type3A_247 : vector<16xi32>
      %eq3A_249 = arith.constant 9 : i32
      %eq3A_250 = vector.broadcast %eq3A_249 : i32 to vector<16xi32>
      %eq3A_251 = arith.cmpi eq, %get3A_204, %eq3A_250 : vector<16xi32>
      %convert_element_type3A_252 = arith.extui %eq3A_251 : vector<16xi1> to vector<16xi32>
      %add3A_253 = arith.addi %scan3A_195, %convert_element_type3A_252 : vector<16xi32>
      %eq3A_254 = arith.constant 10 : i32
      %eq3A_255 = vector.broadcast %eq3A_254 : i32 to vector<16xi32>
      %eq3A_256 = arith.cmpi eq, %get3A_204, %eq3A_255 : vector<16xi32>
      %convert_element_type3A_257 = arith.extui %eq3A_256 : vector<16xi1> to vector<16xi32>
      %add3A_258 = arith.addi %scan3A_196, %convert_element_type3A_257 : vector<16xi32>
      %eq3A_259 = arith.constant 11 : i32
      %eq3A_260 = vector.broadcast %eq3A_259 : i32 to vector<16xi32>
      %eq3A_261 = arith.cmpi eq, %get3A_204, %eq3A_260 : vector<16xi32>
      %convert_element_type3A_262 = arith.extui %eq3A_261 : vector<16xi1> to vector<16xi32>
      %add3A_263 = arith.addi %scan3A_197, %convert_element_type3A_262 : vector<16xi32>
      %eq3A_264 = arith.constant 12 : i32
      %eq3A_265 = vector.broadcast %eq3A_264 : i32 to vector<16xi32>
      %eq3A_266 = arith.cmpi eq, %get3A_204, %eq3A_265 : vector<16xi32>
      %convert_element_type3A_267 = arith.extui %eq3A_266 : vector<16xi1> to vector<16xi32>
      %add3A_268 = arith.addi %scan3A_198, %convert_element_type3A_267 : vector<16xi32>
      %eq3A_269 = arith.constant 13 : i32
      %eq3A_270 = vector.broadcast %eq3A_269 : i32 to vector<16xi32>
      %eq3A_271 = arith.cmpi eq, %get3A_204, %eq3A_270 : vector<16xi32>
      %convert_element_type3A_272 = arith.extui %eq3A_271 : vector<16xi1> to vector<16xi32>
      %add3A_273 = arith.addi %scan3A_199, %convert_element_type3A_272 : vector<16xi32>
      %eq3A_274 = arith.constant 14 : i32
      %eq3A_275 = vector.broadcast %eq3A_274 : i32 to vector<16xi32>
      %eq3A_276 = arith.cmpi eq, %get3A_204, %eq3A_275 : vector<16xi32>
      %convert_element_type3A_277 = arith.extui %eq3A_276 : vector<16xi1> to vector<16xi32>
      %add3A_278 = arith.addi %scan3A_200, %convert_element_type3A_277 : vector<16xi32>
      %eq3A_279 = arith.constant 15 : i32
      %eq3A_280 = vector.broadcast %eq3A_279 : i32 to vector<16xi32>
      %eq3A_281 = arith.cmpi eq, %get3A_204, %eq3A_280 : vector<16xi32>
      %convert_element_type3A_282 = arith.extui %eq3A_281 : vector<16xi1> to vector<16xi32>
      %add3A_283 = arith.addi %scan3A_201, %convert_element_type3A_282 : vector<16xi32>
      scf.yield %add3A_208, %add3A_213, %add3A_218, %add3A_223, %add3A_228, %add3A_233, %add3A_238, %add3A_243, %add3A_248, %add3A_253, %add3A_258, %add3A_263, %add3A_268, %add3A_273, %add3A_278, %add3A_283 : vector<16xi32>, vector<16xi32>, vector<16xi32>, vector<16xi32>, vector<16xi32>, vector<16xi32>, vector<16xi32>, vector<16xi32>, vector<16xi32>, vector<16xi32>, vector<16xi32>, vector<16xi32>, vector<16xi32>, vector<16xi32>, vector<16xi32>, vector<16xi32>
    }
    %scan3A_38 = arith.constant 32 : i32
    %broadcast_in_dim3A_39 = arith.constant 0 : i32
    %broadcast_in_dim3A_40 = vector.broadcast %broadcast_in_dim3A_39 : i32 to vector<16xi32>
    %eq3A = arith.constant 0 : i32
    %eq3A_41 = vector.broadcast %eq3A : i32 to vector<16xi32>
    %eq3A_42 = arith.cmpi eq, %iota3A, %eq3A_41 : vector<16xi32>
    %reduce_sum3A = arith.constant true
    %reduce_sum3A_43 = vector.broadcast %reduce_sum3A : i1 to vector<16xi1>
    %reduce_sum3A_44 = tpu.scan <sum>, %scan3A_37#0 masked %reduce_sum3A_43 : vector<16xi32>, vector<16xi1> -> vector<16xi32>
    %reduce_sum3A_45 = vector.extract %reduce_sum3A_44[15] : i32 from vector<16xi32>
    %broadcast_in_dim3A_46 = vector.broadcast %reduce_sum3A_45 : i32 to vector<16xi32>
    %select_n3A = arith.select %eq3A_42, %broadcast_in_dim3A_46, %broadcast_in_dim3A_40 : vector<16xi1>, vector<16xi32>
    %eq3A_47 = arith.constant 1 : i32
    %eq3A_48 = vector.broadcast %eq3A_47 : i32 to vector<16xi32>
    %eq3A_49 = arith.cmpi eq, %iota3A, %eq3A_48 : vector<16xi32>
    %reduce_sum3A_50 = arith.constant true
    %reduce_sum3A_51 = vector.broadcast %reduce_sum3A_50 : i1 to vector<16xi1>
    %reduce_sum3A_52 = tpu.scan <sum>, %scan3A_37#1 masked %reduce_sum3A_51 : vector<16xi32>, vector<16xi1> -> vector<16xi32>
    %reduce_sum3A_53 = vector.extract %reduce_sum3A_52[15] : i32 from vector<16xi32>
    %broadcast_in_dim3A_54 = vector.broadcast %reduce_sum3A_53 : i32 to vector<16xi32>
    %select_n3A_55 = arith.select %eq3A_49, %broadcast_in_dim3A_54, %select_n3A : vector<16xi1>, vector<16xi32>
    %eq3A_56 = arith.constant 2 : i32
    %eq3A_57 = vector.broadcast %eq3A_56 : i32 to vector<16xi32>
    %eq3A_58 = arith.cmpi eq, %iota3A, %eq3A_57 : vector<16xi32>
    %reduce_sum3A_59 = arith.constant true
    %reduce_sum3A_60 = vector.broadcast %reduce_sum3A_59 : i1 to vector<16xi1>
    %reduce_sum3A_61 = tpu.scan <sum>, %scan3A_37#2 masked %reduce_sum3A_60 : vector<16xi32>, vector<16xi1> -> vector<16xi32>
    %reduce_sum3A_62 = vector.extract %reduce_sum3A_61[15] : i32 from vector<16xi32>
    %broadcast_in_dim3A_63 = vector.broadcast %reduce_sum3A_62 : i32 to vector<16xi32>
    %select_n3A_64 = arith.select %eq3A_58, %broadcast_in_dim3A_63, %select_n3A_55 : vector<16xi1>, vector<16xi32>
    %eq3A_65 = arith.constant 3 : i32
    %eq3A_66 = vector.broadcast %eq3A_65 : i32 to vector<16xi32>
    %eq3A_67 = arith.cmpi eq, %iota3A, %eq3A_66 : vector<16xi32>
    %reduce_sum3A_68 = arith.constant true
    %reduce_sum3A_69 = vector.broadcast %reduce_sum3A_68 : i1 to vector<16xi1>
    %reduce_sum3A_70 = tpu.scan <sum>, %scan3A_37#3 masked %reduce_sum3A_69 : vector<16xi32>, vector<16xi1> -> vector<16xi32>
    %reduce_sum3A_71 = vector.extract %reduce_sum3A_70[15] : i32 from vector<16xi32>
    %broadcast_in_dim3A_72 = vector.broadcast %reduce_sum3A_71 : i32 to vector<16xi32>
    %select_n3A_73 = arith.select %eq3A_67, %broadcast_in_dim3A_72, %select_n3A_64 : vector<16xi1>, vector<16xi32>
    %eq3A_74 = arith.constant 4 : i32
    %eq3A_75 = vector.broadcast %eq3A_74 : i32 to vector<16xi32>
    %eq3A_76 = arith.cmpi eq, %iota3A, %eq3A_75 : vector<16xi32>
    %reduce_sum3A_77 = arith.constant true
    %reduce_sum3A_78 = vector.broadcast %reduce_sum3A_77 : i1 to vector<16xi1>
    %reduce_sum3A_79 = tpu.scan <sum>, %scan3A_37#4 masked %reduce_sum3A_78 : vector<16xi32>, vector<16xi1> -> vector<16xi32>
    %reduce_sum3A_80 = vector.extract %reduce_sum3A_79[15] : i32 from vector<16xi32>
    %broadcast_in_dim3A_81 = vector.broadcast %reduce_sum3A_80 : i32 to vector<16xi32>
    %select_n3A_82 = arith.select %eq3A_76, %broadcast_in_dim3A_81, %select_n3A_73 : vector<16xi1>, vector<16xi32>
    %eq3A_83 = arith.constant 5 : i32
    %eq3A_84 = vector.broadcast %eq3A_83 : i32 to vector<16xi32>
    %eq3A_85 = arith.cmpi eq, %iota3A, %eq3A_84 : vector<16xi32>
    %reduce_sum3A_86 = arith.constant true
    %reduce_sum3A_87 = vector.broadcast %reduce_sum3A_86 : i1 to vector<16xi1>
    %reduce_sum3A_88 = tpu.scan <sum>, %scan3A_37#5 masked %reduce_sum3A_87 : vector<16xi32>, vector<16xi1> -> vector<16xi32>
    %reduce_sum3A_89 = vector.extract %reduce_sum3A_88[15] : i32 from vector<16xi32>
    %broadcast_in_dim3A_90 = vector.broadcast %reduce_sum3A_89 : i32 to vector<16xi32>
    %select_n3A_91 = arith.select %eq3A_85, %broadcast_in_dim3A_90, %select_n3A_82 : vector<16xi1>, vector<16xi32>
    %eq3A_92 = arith.constant 6 : i32
    %eq3A_93 = vector.broadcast %eq3A_92 : i32 to vector<16xi32>
    %eq3A_94 = arith.cmpi eq, %iota3A, %eq3A_93 : vector<16xi32>
    %reduce_sum3A_95 = arith.constant true
    %reduce_sum3A_96 = vector.broadcast %reduce_sum3A_95 : i1 to vector<16xi1>
    %reduce_sum3A_97 = tpu.scan <sum>, %scan3A_37#6 masked %reduce_sum3A_96 : vector<16xi32>, vector<16xi1> -> vector<16xi32>
    %reduce_sum3A_98 = vector.extract %reduce_sum3A_97[15] : i32 from vector<16xi32>
    %broadcast_in_dim3A_99 = vector.broadcast %reduce_sum3A_98 : i32 to vector<16xi32>
    %select_n3A_100 = arith.select %eq3A_94, %broadcast_in_dim3A_99, %select_n3A_91 : vector<16xi1>, vector<16xi32>
    %eq3A_101 = arith.constant 7 : i32
    %eq3A_102 = vector.broadcast %eq3A_101 : i32 to vector<16xi32>
    %eq3A_103 = arith.cmpi eq, %iota3A, %eq3A_102 : vector<16xi32>
    %reduce_sum3A_104 = arith.constant true
    %reduce_sum3A_105 = vector.broadcast %reduce_sum3A_104 : i1 to vector<16xi1>
    %reduce_sum3A_106 = tpu.scan <sum>, %scan3A_37#7 masked %reduce_sum3A_105 : vector<16xi32>, vector<16xi1> -> vector<16xi32>
    %reduce_sum3A_107 = vector.extract %reduce_sum3A_106[15] : i32 from vector<16xi32>
    %broadcast_in_dim3A_108 = vector.broadcast %reduce_sum3A_107 : i32 to vector<16xi32>
    %select_n3A_109 = arith.select %eq3A_103, %broadcast_in_dim3A_108, %select_n3A_100 : vector<16xi1>, vector<16xi32>
    %eq3A_110 = arith.constant 8 : i32
    %eq3A_111 = vector.broadcast %eq3A_110 : i32 to vector<16xi32>
    %eq3A_112 = arith.cmpi eq, %iota3A, %eq3A_111 : vector<16xi32>
    %reduce_sum3A_113 = arith.constant true
    %reduce_sum3A_114 = vector.broadcast %reduce_sum3A_113 : i1 to vector<16xi1>
    %reduce_sum3A_115 = tpu.scan <sum>, %scan3A_37#8 masked %reduce_sum3A_114 : vector<16xi32>, vector<16xi1> -> vector<16xi32>
    %reduce_sum3A_116 = vector.extract %reduce_sum3A_115[15] : i32 from vector<16xi32>
    %broadcast_in_dim3A_117 = vector.broadcast %reduce_sum3A_116 : i32 to vector<16xi32>
    %select_n3A_118 = arith.select %eq3A_112, %broadcast_in_dim3A_117, %select_n3A_109 : vector<16xi1>, vector<16xi32>
    %eq3A_119 = arith.constant 9 : i32
    %eq3A_120 = vector.broadcast %eq3A_119 : i32 to vector<16xi32>
    %eq3A_121 = arith.cmpi eq, %iota3A, %eq3A_120 : vector<16xi32>
    %reduce_sum3A_122 = arith.constant true
    %reduce_sum3A_123 = vector.broadcast %reduce_sum3A_122 : i1 to vector<16xi1>
    %reduce_sum3A_124 = tpu.scan <sum>, %scan3A_37#9 masked %reduce_sum3A_123 : vector<16xi32>, vector<16xi1> -> vector<16xi32>
    %reduce_sum3A_125 = vector.extract %reduce_sum3A_124[15] : i32 from vector<16xi32>
    %broadcast_in_dim3A_126 = vector.broadcast %reduce_sum3A_125 : i32 to vector<16xi32>
    %select_n3A_127 = arith.select %eq3A_121, %broadcast_in_dim3A_126, %select_n3A_118 : vector<16xi1>, vector<16xi32>
    %eq3A_128 = arith.constant 10 : i32
    %eq3A_129 = vector.broadcast %eq3A_128 : i32 to vector<16xi32>
    %eq3A_130 = arith.cmpi eq, %iota3A, %eq3A_129 : vector<16xi32>
    %reduce_sum3A_131 = arith.constant true
    %reduce_sum3A_132 = vector.broadcast %reduce_sum3A_131 : i1 to vector<16xi1>
    %reduce_sum3A_133 = tpu.scan <sum>, %scan3A_37#10 masked %reduce_sum3A_132 : vector<16xi32>, vector<16xi1> -> vector<16xi32>
    %reduce_sum3A_134 = vector.extract %reduce_sum3A_133[15] : i32 from vector<16xi32>
    %broadcast_in_dim3A_135 = vector.broadcast %reduce_sum3A_134 : i32 to vector<16xi32>
    %select_n3A_136 = arith.select %eq3A_130, %broadcast_in_dim3A_135, %select_n3A_127 : vector<16xi1>, vector<16xi32>
    %eq3A_137 = arith.constant 11 : i32
    %eq3A_138 = vector.broadcast %eq3A_137 : i32 to vector<16xi32>
    %eq3A_139 = arith.cmpi eq, %iota3A, %eq3A_138 : vector<16xi32>
    %reduce_sum3A_140 = arith.constant true
    %reduce_sum3A_141 = vector.broadcast %reduce_sum3A_140 : i1 to vector<16xi1>
    %reduce_sum3A_142 = tpu.scan <sum>, %scan3A_37#11 masked %reduce_sum3A_141 : vector<16xi32>, vector<16xi1> -> vector<16xi32>
    %reduce_sum3A_143 = vector.extract %reduce_sum3A_142[15] : i32 from vector<16xi32>
    %broadcast_in_dim3A_144 = vector.broadcast %reduce_sum3A_143 : i32 to vector<16xi32>
    %select_n3A_145 = arith.select %eq3A_139, %broadcast_in_dim3A_144, %select_n3A_136 : vector<16xi1>, vector<16xi32>
    %eq3A_146 = arith.constant 12 : i32
    %eq3A_147 = vector.broadcast %eq3A_146 : i32 to vector<16xi32>
    %eq3A_148 = arith.cmpi eq, %iota3A, %eq3A_147 : vector<16xi32>
    %reduce_sum3A_149 = arith.constant true
    %reduce_sum3A_150 = vector.broadcast %reduce_sum3A_149 : i1 to vector<16xi1>
    %reduce_sum3A_151 = tpu.scan <sum>, %scan3A_37#12 masked %reduce_sum3A_150 : vector<16xi32>, vector<16xi1> -> vector<16xi32>
    %reduce_sum3A_152 = vector.extract %reduce_sum3A_151[15] : i32 from vector<16xi32>
    %broadcast_in_dim3A_153 = vector.broadcast %reduce_sum3A_152 : i32 to vector<16xi32>
    %select_n3A_154 = arith.select %eq3A_148, %broadcast_in_dim3A_153, %select_n3A_145 : vector<16xi1>, vector<16xi32>
    %eq3A_155 = arith.constant 13 : i32
    %eq3A_156 = vector.broadcast %eq3A_155 : i32 to vector<16xi32>
    %eq3A_157 = arith.cmpi eq, %iota3A, %eq3A_156 : vector<16xi32>
    %reduce_sum3A_158 = arith.constant true
    %reduce_sum3A_159 = vector.broadcast %reduce_sum3A_158 : i1 to vector<16xi1>
    %reduce_sum3A_160 = tpu.scan <sum>, %scan3A_37#13 masked %reduce_sum3A_159 : vector<16xi32>, vector<16xi1> -> vector<16xi32>
    %reduce_sum3A_161 = vector.extract %reduce_sum3A_160[15] : i32 from vector<16xi32>
    %broadcast_in_dim3A_162 = vector.broadcast %reduce_sum3A_161 : i32 to vector<16xi32>
    %select_n3A_163 = arith.select %eq3A_157, %broadcast_in_dim3A_162, %select_n3A_154 : vector<16xi1>, vector<16xi32>
    %eq3A_164 = arith.constant 14 : i32
    %eq3A_165 = vector.broadcast %eq3A_164 : i32 to vector<16xi32>
    %eq3A_166 = arith.cmpi eq, %iota3A, %eq3A_165 : vector<16xi32>
    %reduce_sum3A_167 = arith.constant true
    %reduce_sum3A_168 = vector.broadcast %reduce_sum3A_167 : i1 to vector<16xi1>
    %reduce_sum3A_169 = tpu.scan <sum>, %scan3A_37#14 masked %reduce_sum3A_168 : vector<16xi32>, vector<16xi1> -> vector<16xi32>
    %reduce_sum3A_170 = vector.extract %reduce_sum3A_169[15] : i32 from vector<16xi32>
    %broadcast_in_dim3A_171 = vector.broadcast %reduce_sum3A_170 : i32 to vector<16xi32>
    %select_n3A_172 = arith.select %eq3A_166, %broadcast_in_dim3A_171, %select_n3A_163 : vector<16xi1>, vector<16xi32>
    %eq3A_173 = arith.constant 15 : i32
    %eq3A_174 = vector.broadcast %eq3A_173 : i32 to vector<16xi32>
    %eq3A_175 = arith.cmpi eq, %iota3A, %eq3A_174 : vector<16xi32>
    %reduce_sum3A_176 = arith.constant true
    %reduce_sum3A_177 = vector.broadcast %reduce_sum3A_176 : i1 to vector<16xi1>
    %reduce_sum3A_178 = tpu.scan <sum>, %scan3A_37#15 masked %reduce_sum3A_177 : vector<16xi32>, vector<16xi1> -> vector<16xi32>
    %reduce_sum3A_179 = vector.extract %reduce_sum3A_178[15] : i32 from vector<16xi32>
    %broadcast_in_dim3A_180 = vector.broadcast %reduce_sum3A_179 : i32 to vector<16xi32>
    %select_n3A_181 = arith.select %eq3A_175, %broadcast_in_dim3A_180, %select_n3A_172 : vector<16xi1>, vector<16xi32>
    %swap3A = arith.constant 0 : index
    %swap3A_182 = tpu.vector_load %arg5[%swap3A] {strides = array<i32>} : memref<16xi32, #tpu.memory_space<vmem>>, vector<16xi32>,
    tpu.vector_store %arg5[%swap3A], %select_n3A_181 {strides = array<i32>} : memref<16xi32, #tpu.memory_space<vmem>>, vector<16xi32>,
    %mul3A_183 = arith.constant 16 : i32
    %mul3A_184 = arith.muli %add3A, %mul3A_183 : i32
    "tpu.region"() ({
      %run_scoped3A = tpu.sem_alloc : memref<!tpu.dma_semaphore, #tpu.memory_space<semaphore_mem>>
      %dma_start3A = tpu.memref_slice %arg3[%mul3A_184] : memref<512xi32, #tpu.memory_space<hbm>> -> memref<16xi32, #tpu.memory_space<hbm>>
      %dma_start3A_185 = tpu.memref_slice %arg3[%mul3A_184] : memref<512xi32, #tpu.memory_space<hbm>> -> memref<16xi32, #tpu.memory_space<hbm>>
      tpu.enqueue_dma source(%arg5 : memref<16xi32, #tpu.memory_space<vmem>>) target(%dma_start3A_185 : memref<16xi32, #tpu.memory_space<hbm>>) target_semaphore(%run_scoped3A : memref<!tpu.dma_semaphore, #tpu.memory_space<semaphore_mem>>)
      %dma_wait3A = tpu.memref_slice %arg3[%mul3A_184] : memref<512xi32, #tpu.memory_space<hbm>> -> memref<16xi32, #tpu.memory_space<hbm>>
      %dma_wait3A_186 = tpu.memref_slice %arg3[%mul3A_184] : memref<512xi32, #tpu.memory_space<hbm>> -> memref<16xi32, #tpu.memory_space<hbm>>
      tpu.wait_dma2 semaphore(%run_scoped3A : memref<!tpu.dma_semaphore, #tpu.memory_space<semaphore_mem>>) src(%arg5 : memref<16xi32, #tpu.memory_space<vmem>>) dst(%dma_wait3A_186 : memref<16xi32, #tpu.memory_space<hbm>>)
      tpu.yield
    }) : () -> ()
    return
  }
}

#map = affine_map<(d0, d1) -> (0)>
module attributes {stable_mosaic.version = 14 : i64} {
  func.func @_route(%arg0: i32, %arg1: i32, %arg2: memref<16384xi32, #tpu.memory_space<hbm>>, %arg3: memref<512xi32, #tpu.memory_space<hbm>>, %arg4: memref<16384xi32, #tpu.memory_space<hbm>>, %arg5: memref<16xi32, #tpu.memory_space<hbm>>, %arg6: memref<512xi32, #tpu.memory_space<vmem>>, %arg7: memref<512xi32, #tpu.memory_space<vmem>>, %arg8: memref<512xi32, #tpu.memory_space<vmem>>, %arg9: memref<16xi32, #tpu.memory_space<vmem>>) attributes {dimension_semantics = [#tpu.dimension_semantics<core_parallel>, #tpu.dimension_semantics<subcore_parallel>], iteration_bounds = array<i64: 2, 16>, scalar_prefetch = 0 : i64, scratch_operands = 4 : i64, tpu.core_type = #tpu.core_type<sc_vector_subcore>, window_params = [{transform_indices = #map}, {transform_indices = #map}, {transform_indices = #map}, {transform_indices = #map}]} {
    %mul3A = arith.constant 16 : i32
    %mul3A_0 = arith.muli %arg0, %mul3A : i32
    %add3A = arith.addi %mul3A_0, %arg1 : i32
    %mul3A_1 = arith.constant 512 : i32
    %mul3A_2 = arith.muli %add3A, %mul3A_1 : i32
    %iota3A = tpu.iota {dimensions = array<i32: 0>} : vector<16xi32>
    "tpu.region"() ({
      %run_scoped3A = tpu.sem_alloc : memref<!tpu.dma_semaphore, #tpu.memory_space<semaphore_mem>>
      %dma_start3A = tpu.memref_slice %arg2[%mul3A_2] : memref<16384xi32, #tpu.memory_space<hbm>> -> memref<512xi32, #tpu.memory_space<hbm>>
      %dma_start3A_476 = tpu.memref_slice %arg2[%mul3A_2] : memref<16384xi32, #tpu.memory_space<hbm>> -> memref<512xi32, #tpu.memory_space<hbm>>
      tpu.enqueue_dma source(%dma_start3A_476 : memref<512xi32, #tpu.memory_space<hbm>>) target(%arg6 : memref<512xi32, #tpu.memory_space<vmem>>) target_semaphore(%run_scoped3A : memref<!tpu.dma_semaphore, #tpu.memory_space<semaphore_mem>>)
      %dma_wait3A = tpu.memref_slice %arg2[%mul3A_2] : memref<16384xi32, #tpu.memory_space<hbm>> -> memref<512xi32, #tpu.memory_space<hbm>>
      %dma_wait3A_477 = tpu.memref_slice %arg2[%mul3A_2] : memref<16384xi32, #tpu.memory_space<hbm>> -> memref<512xi32, #tpu.memory_space<hbm>>
      tpu.wait_dma2 semaphore(%run_scoped3A : memref<!tpu.dma_semaphore, #tpu.memory_space<semaphore_mem>>) src(%dma_wait3A_477 : memref<512xi32, #tpu.memory_space<hbm>>) dst(%arg6 : memref<512xi32, #tpu.memory_space<vmem>>)
      tpu.yield
    }) : () -> ()
    "tpu.region"() ({
      %run_scoped3A = tpu.sem_alloc : memref<!tpu.dma_semaphore, #tpu.memory_space<semaphore_mem>>
      tpu.enqueue_dma source(%arg3 : memref<512xi32, #tpu.memory_space<hbm>>) target(%arg7 : memref<512xi32, #tpu.memory_space<vmem>>) target_semaphore(%run_scoped3A : memref<!tpu.dma_semaphore, #tpu.memory_space<semaphore_mem>>)
      tpu.wait_dma2 semaphore(%run_scoped3A : memref<!tpu.dma_semaphore, #tpu.memory_space<semaphore_mem>>) src(%arg3 : memref<512xi32, #tpu.memory_space<hbm>>) dst(%arg7 : memref<512xi32, #tpu.memory_space<vmem>>)
      tpu.yield
    }) : () -> ()
    %broadcast_in_dim3A = arith.constant 0 : i32
    %broadcast_in_dim3A_3 = vector.broadcast %broadcast_in_dim3A : i32 to vector<16xi32>
    %broadcast_in_dim3A_4 = arith.constant 0 : i32
    %broadcast_in_dim3A_5 = vector.broadcast %broadcast_in_dim3A_4 : i32 to vector<16xi32>
    %get3A = arith.constant 0 : index
    %get3A_6 = tpu.vector_load %arg7[%get3A] {strides = array<i32>} : memref<512xi32, #tpu.memory_space<vmem>>, vector<16xi32>,
    %add3A_7 = arith.addi %broadcast_in_dim3A_5, %get3A_6 : vector<16xi32>
    %gt3A = arith.constant 0 : i32
    %gt3A_8 = arith.cmpi sgt, %add3A, %gt3A : i32
    %broadcast_in_dim3A_9 = arith.constant 0 : i32
    %broadcast_in_dim3A_10 = vector.broadcast %broadcast_in_dim3A_9 : i32 to vector<16xi32>
    %select_n3A = arith.select %gt3A_8, %get3A_6, %broadcast_in_dim3A_10 : vector<16xi32>
    %add3A_11 = arith.addi %broadcast_in_dim3A_3, %select_n3A : vector<16xi32>
    %get3A_12 = arith.constant 16 : index
    %get3A_13 = tpu.vector_load %arg7[%get3A_12] {strides = array<i32>} : memref<512xi32, #tpu.memory_space<vmem>>, vector<16xi32>,
    %add3A_14 = arith.addi %add3A_7, %get3A_13 : vector<16xi32>
    %gt3A_15 = arith.constant 1 : i32
    %gt3A_16 = arith.cmpi sgt, %add3A, %gt3A_15 : i32
    %broadcast_in_dim3A_17 = arith.constant 0 : i32
    %broadcast_in_dim3A_18 = vector.broadcast %broadcast_in_dim3A_17 : i32 to vector<16xi32>
    %select_n3A_19 = arith.select %gt3A_16, %get3A_13, %broadcast_in_dim3A_18 : vector<16xi32>
    %add3A_20 = arith.addi %add3A_11, %select_n3A_19 : vector<16xi32>
    %get3A_21 = arith.constant 32 : index
    %get3A_22 = tpu.vector_load %arg7[%get3A_21] {strides = array<i32>} : memref<512xi32, #tpu.memory_space<vmem>>, vector<16xi32>,
    %add3A_23 = arith.addi %add3A_14, %get3A_22 : vector<16xi32>
    %gt3A_24 = arith.constant 2 : i32
    %gt3A_25 = arith.cmpi sgt, %add3A, %gt3A_24 : i32
    %broadcast_in_dim3A_26 = arith.constant 0 : i32
    %broadcast_in_dim3A_27 = vector.broadcast %broadcast_in_dim3A_26 : i32 to vector<16xi32>
    %select_n3A_28 = arith.select %gt3A_25, %get3A_22, %broadcast_in_dim3A_27 : vector<16xi32>
    %add3A_29 = arith.addi %add3A_20, %select_n3A_28 : vector<16xi32>
    %get3A_30 = arith.constant 48 : index
    %get3A_31 = tpu.vector_load %arg7[%get3A_30] {strides = array<i32>} : memref<512xi32, #tpu.memory_space<vmem>>, vector<16xi32>,
    %add3A_32 = arith.addi %add3A_23, %get3A_31 : vector<16xi32>
    %gt3A_33 = arith.constant 3 : i32
    %gt3A_34 = arith.cmpi sgt, %add3A, %gt3A_33 : i32
    %broadcast_in_dim3A_35 = arith.constant 0 : i32
    %broadcast_in_dim3A_36 = vector.broadcast %broadcast_in_dim3A_35 : i32 to vector<16xi32>
    %select_n3A_37 = arith.select %gt3A_34, %get3A_31, %broadcast_in_dim3A_36 : vector<16xi32>
    %add3A_38 = arith.addi %add3A_29, %select_n3A_37 : vector<16xi32>
    %get3A_39 = arith.constant 64 : index
    %get3A_40 = tpu.vector_load %arg7[%get3A_39] {strides = array<i32>} : memref<512xi32, #tpu.memory_space<vmem>>, vector<16xi32>,
    %add3A_41 = arith.addi %add3A_32, %get3A_40 : vector<16xi32>
    %gt3A_42 = arith.constant 4 : i32
    %gt3A_43 = arith.cmpi sgt, %add3A, %gt3A_42 : i32
    %broadcast_in_dim3A_44 = arith.constant 0 : i32
    %broadcast_in_dim3A_45 = vector.broadcast %broadcast_in_dim3A_44 : i32 to vector<16xi32>
    %select_n3A_46 = arith.select %gt3A_43, %get3A_40, %broadcast_in_dim3A_45 : vector<16xi32>
    %add3A_47 = arith.addi %add3A_38, %select_n3A_46 : vector<16xi32>
    %get3A_48 = arith.constant 80 : index
    %get3A_49 = tpu.vector_load %arg7[%get3A_48] {strides = array<i32>} : memref<512xi32, #tpu.memory_space<vmem>>, vector<16xi32>,
    %add3A_50 = arith.addi %add3A_41, %get3A_49 : vector<16xi32>
    %gt3A_51 = arith.constant 5 : i32
    %gt3A_52 = arith.cmpi sgt, %add3A, %gt3A_51 : i32
    %broadcast_in_dim3A_53 = arith.constant 0 : i32
    %broadcast_in_dim3A_54 = vector.broadcast %broadcast_in_dim3A_53 : i32 to vector<16xi32>
    %select_n3A_55 = arith.select %gt3A_52, %get3A_49, %broadcast_in_dim3A_54 : vector<16xi32>
    %add3A_56 = arith.addi %add3A_47, %select_n3A_55 : vector<16xi32>
    %get3A_57 = arith.constant 96 : index
    %get3A_58 = tpu.vector_load %arg7[%get3A_57] {strides = array<i32>} : memref<512xi32, #tpu.memory_space<vmem>>, vector<16xi32>,
    %add3A_59 = arith.addi %add3A_50, %get3A_58 : vector<16xi32>
    %gt3A_60 = arith.constant 6 : i32
    %gt3A_61 = arith.cmpi sgt, %add3A, %gt3A_60 : i32
    %broadcast_in_dim3A_62 = arith.constant 0 : i32
    %broadcast_in_dim3A_63 = vector.broadcast %broadcast_in_dim3A_62 : i32 to vector<16xi32>
    %select_n3A_64 = arith.select %gt3A_61, %get3A_58, %broadcast_in_dim3A_63 : vector<16xi32>
    %add3A_65 = arith.addi %add3A_56, %select_n3A_64 : vector<16xi32>
    %get3A_66 = arith.constant 112 : index
    %get3A_67 = tpu.vector_load %arg7[%get3A_66] {strides = array<i32>} : memref<512xi32, #tpu.memory_space<vmem>>, vector<16xi32>,
    %add3A_68 = arith.addi %add3A_59, %get3A_67 : vector<16xi32>
    %gt3A_69 = arith.constant 7 : i32
    %gt3A_70 = arith.cmpi sgt, %add3A, %gt3A_69 : i32
    %broadcast_in_dim3A_71 = arith.constant 0 : i32
    %broadcast_in_dim3A_72 = vector.broadcast %broadcast_in_dim3A_71 : i32 to vector<16xi32>
    %select_n3A_73 = arith.select %gt3A_70, %get3A_67, %broadcast_in_dim3A_72 : vector<16xi32>
    %add3A_74 = arith.addi %add3A_65, %select_n3A_73 : vector<16xi32>
    %get3A_75 = arith.constant 128 : index
    %get3A_76 = tpu.vector_load %arg7[%get3A_75] {strides = array<i32>} : memref<512xi32, #tpu.memory_space<vmem>>, vector<16xi32>,
    %add3A_77 = arith.addi %add3A_68, %get3A_76 : vector<16xi32>
    %gt3A_78 = arith.constant 8 : i32
    %gt3A_79 = arith.cmpi sgt, %add3A, %gt3A_78 : i32
    %broadcast_in_dim3A_80 = arith.constant 0 : i32
    %broadcast_in_dim3A_81 = vector.broadcast %broadcast_in_dim3A_80 : i32 to vector<16xi32>
    %select_n3A_82 = arith.select %gt3A_79, %get3A_76, %broadcast_in_dim3A_81 : vector<16xi32>
    %add3A_83 = arith.addi %add3A_74, %select_n3A_82 : vector<16xi32>
    %get3A_84 = arith.constant 144 : index
    %get3A_85 = tpu.vector_load %arg7[%get3A_84] {strides = array<i32>} : memref<512xi32, #tpu.memory_space<vmem>>, vector<16xi32>,
    %add3A_86 = arith.addi %add3A_77, %get3A_85 : vector<16xi32>
    %gt3A_87 = arith.constant 9 : i32
    %gt3A_88 = arith.cmpi sgt, %add3A, %gt3A_87 : i32
    %broadcast_in_dim3A_89 = arith.constant 0 : i32
    %broadcast_in_dim3A_90 = vector.broadcast %broadcast_in_dim3A_89 : i32 to vector<16xi32>
    %select_n3A_91 = arith.select %gt3A_88, %get3A_85, %broadcast_in_dim3A_90 : vector<16xi32>
    %add3A_92 = arith.addi %add3A_83, %select_n3A_91 : vector<16xi32>
    %get3A_93 = arith.constant 160 : index
    %get3A_94 = tpu.vector_load %arg7[%get3A_93] {strides = array<i32>} : memref<512xi32, #tpu.memory_space<vmem>>, vector<16xi32>,
    %add3A_95 = arith.addi %add3A_86, %get3A_94 : vector<16xi32>
    %gt3A_96 = arith.constant 10 : i32
    %gt3A_97 = arith.cmpi sgt, %add3A, %gt3A_96 : i32
    %broadcast_in_dim3A_98 = arith.constant 0 : i32
    %broadcast_in_dim3A_99 = vector.broadcast %broadcast_in_dim3A_98 : i32 to vector<16xi32>
    %select_n3A_100 = arith.select %gt3A_97, %get3A_94, %broadcast_in_dim3A_99 : vector<16xi32>
    %add3A_101 = arith.addi %add3A_92, %select_n3A_100 : vector<16xi32>
    %get3A_102 = arith.constant 176 : index
    %get3A_103 = tpu.vector_load %arg7[%get3A_102] {strides = array<i32>} : memref<512xi32, #tpu.memory_space<vmem>>, vector<16xi32>,
    %add3A_104 = arith.addi %add3A_95, %get3A_103 : vector<16xi32>
    %gt3A_105 = arith.constant 11 : i32
    %gt3A_106 = arith.cmpi sgt, %add3A, %gt3A_105 : i32
    %broadcast_in_dim3A_107 = arith.constant 0 : i32
    %broadcast_in_dim3A_108 = vector.broadcast %broadcast_in_dim3A_107 : i32 to vector<16xi32>
    %select_n3A_109 = arith.select %gt3A_106, %get3A_103, %broadcast_in_dim3A_108 : vector<16xi32>
    %add3A_110 = arith.addi %add3A_101, %select_n3A_109 : vector<16xi32>
    %get3A_111 = arith.constant 192 : index
    %get3A_112 = tpu.vector_load %arg7[%get3A_111] {strides = array<i32>} : memref<512xi32, #tpu.memory_space<vmem>>, vector<16xi32>,
    %add3A_113 = arith.addi %add3A_104, %get3A_112 : vector<16xi32>
    %gt3A_114 = arith.constant 12 : i32
    %gt3A_115 = arith.cmpi sgt, %add3A, %gt3A_114 : i32
    %broadcast_in_dim3A_116 = arith.constant 0 : i32
    %broadcast_in_dim3A_117 = vector.broadcast %broadcast_in_dim3A_116 : i32 to vector<16xi32>
    %select_n3A_118 = arith.select %gt3A_115, %get3A_112, %broadcast_in_dim3A_117 : vector<16xi32>
    %add3A_119 = arith.addi %add3A_110, %select_n3A_118 : vector<16xi32>
    %get3A_120 = arith.constant 208 : index
    %get3A_121 = tpu.vector_load %arg7[%get3A_120] {strides = array<i32>} : memref<512xi32, #tpu.memory_space<vmem>>, vector<16xi32>,
    %add3A_122 = arith.addi %add3A_113, %get3A_121 : vector<16xi32>
    %gt3A_123 = arith.constant 13 : i32
    %gt3A_124 = arith.cmpi sgt, %add3A, %gt3A_123 : i32
    %broadcast_in_dim3A_125 = arith.constant 0 : i32
    %broadcast_in_dim3A_126 = vector.broadcast %broadcast_in_dim3A_125 : i32 to vector<16xi32>
    %select_n3A_127 = arith.select %gt3A_124, %get3A_121, %broadcast_in_dim3A_126 : vector<16xi32>
    %add3A_128 = arith.addi %add3A_119, %select_n3A_127 : vector<16xi32>
    %get3A_129 = arith.constant 224 : index
    %get3A_130 = tpu.vector_load %arg7[%get3A_129] {strides = array<i32>} : memref<512xi32, #tpu.memory_space<vmem>>, vector<16xi32>,
    %add3A_131 = arith.addi %add3A_122, %get3A_130 : vector<16xi32>
    %gt3A_132 = arith.constant 14 : i32
    %gt3A_133 = arith.cmpi sgt, %add3A, %gt3A_132 : i32
    %broadcast_in_dim3A_134 = arith.constant 0 : i32
    %broadcast_in_dim3A_135 = vector.broadcast %broadcast_in_dim3A_134 : i32 to vector<16xi32>
    %select_n3A_136 = arith.select %gt3A_133, %get3A_130, %broadcast_in_dim3A_135 : vector<16xi32>
    %add3A_137 = arith.addi %add3A_128, %select_n3A_136 : vector<16xi32>
    %get3A_138 = arith.constant 240 : index
    %get3A_139 = tpu.vector_load %arg7[%get3A_138] {strides = array<i32>} : memref<512xi32, #tpu.memory_space<vmem>>, vector<16xi32>,
    %add3A_140 = arith.addi %add3A_131, %get3A_139 : vector<16xi32>
    %gt3A_141 = arith.constant 15 : i32
    %gt3A_142 = arith.cmpi sgt, %add3A, %gt3A_141 : i32
    %broadcast_in_dim3A_143 = arith.constant 0 : i32
    %broadcast_in_dim3A_144 = vector.broadcast %broadcast_in_dim3A_143 : i32 to vector<16xi32>
    %select_n3A_145 = arith.select %gt3A_142, %get3A_139, %broadcast_in_dim3A_144 : vector<16xi32>
    %add3A_146 = arith.addi %add3A_137, %select_n3A_145 : vector<16xi32>
    %get3A_147 = arith.constant 256 : index
    %get3A_148 = tpu.vector_load %arg7[%get3A_147] {strides = array<i32>} : memref<512xi32, #tpu.memory_space<vmem>>, vector<16xi32>,
    %add3A_149 = arith.addi %add3A_140, %get3A_148 : vector<16xi32>
    %gt3A_150 = arith.constant 16 : i32
    %gt3A_151 = arith.cmpi sgt, %add3A, %gt3A_150 : i32
    %broadcast_in_dim3A_152 = arith.constant 0 : i32
    %broadcast_in_dim3A_153 = vector.broadcast %broadcast_in_dim3A_152 : i32 to vector<16xi32>
    %select_n3A_154 = arith.select %gt3A_151, %get3A_148, %broadcast_in_dim3A_153 : vector<16xi32>
    %add3A_155 = arith.addi %add3A_146, %select_n3A_154 : vector<16xi32>
    %get3A_156 = arith.constant 272 : index
    %get3A_157 = tpu.vector_load %arg7[%get3A_156] {strides = array<i32>} : memref<512xi32, #tpu.memory_space<vmem>>, vector<16xi32>,
    %add3A_158 = arith.addi %add3A_149, %get3A_157 : vector<16xi32>
    %gt3A_159 = arith.constant 17 : i32
    %gt3A_160 = arith.cmpi sgt, %add3A, %gt3A_159 : i32
    %broadcast_in_dim3A_161 = arith.constant 0 : i32
    %broadcast_in_dim3A_162 = vector.broadcast %broadcast_in_dim3A_161 : i32 to vector<16xi32>
    %select_n3A_163 = arith.select %gt3A_160, %get3A_157, %broadcast_in_dim3A_162 : vector<16xi32>
    %add3A_164 = arith.addi %add3A_155, %select_n3A_163 : vector<16xi32>
    %get3A_165 = arith.constant 288 : index
    %get3A_166 = tpu.vector_load %arg7[%get3A_165] {strides = array<i32>} : memref<512xi32, #tpu.memory_space<vmem>>, vector<16xi32>,
    %add3A_167 = arith.addi %add3A_158, %get3A_166 : vector<16xi32>
    %gt3A_168 = arith.constant 18 : i32
    %gt3A_169 = arith.cmpi sgt, %add3A, %gt3A_168 : i32
    %broadcast_in_dim3A_170 = arith.constant 0 : i32
    %broadcast_in_dim3A_171 = vector.broadcast %broadcast_in_dim3A_170 : i32 to vector<16xi32>
    %select_n3A_172 = arith.select %gt3A_169, %get3A_166, %broadcast_in_dim3A_171 : vector<16xi32>
    %add3A_173 = arith.addi %add3A_164, %select_n3A_172 : vector<16xi32>
    %get3A_174 = arith.constant 304 : index
    %get3A_175 = tpu.vector_load %arg7[%get3A_174] {strides = array<i32>} : memref<512xi32, #tpu.memory_space<vmem>>, vector<16xi32>,
    %add3A_176 = arith.addi %add3A_167, %get3A_175 : vector<16xi32>
    %gt3A_177 = arith.constant 19 : i32
    %gt3A_178 = arith.cmpi sgt, %add3A, %gt3A_177 : i32
    %broadcast_in_dim3A_179 = arith.constant 0 : i32
    %broadcast_in_dim3A_180 = vector.broadcast %broadcast_in_dim3A_179 : i32 to vector<16xi32>
    %select_n3A_181 = arith.select %gt3A_178, %get3A_175, %broadcast_in_dim3A_180 : vector<16xi32>
    %add3A_182 = arith.addi %add3A_173, %select_n3A_181 : vector<16xi32>
    %get3A_183 = arith.constant 320 : index
    %get3A_184 = tpu.vector_load %arg7[%get3A_183] {strides = array<i32>} : memref<512xi32, #tpu.memory_space<vmem>>, vector<16xi32>,
    %add3A_185 = arith.addi %add3A_176, %get3A_184 : vector<16xi32>
    %gt3A_186 = arith.constant 20 : i32
    %gt3A_187 = arith.cmpi sgt, %add3A, %gt3A_186 : i32
    %broadcast_in_dim3A_188 = arith.constant 0 : i32
    %broadcast_in_dim3A_189 = vector.broadcast %broadcast_in_dim3A_188 : i32 to vector<16xi32>
    %select_n3A_190 = arith.select %gt3A_187, %get3A_184, %broadcast_in_dim3A_189 : vector<16xi32>
    %add3A_191 = arith.addi %add3A_182, %select_n3A_190 : vector<16xi32>
    %get3A_192 = arith.constant 336 : index
    %get3A_193 = tpu.vector_load %arg7[%get3A_192] {strides = array<i32>} : memref<512xi32, #tpu.memory_space<vmem>>, vector<16xi32>,
    %add3A_194 = arith.addi %add3A_185, %get3A_193 : vector<16xi32>
    %gt3A_195 = arith.constant 21 : i32
    %gt3A_196 = arith.cmpi sgt, %add3A, %gt3A_195 : i32
    %broadcast_in_dim3A_197 = arith.constant 0 : i32
    %broadcast_in_dim3A_198 = vector.broadcast %broadcast_in_dim3A_197 : i32 to vector<16xi32>
    %select_n3A_199 = arith.select %gt3A_196, %get3A_193, %broadcast_in_dim3A_198 : vector<16xi32>
    %add3A_200 = arith.addi %add3A_191, %select_n3A_199 : vector<16xi32>
    %get3A_201 = arith.constant 352 : index
    %get3A_202 = tpu.vector_load %arg7[%get3A_201] {strides = array<i32>} : memref<512xi32, #tpu.memory_space<vmem>>, vector<16xi32>,
    %add3A_203 = arith.addi %add3A_194, %get3A_202 : vector<16xi32>
    %gt3A_204 = arith.constant 22 : i32
    %gt3A_205 = arith.cmpi sgt, %add3A, %gt3A_204 : i32
    %broadcast_in_dim3A_206 = arith.constant 0 : i32
    %broadcast_in_dim3A_207 = vector.broadcast %broadcast_in_dim3A_206 : i32 to vector<16xi32>
    %select_n3A_208 = arith.select %gt3A_205, %get3A_202, %broadcast_in_dim3A_207 : vector<16xi32>
    %add3A_209 = arith.addi %add3A_200, %select_n3A_208 : vector<16xi32>
    %get3A_210 = arith.constant 368 : index
    %get3A_211 = tpu.vector_load %arg7[%get3A_210] {strides = array<i32>} : memref<512xi32, #tpu.memory_space<vmem>>, vector<16xi32>,
    %add3A_212 = arith.addi %add3A_203, %get3A_211 : vector<16xi32>
    %gt3A_213 = arith.constant 23 : i32
    %gt3A_214 = arith.cmpi sgt, %add3A, %gt3A_213 : i32
    %broadcast_in_dim3A_215 = arith.constant 0 : i32
    %broadcast_in_dim3A_216 = vector.broadcast %broadcast_in_dim3A_215 : i32 to vector<16xi32>
    %select_n3A_217 = arith.select %gt3A_214, %get3A_211, %broadcast_in_dim3A_216 : vector<16xi32>
    %add3A_218 = arith.addi %add3A_209, %select_n3A_217 : vector<16xi32>
    %get3A_219 = arith.constant 384 : index
    %get3A_220 = tpu.vector_load %arg7[%get3A_219] {strides = array<i32>} : memref<512xi32, #tpu.memory_space<vmem>>, vector<16xi32>,
    %add3A_221 = arith.addi %add3A_212, %get3A_220 : vector<16xi32>
    %gt3A_222 = arith.constant 24 : i32
    %gt3A_223 = arith.cmpi sgt, %add3A, %gt3A_222 : i32
    %broadcast_in_dim3A_224 = arith.constant 0 : i32
    %broadcast_in_dim3A_225 = vector.broadcast %broadcast_in_dim3A_224 : i32 to vector<16xi32>
    %select_n3A_226 = arith.select %gt3A_223, %get3A_220, %broadcast_in_dim3A_225 : vector<16xi32>
    %add3A_227 = arith.addi %add3A_218, %select_n3A_226 : vector<16xi32>
    %get3A_228 = arith.constant 400 : index
    %get3A_229 = tpu.vector_load %arg7[%get3A_228] {strides = array<i32>} : memref<512xi32, #tpu.memory_space<vmem>>, vector<16xi32>,
    %add3A_230 = arith.addi %add3A_221, %get3A_229 : vector<16xi32>
    %gt3A_231 = arith.constant 25 : i32
    %gt3A_232 = arith.cmpi sgt, %add3A, %gt3A_231 : i32
    %broadcast_in_dim3A_233 = arith.constant 0 : i32
    %broadcast_in_dim3A_234 = vector.broadcast %broadcast_in_dim3A_233 : i32 to vector<16xi32>
    %select_n3A_235 = arith.select %gt3A_232, %get3A_229, %broadcast_in_dim3A_234 : vector<16xi32>
    %add3A_236 = arith.addi %add3A_227, %select_n3A_235 : vector<16xi32>
    %get3A_237 = arith.constant 416 : index
    %get3A_238 = tpu.vector_load %arg7[%get3A_237] {strides = array<i32>} : memref<512xi32, #tpu.memory_space<vmem>>, vector<16xi32>,
    %add3A_239 = arith.addi %add3A_230, %get3A_238 : vector<16xi32>
    %gt3A_240 = arith.constant 26 : i32
    %gt3A_241 = arith.cmpi sgt, %add3A, %gt3A_240 : i32
    %broadcast_in_dim3A_242 = arith.constant 0 : i32
    %broadcast_in_dim3A_243 = vector.broadcast %broadcast_in_dim3A_242 : i32 to vector<16xi32>
    %select_n3A_244 = arith.select %gt3A_241, %get3A_238, %broadcast_in_dim3A_243 : vector<16xi32>
    %add3A_245 = arith.addi %add3A_236, %select_n3A_244 : vector<16xi32>
    %get3A_246 = arith.constant 432 : index
    %get3A_247 = tpu.vector_load %arg7[%get3A_246] {strides = array<i32>} : memref<512xi32, #tpu.memory_space<vmem>>, vector<16xi32>,
    %add3A_248 = arith.addi %add3A_239, %get3A_247 : vector<16xi32>
    %gt3A_249 = arith.constant 27 : i32
    %gt3A_250 = arith.cmpi sgt, %add3A, %gt3A_249 : i32
    %broadcast_in_dim3A_251 = arith.constant 0 : i32
    %broadcast_in_dim3A_252 = vector.broadcast %broadcast_in_dim3A_251 : i32 to vector<16xi32>
    %select_n3A_253 = arith.select %gt3A_250, %get3A_247, %broadcast_in_dim3A_252 : vector<16xi32>
    %add3A_254 = arith.addi %add3A_245, %select_n3A_253 : vector<16xi32>
    %get3A_255 = arith.constant 448 : index
    %get3A_256 = tpu.vector_load %arg7[%get3A_255] {strides = array<i32>} : memref<512xi32, #tpu.memory_space<vmem>>, vector<16xi32>,
    %add3A_257 = arith.addi %add3A_248, %get3A_256 : vector<16xi32>
    %gt3A_258 = arith.constant 28 : i32
    %gt3A_259 = arith.cmpi sgt, %add3A, %gt3A_258 : i32
    %broadcast_in_dim3A_260 = arith.constant 0 : i32
    %broadcast_in_dim3A_261 = vector.broadcast %broadcast_in_dim3A_260 : i32 to vector<16xi32>
    %select_n3A_262 = arith.select %gt3A_259, %get3A_256, %broadcast_in_dim3A_261 : vector<16xi32>
    %add3A_263 = arith.addi %add3A_254, %select_n3A_262 : vector<16xi32>
    %get3A_264 = arith.constant 464 : index
    %get3A_265 = tpu.vector_load %arg7[%get3A_264] {strides = array<i32>} : memref<512xi32, #tpu.memory_space<vmem>>, vector<16xi32>,
    %add3A_266 = arith.addi %add3A_257, %get3A_265 : vector<16xi32>
    %gt3A_267 = arith.constant 29 : i32
    %gt3A_268 = arith.cmpi sgt, %add3A, %gt3A_267 : i32
    %broadcast_in_dim3A_269 = arith.constant 0 : i32
    %broadcast_in_dim3A_270 = vector.broadcast %broadcast_in_dim3A_269 : i32 to vector<16xi32>
    %select_n3A_271 = arith.select %gt3A_268, %get3A_265, %broadcast_in_dim3A_270 : vector<16xi32>
    %add3A_272 = arith.addi %add3A_263, %select_n3A_271 : vector<16xi32>
    %get3A_273 = arith.constant 480 : index
    %get3A_274 = tpu.vector_load %arg7[%get3A_273] {strides = array<i32>} : memref<512xi32, #tpu.memory_space<vmem>>, vector<16xi32>,
    %add3A_275 = arith.addi %add3A_266, %get3A_274 : vector<16xi32>
    %gt3A_276 = arith.constant 30 : i32
    %gt3A_277 = arith.cmpi sgt, %add3A, %gt3A_276 : i32
    %broadcast_in_dim3A_278 = arith.constant 0 : i32
    %broadcast_in_dim3A_279 = vector.broadcast %broadcast_in_dim3A_278 : i32 to vector<16xi32>
    %select_n3A_280 = arith.select %gt3A_277, %get3A_274, %broadcast_in_dim3A_279 : vector<16xi32>
    %add3A_281 = arith.addi %add3A_272, %select_n3A_280 : vector<16xi32>
    %get3A_282 = arith.constant 496 : index
    %get3A_283 = tpu.vector_load %arg7[%get3A_282] {strides = array<i32>} : memref<512xi32, #tpu.memory_space<vmem>>, vector<16xi32>,
    %add3A_284 = arith.addi %add3A_275, %get3A_283 : vector<16xi32>
    %gt3A_285 = arith.constant 31 : i32
    %gt3A_286 = arith.cmpi sgt, %add3A, %gt3A_285 : i32
    %broadcast_in_dim3A_287 = arith.constant 0 : i32
    %broadcast_in_dim3A_288 = vector.broadcast %broadcast_in_dim3A_287 : i32 to vector<16xi32>
    %select_n3A_289 = arith.select %gt3A_286, %get3A_283, %broadcast_in_dim3A_288 : vector<16xi32>
    %add3A_290 = arith.addi %add3A_281, %select_n3A_289 : vector<16xi32>
    %broadcast_in_dim3A_291 = arith.constant true
    %broadcast_in_dim3A_292 = vector.broadcast %broadcast_in_dim3A_291 : i1 to vector<16xi1>
    %masked_cumsum3A = tpu.scan <sum>, %add3A_284 masked %broadcast_in_dim3A_292 : vector<16xi32>, vector<16xi1> -> vector<16xi32>
    %sub3A = arith.subi %masked_cumsum3A, %add3A_284 : vector<16xi32>
    %add3A_293 = arith.addi %sub3A, %add3A_290 : vector<16xi32>
    %eq3A = arith.constant 0 : i32
    %eq3A_294 = arith.cmpi eq, %add3A, %eq3A : i32
    %convert_element_type3A = arith.extui %eq3A_294 : i1 to i32
    %cond3A = arith.constant 0 : i32
    %cond3A_295 = arith.cmpi ne, %convert_element_type3A, %cond3A : i32
    scf.if %cond3A_295 {
      %swap3A = arith.constant 0 : index
      %swap3A_476 = tpu.vector_load %arg9[%swap3A] {strides = array<i32>} : memref<16xi32, #tpu.memory_space<vmem>>, vector<16xi32>,
      tpu.vector_store %arg9[%swap3A], %add3A_284 {strides = array<i32>} : memref<16xi32, #tpu.memory_space<vmem>>, vector<16xi32>,
      "tpu.region"() ({
        %run_scoped3A = tpu.sem_alloc : memref<!tpu.dma_semaphore, #tpu.memory_space<semaphore_mem>>
        tpu.enqueue_dma source(%arg9 : memref<16xi32, #tpu.memory_space<vmem>>) target(%arg5 : memref<16xi32, #tpu.memory_space<hbm>>) target_semaphore(%run_scoped3A : memref<!tpu.dma_semaphore, #tpu.memory_space<semaphore_mem>>)
        tpu.wait_dma2 semaphore(%run_scoped3A : memref<!tpu.dma_semaphore, #tpu.memory_space<semaphore_mem>>) src(%arg9 : memref<16xi32, #tpu.memory_space<vmem>>) dst(%arg5 : memref<16xi32, #tpu.memory_space<hbm>>)
        tpu.yield
      }) : () -> ()
    } else {
    }
    %eq3A_296 = arith.constant 0 : i32
    %eq3A_297 = vector.broadcast %eq3A_296 : i32 to vector<16xi32>
    %eq3A_298 = arith.cmpi eq, %iota3A, %eq3A_297 : vector<16xi32>
    %broadcast_in_dim3A_299 = arith.constant 0 : i32
    %broadcast_in_dim3A_300 = vector.broadcast %broadcast_in_dim3A_299 : i32 to vector<16xi32>
    %select_n3A_301 = arith.select %eq3A_298, %add3A_293, %broadcast_in_dim3A_300 : vector<16xi1>, vector<16xi32>
    %reduce_sum3A = arith.constant true
    %reduce_sum3A_302 = vector.broadcast %reduce_sum3A : i1 to vector<16xi1>
    %reduce_sum3A_303 = tpu.scan <sum>, %select_n3A_301 masked %reduce_sum3A_302 : vector<16xi32>, vector<16xi1> -> vector<16xi32>
    %reduce_sum3A_304 = vector.extract %reduce_sum3A_303[15] : i32 from vector<16xi32>
    %broadcast_in_dim3A_305 = vector.broadcast %reduce_sum3A_304 : i32 to vector<16xi32>
    %eq3A_306 = arith.constant 1 : i32
    %eq3A_307 = vector.broadcast %eq3A_306 : i32 to vector<16xi32>
    %eq3A_308 = arith.cmpi eq, %iota3A, %eq3A_307 : vector<16xi32>
    %broadcast_in_dim3A_309 = arith.constant 0 : i32
    %broadcast_in_dim3A_310 = vector.broadcast %broadcast_in_dim3A_309 : i32 to vector<16xi32>
    %select_n3A_311 = arith.select %eq3A_308, %add3A_293, %broadcast_in_dim3A_310 : vector<16xi1>, vector<16xi32>
    %reduce_sum3A_312 = arith.constant true
    %reduce_sum3A_313 = vector.broadcast %reduce_sum3A_312 : i1 to vector<16xi1>
    %reduce_sum3A_314 = tpu.scan <sum>, %select_n3A_311 masked %reduce_sum3A_313 : vector<16xi32>, vector<16xi1> -> vector<16xi32>
    %reduce_sum3A_315 = vector.extract %reduce_sum3A_314[15] : i32 from vector<16xi32>
    %broadcast_in_dim3A_316 = vector.broadcast %reduce_sum3A_315 : i32 to vector<16xi32>
    %eq3A_317 = arith.constant 2 : i32
    %eq3A_318 = vector.broadcast %eq3A_317 : i32 to vector<16xi32>
    %eq3A_319 = arith.cmpi eq, %iota3A, %eq3A_318 : vector<16xi32>
    %broadcast_in_dim3A_320 = arith.constant 0 : i32
    %broadcast_in_dim3A_321 = vector.broadcast %broadcast_in_dim3A_320 : i32 to vector<16xi32>
    %select_n3A_322 = arith.select %eq3A_319, %add3A_293, %broadcast_in_dim3A_321 : vector<16xi1>, vector<16xi32>
    %reduce_sum3A_323 = arith.constant true
    %reduce_sum3A_324 = vector.broadcast %reduce_sum3A_323 : i1 to vector<16xi1>
    %reduce_sum3A_325 = tpu.scan <sum>, %select_n3A_322 masked %reduce_sum3A_324 : vector<16xi32>, vector<16xi1> -> vector<16xi32>
    %reduce_sum3A_326 = vector.extract %reduce_sum3A_325[15] : i32 from vector<16xi32>
    %broadcast_in_dim3A_327 = vector.broadcast %reduce_sum3A_326 : i32 to vector<16xi32>
    %eq3A_328 = arith.constant 3 : i32
    %eq3A_329 = vector.broadcast %eq3A_328 : i32 to vector<16xi32>
    %eq3A_330 = arith.cmpi eq, %iota3A, %eq3A_329 : vector<16xi32>
    %broadcast_in_dim3A_331 = arith.constant 0 : i32
    %broadcast_in_dim3A_332 = vector.broadcast %broadcast_in_dim3A_331 : i32 to vector<16xi32>
    %select_n3A_333 = arith.select %eq3A_330, %add3A_293, %broadcast_in_dim3A_332 : vector<16xi1>, vector<16xi32>
    %reduce_sum3A_334 = arith.constant true
    %reduce_sum3A_335 = vector.broadcast %reduce_sum3A_334 : i1 to vector<16xi1>
    %reduce_sum3A_336 = tpu.scan <sum>, %select_n3A_333 masked %reduce_sum3A_335 : vector<16xi32>, vector<16xi1> -> vector<16xi32>
    %reduce_sum3A_337 = vector.extract %reduce_sum3A_336[15] : i32 from vector<16xi32>
    %broadcast_in_dim3A_338 = vector.broadcast %reduce_sum3A_337 : i32 to vector<16xi32>
    %eq3A_339 = arith.constant 4 : i32
    %eq3A_340 = vector.broadcast %eq3A_339 : i32 to vector<16xi32>
    %eq3A_341 = arith.cmpi eq, %iota3A, %eq3A_340 : vector<16xi32>
    %broadcast_in_dim3A_342 = arith.constant 0 : i32
    %broadcast_in_dim3A_343 = vector.broadcast %broadcast_in_dim3A_342 : i32 to vector<16xi32>
    %select_n3A_344 = arith.select %eq3A_341, %add3A_293, %broadcast_in_dim3A_343 : vector<16xi1>, vector<16xi32>
    %reduce_sum3A_345 = arith.constant true
    %reduce_sum3A_346 = vector.broadcast %reduce_sum3A_345 : i1 to vector<16xi1>
    %reduce_sum3A_347 = tpu.scan <sum>, %select_n3A_344 masked %reduce_sum3A_346 : vector<16xi32>, vector<16xi1> -> vector<16xi32>
    %reduce_sum3A_348 = vector.extract %reduce_sum3A_347[15] : i32 from vector<16xi32>
    %broadcast_in_dim3A_349 = vector.broadcast %reduce_sum3A_348 : i32 to vector<16xi32>
    %eq3A_350 = arith.constant 5 : i32
    %eq3A_351 = vector.broadcast %eq3A_350 : i32 to vector<16xi32>
    %eq3A_352 = arith.cmpi eq, %iota3A, %eq3A_351 : vector<16xi32>
    %broadcast_in_dim3A_353 = arith.constant 0 : i32
    %broadcast_in_dim3A_354 = vector.broadcast %broadcast_in_dim3A_353 : i32 to vector<16xi32>
    %select_n3A_355 = arith.select %eq3A_352, %add3A_293, %broadcast_in_dim3A_354 : vector<16xi1>, vector<16xi32>
    %reduce_sum3A_356 = arith.constant true
    %reduce_sum3A_357 = vector.broadcast %reduce_sum3A_356 : i1 to vector<16xi1>
    %reduce_sum3A_358 = tpu.scan <sum>, %select_n3A_355 masked %reduce_sum3A_357 : vector<16xi32>, vector<16xi1> -> vector<16xi32>
    %reduce_sum3A_359 = vector.extract %reduce_sum3A_358[15] : i32 from vector<16xi32>
    %broadcast_in_dim3A_360 = vector.broadcast %reduce_sum3A_359 : i32 to vector<16xi32>
    %eq3A_361 = arith.constant 6 : i32
    %eq3A_362 = vector.broadcast %eq3A_361 : i32 to vector<16xi32>
    %eq3A_363 = arith.cmpi eq, %iota3A, %eq3A_362 : vector<16xi32>
    %broadcast_in_dim3A_364 = arith.constant 0 : i32
    %broadcast_in_dim3A_365 = vector.broadcast %broadcast_in_dim3A_364 : i32 to vector<16xi32>
    %select_n3A_366 = arith.select %eq3A_363, %add3A_293, %broadcast_in_dim3A_365 : vector<16xi1>, vector<16xi32>
    %reduce_sum3A_367 = arith.constant true
    %reduce_sum3A_368 = vector.broadcast %reduce_sum3A_367 : i1 to vector<16xi1>
    %reduce_sum3A_369 = tpu.scan <sum>, %select_n3A_366 masked %reduce_sum3A_368 : vector<16xi32>, vector<16xi1> -> vector<16xi32>
    %reduce_sum3A_370 = vector.extract %reduce_sum3A_369[15] : i32 from vector<16xi32>
    %broadcast_in_dim3A_371 = vector.broadcast %reduce_sum3A_370 : i32 to vector<16xi32>
    %eq3A_372 = arith.constant 7 : i32
    %eq3A_373 = vector.broadcast %eq3A_372 : i32 to vector<16xi32>
    %eq3A_374 = arith.cmpi eq, %iota3A, %eq3A_373 : vector<16xi32>
    %broadcast_in_dim3A_375 = arith.constant 0 : i32
    %broadcast_in_dim3A_376 = vector.broadcast %broadcast_in_dim3A_375 : i32 to vector<16xi32>
    %select_n3A_377 = arith.select %eq3A_374, %add3A_293, %broadcast_in_dim3A_376 : vector<16xi1>, vector<16xi32>
    %reduce_sum3A_378 = arith.constant true
    %reduce_sum3A_379 = vector.broadcast %reduce_sum3A_378 : i1 to vector<16xi1>
    %reduce_sum3A_380 = tpu.scan <sum>, %select_n3A_377 masked %reduce_sum3A_379 : vector<16xi32>, vector<16xi1> -> vector<16xi32>
    %reduce_sum3A_381 = vector.extract %reduce_sum3A_380[15] : i32 from vector<16xi32>
    %broadcast_in_dim3A_382 = vector.broadcast %reduce_sum3A_381 : i32 to vector<16xi32>
    %eq3A_383 = arith.constant 8 : i32
    %eq3A_384 = vector.broadcast %eq3A_383 : i32 to vector<16xi32>
    %eq3A_385 = arith.cmpi eq, %iota3A, %eq3A_384 : vector<16xi32>
    %broadcast_in_dim3A_386 = arith.constant 0 : i32
    %broadcast_in_dim3A_387 = vector.broadcast %broadcast_in_dim3A_386 : i32 to vector<16xi32>
    %select_n3A_388 = arith.select %eq3A_385, %add3A_293, %broadcast_in_dim3A_387 : vector<16xi1>, vector<16xi32>
    %reduce_sum3A_389 = arith.constant true
    %reduce_sum3A_390 = vector.broadcast %reduce_sum3A_389 : i1 to vector<16xi1>
    %reduce_sum3A_391 = tpu.scan <sum>, %select_n3A_388 masked %reduce_sum3A_390 : vector<16xi32>, vector<16xi1> -> vector<16xi32>
    %reduce_sum3A_392 = vector.extract %reduce_sum3A_391[15] : i32 from vector<16xi32>
    %broadcast_in_dim3A_393 = vector.broadcast %reduce_sum3A_392 : i32 to vector<16xi32>
    %eq3A_394 = arith.constant 9 : i32
    %eq3A_395 = vector.broadcast %eq3A_394 : i32 to vector<16xi32>
    %eq3A_396 = arith.cmpi eq, %iota3A, %eq3A_395 : vector<16xi32>
    %broadcast_in_dim3A_397 = arith.constant 0 : i32
    %broadcast_in_dim3A_398 = vector.broadcast %broadcast_in_dim3A_397 : i32 to vector<16xi32>
    %select_n3A_399 = arith.select %eq3A_396, %add3A_293, %broadcast_in_dim3A_398 : vector<16xi1>, vector<16xi32>
    %reduce_sum3A_400 = arith.constant true
    %reduce_sum3A_401 = vector.broadcast %reduce_sum3A_400 : i1 to vector<16xi1>
    %reduce_sum3A_402 = tpu.scan <sum>, %select_n3A_399 masked %reduce_sum3A_401 : vector<16xi32>, vector<16xi1> -> vector<16xi32>
    %reduce_sum3A_403 = vector.extract %reduce_sum3A_402[15] : i32 from vector<16xi32>
    %broadcast_in_dim3A_404 = vector.broadcast %reduce_sum3A_403 : i32 to vector<16xi32>
    %eq3A_405 = arith.constant 10 : i32
    %eq3A_406 = vector.broadcast %eq3A_405 : i32 to vector<16xi32>
    %eq3A_407 = arith.cmpi eq, %iota3A, %eq3A_406 : vector<16xi32>
    %broadcast_in_dim3A_408 = arith.constant 0 : i32
    %broadcast_in_dim3A_409 = vector.broadcast %broadcast_in_dim3A_408 : i32 to vector<16xi32>
    %select_n3A_410 = arith.select %eq3A_407, %add3A_293, %broadcast_in_dim3A_409 : vector<16xi1>, vector<16xi32>
    %reduce_sum3A_411 = arith.constant true
    %reduce_sum3A_412 = vector.broadcast %reduce_sum3A_411 : i1 to vector<16xi1>
    %reduce_sum3A_413 = tpu.scan <sum>, %select_n3A_410 masked %reduce_sum3A_412 : vector<16xi32>, vector<16xi1> -> vector<16xi32>
    %reduce_sum3A_414 = vector.extract %reduce_sum3A_413[15] : i32 from vector<16xi32>
    %broadcast_in_dim3A_415 = vector.broadcast %reduce_sum3A_414 : i32 to vector<16xi32>
    %eq3A_416 = arith.constant 11 : i32
    %eq3A_417 = vector.broadcast %eq3A_416 : i32 to vector<16xi32>
    %eq3A_418 = arith.cmpi eq, %iota3A, %eq3A_417 : vector<16xi32>
    %broadcast_in_dim3A_419 = arith.constant 0 : i32
    %broadcast_in_dim3A_420 = vector.broadcast %broadcast_in_dim3A_419 : i32 to vector<16xi32>
    %select_n3A_421 = arith.select %eq3A_418, %add3A_293, %broadcast_in_dim3A_420 : vector<16xi1>, vector<16xi32>
    %reduce_sum3A_422 = arith.constant true
    %reduce_sum3A_423 = vector.broadcast %reduce_sum3A_422 : i1 to vector<16xi1>
    %reduce_sum3A_424 = tpu.scan <sum>, %select_n3A_421 masked %reduce_sum3A_423 : vector<16xi32>, vector<16xi1> -> vector<16xi32>
    %reduce_sum3A_425 = vector.extract %reduce_sum3A_424[15] : i32 from vector<16xi32>
    %broadcast_in_dim3A_426 = vector.broadcast %reduce_sum3A_425 : i32 to vector<16xi32>
    %eq3A_427 = arith.constant 12 : i32
    %eq3A_428 = vector.broadcast %eq3A_427 : i32 to vector<16xi32>
    %eq3A_429 = arith.cmpi eq, %iota3A, %eq3A_428 : vector<16xi32>
    %broadcast_in_dim3A_430 = arith.constant 0 : i32
    %broadcast_in_dim3A_431 = vector.broadcast %broadcast_in_dim3A_430 : i32 to vector<16xi32>
    %select_n3A_432 = arith.select %eq3A_429, %add3A_293, %broadcast_in_dim3A_431 : vector<16xi1>, vector<16xi32>
    %reduce_sum3A_433 = arith.constant true
    %reduce_sum3A_434 = vector.broadcast %reduce_sum3A_433 : i1 to vector<16xi1>
    %reduce_sum3A_435 = tpu.scan <sum>, %select_n3A_432 masked %reduce_sum3A_434 : vector<16xi32>, vector<16xi1> -> vector<16xi32>
    %reduce_sum3A_436 = vector.extract %reduce_sum3A_435[15] : i32 from vector<16xi32>
    %broadcast_in_dim3A_437 = vector.broadcast %reduce_sum3A_436 : i32 to vector<16xi32>
    %eq3A_438 = arith.constant 13 : i32
    %eq3A_439 = vector.broadcast %eq3A_438 : i32 to vector<16xi32>
    %eq3A_440 = arith.cmpi eq, %iota3A, %eq3A_439 : vector<16xi32>
    %broadcast_in_dim3A_441 = arith.constant 0 : i32
    %broadcast_in_dim3A_442 = vector.broadcast %broadcast_in_dim3A_441 : i32 to vector<16xi32>
    %select_n3A_443 = arith.select %eq3A_440, %add3A_293, %broadcast_in_dim3A_442 : vector<16xi1>, vector<16xi32>
    %reduce_sum3A_444 = arith.constant true
    %reduce_sum3A_445 = vector.broadcast %reduce_sum3A_444 : i1 to vector<16xi1>
    %reduce_sum3A_446 = tpu.scan <sum>, %select_n3A_443 masked %reduce_sum3A_445 : vector<16xi32>, vector<16xi1> -> vector<16xi32>
    %reduce_sum3A_447 = vector.extract %reduce_sum3A_446[15] : i32 from vector<16xi32>
    %broadcast_in_dim3A_448 = vector.broadcast %reduce_sum3A_447 : i32 to vector<16xi32>
    %eq3A_449 = arith.constant 14 : i32
    %eq3A_450 = vector.broadcast %eq3A_449 : i32 to vector<16xi32>
    %eq3A_451 = arith.cmpi eq, %iota3A, %eq3A_450 : vector<16xi32>
    %broadcast_in_dim3A_452 = arith.constant 0 : i32
    %broadcast_in_dim3A_453 = vector.broadcast %broadcast_in_dim3A_452 : i32 to vector<16xi32>
    %select_n3A_454 = arith.select %eq3A_451, %add3A_293, %broadcast_in_dim3A_453 : vector<16xi1>, vector<16xi32>
    %reduce_sum3A_455 = arith.constant true
    %reduce_sum3A_456 = vector.broadcast %reduce_sum3A_455 : i1 to vector<16xi1>
    %reduce_sum3A_457 = tpu.scan <sum>, %select_n3A_454 masked %reduce_sum3A_456 : vector<16xi32>, vector<16xi1> -> vector<16xi32>
    %reduce_sum3A_458 = vector.extract %reduce_sum3A_457[15] : i32 from vector<16xi32>
    %broadcast_in_dim3A_459 = vector.broadcast %reduce_sum3A_458 : i32 to vector<16xi32>
    %eq3A_460 = arith.constant 15 : i32
    %eq3A_461 = vector.broadcast %eq3A_460 : i32 to vector<16xi32>
    %eq3A_462 = arith.cmpi eq, %iota3A, %eq3A_461 : vector<16xi32>
    %broadcast_in_dim3A_463 = arith.constant 0 : i32
    %broadcast_in_dim3A_464 = vector.broadcast %broadcast_in_dim3A_463 : i32 to vector<16xi32>
    %select_n3A_465 = arith.select %eq3A_462, %add3A_293, %broadcast_in_dim3A_464 : vector<16xi1>, vector<16xi32>
    %reduce_sum3A_466 = arith.constant true
    %reduce_sum3A_467 = vector.broadcast %reduce_sum3A_466 : i1 to vector<16xi1>
    %reduce_sum3A_468 = tpu.scan <sum>, %select_n3A_465 masked %reduce_sum3A_467 : vector<16xi32>, vector<16xi1> -> vector<16xi32>
    %reduce_sum3A_469 = vector.extract %reduce_sum3A_468[15] : i32 from vector<16xi32>
    %broadcast_in_dim3A_470 = vector.broadcast %reduce_sum3A_469 : i32 to vector<16xi32>
    %scan3A = arith.constant 0 : i32
    %scan3A_471 = arith.constant 32 : i32
    %scan3A_472 = arith.addi %scan3A, %scan3A_471 : i32
    %scan3A_473 = arith.constant 1 : i32
    %scan3A_474:16 = scf.for %scan3A_476 = %scan3A to %scan3A_472 step %scan3A_473 iter_args(%scan3A_477 = %broadcast_in_dim3A_305, %scan3A_478 = %broadcast_in_dim3A_316, %scan3A_479 = %broadcast_in_dim3A_327, %scan3A_480 = %broadcast_in_dim3A_338, %scan3A_481 = %broadcast_in_dim3A_349, %scan3A_482 = %broadcast_in_dim3A_360, %scan3A_483 = %broadcast_in_dim3A_371, %scan3A_484 = %broadcast_in_dim3A_382, %scan3A_485 = %broadcast_in_dim3A_393, %scan3A_486 = %broadcast_in_dim3A_404, %scan3A_487 = %broadcast_in_dim3A_415, %scan3A_488 = %broadcast_in_dim3A_426, %scan3A_489 = %broadcast_in_dim3A_437, %scan3A_490 = %broadcast_in_dim3A_448, %scan3A_491 = %broadcast_in_dim3A_459, %scan3A_492 = %broadcast_in_dim3A_470) -> (vector<16xi32>, vector<16xi32>, vector<16xi32>, vector<16xi32>, vector<16xi32>, vector<16xi32>, vector<16xi32>, vector<16xi32>, vector<16xi32>, vector<16xi32>, vector<16xi32>, vector<16xi32>, vector<16xi32>, vector<16xi32>, vector<16xi32>, vector<16xi32>)  : i32 {
      %mul3A_493 = arith.constant 16 : i32
      %mul3A_494 = arith.muli %scan3A_476, %mul3A_493 : i32
      %get3A_495 = arith.index_cast %mul3A_494 : i32 to index
      %get3A_496 = tpu.vector_load %arg6[%get3A_495] {strides = array<i32>} : memref<512xi32, #tpu.memory_space<vmem>>, vector<16xi32>,
      %broadcast_in_dim3A_497 = arith.constant 0 : i32
      %broadcast_in_dim3A_498 = vector.broadcast %broadcast_in_dim3A_497 : i32 to vector<16xi32>
      %eq3A_499 = arith.constant 0 : i32
      %eq3A_500 = vector.broadcast %eq3A_499 : i32 to vector<16xi32>
      %eq3A_501 = arith.cmpi eq, %get3A_496, %eq3A_500 : vector<16xi32>
      %convert_element_type3A_502 = arith.extui %eq3A_501 : vector<16xi1> to vector<16xi32>
      %broadcast_in_dim3A_503 = arith.constant true
      %broadcast_in_dim3A_504 = vector.broadcast %broadcast_in_dim3A_503 : i1 to vector<16xi1>
      %masked_cumsum3A_505 = tpu.scan <sum>, %convert_element_type3A_502 masked %broadcast_in_dim3A_504 : vector<16xi32>, vector<16xi1> -> vector<16xi32>
      %add3A_506 = arith.addi %scan3A_477, %masked_cumsum3A_505 : vector<16xi32>
      %sub3A_507 = arith.constant 1 : i32
      %sub3A_508 = vector.broadcast %sub3A_507 : i32 to vector<16xi32>
      %sub3A_509 = arith.subi %add3A_506, %sub3A_508 : vector<16xi32>
      %select_n3A_510 = arith.select %eq3A_501, %sub3A_509, %broadcast_in_dim3A_498 : vector<16xi1>, vector<16xi32>
      %all_reduce_population_count3A = tpu.all_reduce %eq3A_501 {dim = 0 : i64, kind = #tpu.reduction_kind<sum>} : vector<16xi1> -> vector<16xi32>
      %add3A_511 = arith.addi %scan3A_477, %all_reduce_population_count3A : vector<16xi32>
      %eq3A_512 = arith.constant 1 : i32
      %eq3A_513 = vector.broadcast %eq3A_512 : i32 to vector<16xi32>
      %eq3A_514 = arith.cmpi eq, %get3A_496, %eq3A_513 : vector<16xi32>
      %convert_element_type3A_515 = arith.extui %eq3A_514 : vector<16xi1> to vector<16xi32>
      %broadcast_in_dim3A_516 = arith.constant true
      %broadcast_in_dim3A_517 = vector.broadcast %broadcast_in_dim3A_516 : i1 to vector<16xi1>
      %masked_cumsum3A_518 = tpu.scan <sum>, %convert_element_type3A_515 masked %broadcast_in_dim3A_517 : vector<16xi32>, vector<16xi1> -> vector<16xi32>
      %add3A_519 = arith.addi %scan3A_478, %masked_cumsum3A_518 : vector<16xi32>
      %sub3A_520 = arith.constant 1 : i32
      %sub3A_521 = vector.broadcast %sub3A_520 : i32 to vector<16xi32>
      %sub3A_522 = arith.subi %add3A_519, %sub3A_521 : vector<16xi32>
      %select_n3A_523 = arith.select %eq3A_514, %sub3A_522, %select_n3A_510 : vector<16xi1>, vector<16xi32>
      %all_reduce_population_count3A_524 = tpu.all_reduce %eq3A_514 {dim = 0 : i64, kind = #tpu.reduction_kind<sum>} : vector<16xi1> -> vector<16xi32>
      %add3A_525 = arith.addi %scan3A_478, %all_reduce_population_count3A_524 : vector<16xi32>
      %eq3A_526 = arith.constant 2 : i32
      %eq3A_527 = vector.broadcast %eq3A_526 : i32 to vector<16xi32>
      %eq3A_528 = arith.cmpi eq, %get3A_496, %eq3A_527 : vector<16xi32>
      %convert_element_type3A_529 = arith.extui %eq3A_528 : vector<16xi1> to vector<16xi32>
      %broadcast_in_dim3A_530 = arith.constant true
      %broadcast_in_dim3A_531 = vector.broadcast %broadcast_in_dim3A_530 : i1 to vector<16xi1>
      %masked_cumsum3A_532 = tpu.scan <sum>, %convert_element_type3A_529 masked %broadcast_in_dim3A_531 : vector<16xi32>, vector<16xi1> -> vector<16xi32>
      %add3A_533 = arith.addi %scan3A_479, %masked_cumsum3A_532 : vector<16xi32>
      %sub3A_534 = arith.constant 1 : i32
      %sub3A_535 = vector.broadcast %sub3A_534 : i32 to vector<16xi32>
      %sub3A_536 = arith.subi %add3A_533, %sub3A_535 : vector<16xi32>
      %select_n3A_537 = arith.select %eq3A_528, %sub3A_536, %select_n3A_523 : vector<16xi1>, vector<16xi32>
      %all_reduce_population_count3A_538 = tpu.all_reduce %eq3A_528 {dim = 0 : i64, kind = #tpu.reduction_kind<sum>} : vector<16xi1> -> vector<16xi32>
      %add3A_539 = arith.addi %scan3A_479, %all_reduce_population_count3A_538 : vector<16xi32>
      %eq3A_540 = arith.constant 3 : i32
      %eq3A_541 = vector.broadcast %eq3A_540 : i32 to vector<16xi32>
      %eq3A_542 = arith.cmpi eq, %get3A_496, %eq3A_541 : vector<16xi32>
      %convert_element_type3A_543 = arith.extui %eq3A_542 : vector<16xi1> to vector<16xi32>
      %broadcast_in_dim3A_544 = arith.constant true
      %broadcast_in_dim3A_545 = vector.broadcast %broadcast_in_dim3A_544 : i1 to vector<16xi1>
      %masked_cumsum3A_546 = tpu.scan <sum>, %convert_element_type3A_543 masked %broadcast_in_dim3A_545 : vector<16xi32>, vector<16xi1> -> vector<16xi32>
      %add3A_547 = arith.addi %scan3A_480, %masked_cumsum3A_546 : vector<16xi32>
      %sub3A_548 = arith.constant 1 : i32
      %sub3A_549 = vector.broadcast %sub3A_548 : i32 to vector<16xi32>
      %sub3A_550 = arith.subi %add3A_547, %sub3A_549 : vector<16xi32>
      %select_n3A_551 = arith.select %eq3A_542, %sub3A_550, %select_n3A_537 : vector<16xi1>, vector<16xi32>
      %all_reduce_population_count3A_552 = tpu.all_reduce %eq3A_542 {dim = 0 : i64, kind = #tpu.reduction_kind<sum>} : vector<16xi1> -> vector<16xi32>
      %add3A_553 = arith.addi %scan3A_480, %all_reduce_population_count3A_552 : vector<16xi32>
      %eq3A_554 = arith.constant 4 : i32
      %eq3A_555 = vector.broadcast %eq3A_554 : i32 to vector<16xi32>
      %eq3A_556 = arith.cmpi eq, %get3A_496, %eq3A_555 : vector<16xi32>
      %convert_element_type3A_557 = arith.extui %eq3A_556 : vector<16xi1> to vector<16xi32>
      %broadcast_in_dim3A_558 = arith.constant true
      %broadcast_in_dim3A_559 = vector.broadcast %broadcast_in_dim3A_558 : i1 to vector<16xi1>
      %masked_cumsum3A_560 = tpu.scan <sum>, %convert_element_type3A_557 masked %broadcast_in_dim3A_559 : vector<16xi32>, vector<16xi1> -> vector<16xi32>
      %add3A_561 = arith.addi %scan3A_481, %masked_cumsum3A_560 : vector<16xi32>
      %sub3A_562 = arith.constant 1 : i32
      %sub3A_563 = vector.broadcast %sub3A_562 : i32 to vector<16xi32>
      %sub3A_564 = arith.subi %add3A_561, %sub3A_563 : vector<16xi32>
      %select_n3A_565 = arith.select %eq3A_556, %sub3A_564, %select_n3A_551 : vector<16xi1>, vector<16xi32>
      %all_reduce_population_count3A_566 = tpu.all_reduce %eq3A_556 {dim = 0 : i64, kind = #tpu.reduction_kind<sum>} : vector<16xi1> -> vector<16xi32>
      %add3A_567 = arith.addi %scan3A_481, %all_reduce_population_count3A_566 : vector<16xi32>
      %eq3A_568 = arith.constant 5 : i32
      %eq3A_569 = vector.broadcast %eq3A_568 : i32 to vector<16xi32>
      %eq3A_570 = arith.cmpi eq, %get3A_496, %eq3A_569 : vector<16xi32>
      %convert_element_type3A_571 = arith.extui %eq3A_570 : vector<16xi1> to vector<16xi32>
      %broadcast_in_dim3A_572 = arith.constant true
      %broadcast_in_dim3A_573 = vector.broadcast %broadcast_in_dim3A_572 : i1 to vector<16xi1>
      %masked_cumsum3A_574 = tpu.scan <sum>, %convert_element_type3A_571 masked %broadcast_in_dim3A_573 : vector<16xi32>, vector<16xi1> -> vector<16xi32>
      %add3A_575 = arith.addi %scan3A_482, %masked_cumsum3A_574 : vector<16xi32>
      %sub3A_576 = arith.constant 1 : i32
      %sub3A_577 = vector.broadcast %sub3A_576 : i32 to vector<16xi32>
      %sub3A_578 = arith.subi %add3A_575, %sub3A_577 : vector<16xi32>
      %select_n3A_579 = arith.select %eq3A_570, %sub3A_578, %select_n3A_565 : vector<16xi1>, vector<16xi32>
      %all_reduce_population_count3A_580 = tpu.all_reduce %eq3A_570 {dim = 0 : i64, kind = #tpu.reduction_kind<sum>} : vector<16xi1> -> vector<16xi32>
      %add3A_581 = arith.addi %scan3A_482, %all_reduce_population_count3A_580 : vector<16xi32>
      %eq3A_582 = arith.constant 6 : i32
      %eq3A_583 = vector.broadcast %eq3A_582 : i32 to vector<16xi32>
      %eq3A_584 = arith.cmpi eq, %get3A_496, %eq3A_583 : vector<16xi32>
      %convert_element_type3A_585 = arith.extui %eq3A_584 : vector<16xi1> to vector<16xi32>
      %broadcast_in_dim3A_586 = arith.constant true
      %broadcast_in_dim3A_587 = vector.broadcast %broadcast_in_dim3A_586 : i1 to vector<16xi1>
      %masked_cumsum3A_588 = tpu.scan <sum>, %convert_element_type3A_585 masked %broadcast_in_dim3A_587 : vector<16xi32>, vector<16xi1> -> vector<16xi32>
      %add3A_589 = arith.addi %scan3A_483, %masked_cumsum3A_588 : vector<16xi32>
      %sub3A_590 = arith.constant 1 : i32
      %sub3A_591 = vector.broadcast %sub3A_590 : i32 to vector<16xi32>
      %sub3A_592 = arith.subi %add3A_589, %sub3A_591 : vector<16xi32>
      %select_n3A_593 = arith.select %eq3A_584, %sub3A_592, %select_n3A_579 : vector<16xi1>, vector<16xi32>
      %all_reduce_population_count3A_594 = tpu.all_reduce %eq3A_584 {dim = 0 : i64, kind = #tpu.reduction_kind<sum>} : vector<16xi1> -> vector<16xi32>
      %add3A_595 = arith.addi %scan3A_483, %all_reduce_population_count3A_594 : vector<16xi32>
      %eq3A_596 = arith.constant 7 : i32
      %eq3A_597 = vector.broadcast %eq3A_596 : i32 to vector<16xi32>
      %eq3A_598 = arith.cmpi eq, %get3A_496, %eq3A_597 : vector<16xi32>
      %convert_element_type3A_599 = arith.extui %eq3A_598 : vector<16xi1> to vector<16xi32>
      %broadcast_in_dim3A_600 = arith.constant true
      %broadcast_in_dim3A_601 = vector.broadcast %broadcast_in_dim3A_600 : i1 to vector<16xi1>
      %masked_cumsum3A_602 = tpu.scan <sum>, %convert_element_type3A_599 masked %broadcast_in_dim3A_601 : vector<16xi32>, vector<16xi1> -> vector<16xi32>
      %add3A_603 = arith.addi %scan3A_484, %masked_cumsum3A_602 : vector<16xi32>
      %sub3A_604 = arith.constant 1 : i32
      %sub3A_605 = vector.broadcast %sub3A_604 : i32 to vector<16xi32>
      %sub3A_606 = arith.subi %add3A_603, %sub3A_605 : vector<16xi32>
      %select_n3A_607 = arith.select %eq3A_598, %sub3A_606, %select_n3A_593 : vector<16xi1>, vector<16xi32>
      %all_reduce_population_count3A_608 = tpu.all_reduce %eq3A_598 {dim = 0 : i64, kind = #tpu.reduction_kind<sum>} : vector<16xi1> -> vector<16xi32>
      %add3A_609 = arith.addi %scan3A_484, %all_reduce_population_count3A_608 : vector<16xi32>
      %eq3A_610 = arith.constant 8 : i32
      %eq3A_611 = vector.broadcast %eq3A_610 : i32 to vector<16xi32>
      %eq3A_612 = arith.cmpi eq, %get3A_496, %eq3A_611 : vector<16xi32>
      %convert_element_type3A_613 = arith.extui %eq3A_612 : vector<16xi1> to vector<16xi32>
      %broadcast_in_dim3A_614 = arith.constant true
      %broadcast_in_dim3A_615 = vector.broadcast %broadcast_in_dim3A_614 : i1 to vector<16xi1>
      %masked_cumsum3A_616 = tpu.scan <sum>, %convert_element_type3A_613 masked %broadcast_in_dim3A_615 : vector<16xi32>, vector<16xi1> -> vector<16xi32>
      %add3A_617 = arith.addi %scan3A_485, %masked_cumsum3A_616 : vector<16xi32>
      %sub3A_618 = arith.constant 1 : i32
      %sub3A_619 = vector.broadcast %sub3A_618 : i32 to vector<16xi32>
      %sub3A_620 = arith.subi %add3A_617, %sub3A_619 : vector<16xi32>
      %select_n3A_621 = arith.select %eq3A_612, %sub3A_620, %select_n3A_607 : vector<16xi1>, vector<16xi32>
      %all_reduce_population_count3A_622 = tpu.all_reduce %eq3A_612 {dim = 0 : i64, kind = #tpu.reduction_kind<sum>} : vector<16xi1> -> vector<16xi32>
      %add3A_623 = arith.addi %scan3A_485, %all_reduce_population_count3A_622 : vector<16xi32>
      %eq3A_624 = arith.constant 9 : i32
      %eq3A_625 = vector.broadcast %eq3A_624 : i32 to vector<16xi32>
      %eq3A_626 = arith.cmpi eq, %get3A_496, %eq3A_625 : vector<16xi32>
      %convert_element_type3A_627 = arith.extui %eq3A_626 : vector<16xi1> to vector<16xi32>
      %broadcast_in_dim3A_628 = arith.constant true
      %broadcast_in_dim3A_629 = vector.broadcast %broadcast_in_dim3A_628 : i1 to vector<16xi1>
      %masked_cumsum3A_630 = tpu.scan <sum>, %convert_element_type3A_627 masked %broadcast_in_dim3A_629 : vector<16xi32>, vector<16xi1> -> vector<16xi32>
      %add3A_631 = arith.addi %scan3A_486, %masked_cumsum3A_630 : vector<16xi32>
      %sub3A_632 = arith.constant 1 : i32
      %sub3A_633 = vector.broadcast %sub3A_632 : i32 to vector<16xi32>
      %sub3A_634 = arith.subi %add3A_631, %sub3A_633 : vector<16xi32>
      %select_n3A_635 = arith.select %eq3A_626, %sub3A_634, %select_n3A_621 : vector<16xi1>, vector<16xi32>
      %all_reduce_population_count3A_636 = tpu.all_reduce %eq3A_626 {dim = 0 : i64, kind = #tpu.reduction_kind<sum>} : vector<16xi1> -> vector<16xi32>
      %add3A_637 = arith.addi %scan3A_486, %all_reduce_population_count3A_636 : vector<16xi32>
      %eq3A_638 = arith.constant 10 : i32
      %eq3A_639 = vector.broadcast %eq3A_638 : i32 to vector<16xi32>
      %eq3A_640 = arith.cmpi eq, %get3A_496, %eq3A_639 : vector<16xi32>
      %convert_element_type3A_641 = arith.extui %eq3A_640 : vector<16xi1> to vector<16xi32>
      %broadcast_in_dim3A_642 = arith.constant true
      %broadcast_in_dim3A_643 = vector.broadcast %broadcast_in_dim3A_642 : i1 to vector<16xi1>
      %masked_cumsum3A_644 = tpu.scan <sum>, %convert_element_type3A_641 masked %broadcast_in_dim3A_643 : vector<16xi32>, vector<16xi1> -> vector<16xi32>
      %add3A_645 = arith.addi %scan3A_487, %masked_cumsum3A_644 : vector<16xi32>
      %sub3A_646 = arith.constant 1 : i32
      %sub3A_647 = vector.broadcast %sub3A_646 : i32 to vector<16xi32>
      %sub3A_648 = arith.subi %add3A_645, %sub3A_647 : vector<16xi32>
      %select_n3A_649 = arith.select %eq3A_640, %sub3A_648, %select_n3A_635 : vector<16xi1>, vector<16xi32>
      %all_reduce_population_count3A_650 = tpu.all_reduce %eq3A_640 {dim = 0 : i64, kind = #tpu.reduction_kind<sum>} : vector<16xi1> -> vector<16xi32>
      %add3A_651 = arith.addi %scan3A_487, %all_reduce_population_count3A_650 : vector<16xi32>
      %eq3A_652 = arith.constant 11 : i32
      %eq3A_653 = vector.broadcast %eq3A_652 : i32 to vector<16xi32>
      %eq3A_654 = arith.cmpi eq, %get3A_496, %eq3A_653 : vector<16xi32>
      %convert_element_type3A_655 = arith.extui %eq3A_654 : vector<16xi1> to vector<16xi32>
      %broadcast_in_dim3A_656 = arith.constant true
      %broadcast_in_dim3A_657 = vector.broadcast %broadcast_in_dim3A_656 : i1 to vector<16xi1>
      %masked_cumsum3A_658 = tpu.scan <sum>, %convert_element_type3A_655 masked %broadcast_in_dim3A_657 : vector<16xi32>, vector<16xi1> -> vector<16xi32>
      %add3A_659 = arith.addi %scan3A_488, %masked_cumsum3A_658 : vector<16xi32>
      %sub3A_660 = arith.constant 1 : i32
      %sub3A_661 = vector.broadcast %sub3A_660 : i32 to vector<16xi32>
      %sub3A_662 = arith.subi %add3A_659, %sub3A_661 : vector<16xi32>
      %select_n3A_663 = arith.select %eq3A_654, %sub3A_662, %select_n3A_649 : vector<16xi1>, vector<16xi32>
      %all_reduce_population_count3A_664 = tpu.all_reduce %eq3A_654 {dim = 0 : i64, kind = #tpu.reduction_kind<sum>} : vector<16xi1> -> vector<16xi32>
      %add3A_665 = arith.addi %scan3A_488, %all_reduce_population_count3A_664 : vector<16xi32>
      %eq3A_666 = arith.constant 12 : i32
      %eq3A_667 = vector.broadcast %eq3A_666 : i32 to vector<16xi32>
      %eq3A_668 = arith.cmpi eq, %get3A_496, %eq3A_667 : vector<16xi32>
      %convert_element_type3A_669 = arith.extui %eq3A_668 : vector<16xi1> to vector<16xi32>
      %broadcast_in_dim3A_670 = arith.constant true
      %broadcast_in_dim3A_671 = vector.broadcast %broadcast_in_dim3A_670 : i1 to vector<16xi1>
      %masked_cumsum3A_672 = tpu.scan <sum>, %convert_element_type3A_669 masked %broadcast_in_dim3A_671 : vector<16xi32>, vector<16xi1> -> vector<16xi32>
      %add3A_673 = arith.addi %scan3A_489, %masked_cumsum3A_672 : vector<16xi32>
      %sub3A_674 = arith.constant 1 : i32
      %sub3A_675 = vector.broadcast %sub3A_674 : i32 to vector<16xi32>
      %sub3A_676 = arith.subi %add3A_673, %sub3A_675 : vector<16xi32>
      %select_n3A_677 = arith.select %eq3A_668, %sub3A_676, %select_n3A_663 : vector<16xi1>, vector<16xi32>
      %all_reduce_population_count3A_678 = tpu.all_reduce %eq3A_668 {dim = 0 : i64, kind = #tpu.reduction_kind<sum>} : vector<16xi1> -> vector<16xi32>
      %add3A_679 = arith.addi %scan3A_489, %all_reduce_population_count3A_678 : vector<16xi32>
      %eq3A_680 = arith.constant 13 : i32
      %eq3A_681 = vector.broadcast %eq3A_680 : i32 to vector<16xi32>
      %eq3A_682 = arith.cmpi eq, %get3A_496, %eq3A_681 : vector<16xi32>
      %convert_element_type3A_683 = arith.extui %eq3A_682 : vector<16xi1> to vector<16xi32>
      %broadcast_in_dim3A_684 = arith.constant true
      %broadcast_in_dim3A_685 = vector.broadcast %broadcast_in_dim3A_684 : i1 to vector<16xi1>
      %masked_cumsum3A_686 = tpu.scan <sum>, %convert_element_type3A_683 masked %broadcast_in_dim3A_685 : vector<16xi32>, vector<16xi1> -> vector<16xi32>
      %add3A_687 = arith.addi %scan3A_490, %masked_cumsum3A_686 : vector<16xi32>
      %sub3A_688 = arith.constant 1 : i32
      %sub3A_689 = vector.broadcast %sub3A_688 : i32 to vector<16xi32>
      %sub3A_690 = arith.subi %add3A_687, %sub3A_689 : vector<16xi32>
      %select_n3A_691 = arith.select %eq3A_682, %sub3A_690, %select_n3A_677 : vector<16xi1>, vector<16xi32>
      %all_reduce_population_count3A_692 = tpu.all_reduce %eq3A_682 {dim = 0 : i64, kind = #tpu.reduction_kind<sum>} : vector<16xi1> -> vector<16xi32>
      %add3A_693 = arith.addi %scan3A_490, %all_reduce_population_count3A_692 : vector<16xi32>
      %eq3A_694 = arith.constant 14 : i32
      %eq3A_695 = vector.broadcast %eq3A_694 : i32 to vector<16xi32>
      %eq3A_696 = arith.cmpi eq, %get3A_496, %eq3A_695 : vector<16xi32>
      %convert_element_type3A_697 = arith.extui %eq3A_696 : vector<16xi1> to vector<16xi32>
      %broadcast_in_dim3A_698 = arith.constant true
      %broadcast_in_dim3A_699 = vector.broadcast %broadcast_in_dim3A_698 : i1 to vector<16xi1>
      %masked_cumsum3A_700 = tpu.scan <sum>, %convert_element_type3A_697 masked %broadcast_in_dim3A_699 : vector<16xi32>, vector<16xi1> -> vector<16xi32>
      %add3A_701 = arith.addi %scan3A_491, %masked_cumsum3A_700 : vector<16xi32>
      %sub3A_702 = arith.constant 1 : i32
      %sub3A_703 = vector.broadcast %sub3A_702 : i32 to vector<16xi32>
      %sub3A_704 = arith.subi %add3A_701, %sub3A_703 : vector<16xi32>
      %select_n3A_705 = arith.select %eq3A_696, %sub3A_704, %select_n3A_691 : vector<16xi1>, vector<16xi32>
      %all_reduce_population_count3A_706 = tpu.all_reduce %eq3A_696 {dim = 0 : i64, kind = #tpu.reduction_kind<sum>} : vector<16xi1> -> vector<16xi32>
      %add3A_707 = arith.addi %scan3A_491, %all_reduce_population_count3A_706 : vector<16xi32>
      %eq3A_708 = arith.constant 15 : i32
      %eq3A_709 = vector.broadcast %eq3A_708 : i32 to vector<16xi32>
      %eq3A_710 = arith.cmpi eq, %get3A_496, %eq3A_709 : vector<16xi32>
      %convert_element_type3A_711 = arith.extui %eq3A_710 : vector<16xi1> to vector<16xi32>
      %broadcast_in_dim3A_712 = arith.constant true
      %broadcast_in_dim3A_713 = vector.broadcast %broadcast_in_dim3A_712 : i1 to vector<16xi1>
      %masked_cumsum3A_714 = tpu.scan <sum>, %convert_element_type3A_711 masked %broadcast_in_dim3A_713 : vector<16xi32>, vector<16xi1> -> vector<16xi32>
      %add3A_715 = arith.addi %scan3A_492, %masked_cumsum3A_714 : vector<16xi32>
      %sub3A_716 = arith.constant 1 : i32
      %sub3A_717 = vector.broadcast %sub3A_716 : i32 to vector<16xi32>
      %sub3A_718 = arith.subi %add3A_715, %sub3A_717 : vector<16xi32>
      %select_n3A_719 = arith.select %eq3A_710, %sub3A_718, %select_n3A_705 : vector<16xi1>, vector<16xi32>
      %all_reduce_population_count3A_720 = tpu.all_reduce %eq3A_710 {dim = 0 : i64, kind = #tpu.reduction_kind<sum>} : vector<16xi1> -> vector<16xi32>
      %add3A_721 = arith.addi %scan3A_492, %all_reduce_population_count3A_720 : vector<16xi32>
      %mul3A_722 = arith.constant 16 : i32
      %mul3A_723 = arith.muli %scan3A_476, %mul3A_722 : i32
      %swap3A = arith.index_cast %mul3A_723 : i32 to index
      %swap3A_724 = tpu.vector_load %arg8[%swap3A] {strides = array<i32>} : memref<512xi32, #tpu.memory_space<vmem>>, vector<16xi32>,
      tpu.vector_store %arg8[%swap3A], %select_n3A_719 {strides = array<i32>} : memref<512xi32, #tpu.memory_space<vmem>>, vector<16xi32>,
      scf.yield %add3A_511, %add3A_525, %add3A_539, %add3A_553, %add3A_567, %add3A_581, %add3A_595, %add3A_609, %add3A_623, %add3A_637, %add3A_651, %add3A_665, %add3A_679, %add3A_693, %add3A_707, %add3A_721 : vector<16xi32>, vector<16xi32>, vector<16xi32>, vector<16xi32>, vector<16xi32>, vector<16xi32>, vector<16xi32>, vector<16xi32>, vector<16xi32>, vector<16xi32>, vector<16xi32>, vector<16xi32>, vector<16xi32>, vector<16xi32>, vector<16xi32>, vector<16xi32>
    }
    %scan3A_475 = arith.constant 32 : i32
    "tpu.region"() ({
      %run_scoped3A = tpu.sem_alloc : memref<!tpu.dma_semaphore, #tpu.memory_space<semaphore_mem>>
      %dma_start3A = tpu.memref_slice %arg4[%mul3A_2] : memref<16384xi32, #tpu.memory_space<hbm>> -> memref<512xi32, #tpu.memory_space<hbm>>
      %dma_start3A_476 = tpu.memref_slice %arg4[%mul3A_2] : memref<16384xi32, #tpu.memory_space<hbm>> -> memref<512xi32, #tpu.memory_space<hbm>>
      tpu.enqueue_dma source(%arg8 : memref<512xi32, #tpu.memory_space<vmem>>) target(%dma_start3A_476 : memref<512xi32, #tpu.memory_space<hbm>>) target_semaphore(%run_scoped3A : memref<!tpu.dma_semaphore, #tpu.memory_space<semaphore_mem>>)
      %dma_wait3A = tpu.memref_slice %arg4[%mul3A_2] : memref<16384xi32, #tpu.memory_space<hbm>> -> memref<512xi32, #tpu.memory_space<hbm>>
      %dma_wait3A_477 = tpu.memref_slice %arg4[%mul3A_2] : memref<16384xi32, #tpu.memory_space<hbm>> -> memref<512xi32, #tpu.memory_space<hbm>>
      tpu.wait_dma2 semaphore(%run_scoped3A : memref<!tpu.dma_semaphore, #tpu.memory_space<semaphore_mem>>) src(%arg8 : memref<512xi32, #tpu.memory_space<vmem>>) dst(%dma_wait3A_477 : memref<512xi32, #tpu.memory_space<hbm>>)
      tpu.yield
    }) : () -> ()
    return
  }
}

</mosaic_0001>

<sc_bundles>
// kernel: kernel.11.cloned.1.call-start
scs
__scs_entry_jumppad:
0x0: {  	(pc) =	sbr.rel $0x88, $3  }
0x1: {  	(tag) =	ssettag $0x0;
	lr =	simm.s32 $0x1  }
0x2: {  	[smem:$0x3F9D] =	sst lr;
	_ =	strace $0xD0000000  }
0x3: {  	_ = 	snop  }
0x4: {  	_ = 	snop  }
0x5: {  	_ = 	snop  }
0x6: {  	_ = 	snop  }
0x7: {  	_ = 	snop  }
__scs_overlays_trampoline_lowered:
0x8: {  	[smem:$0x3FAC] =	sst s0  }
0x9: {  	[smem:$0x3FAD] =	sst s1  }
0xa: {  	[smem:$0x3FAE] =	sst s2  }
0xb: {  	[smem:$0x3FAF] =	sst s3  }
0xc: {  	[smem:$0x3FB0] =	sst s4  }
0xd: {  	[smem:$0x3FB1] =	sst s5  }
0xe: {  	[smem:$0x3FB2] =	sst s6  }
0xf: {  	[smem:$0x3FB3] =	sst s7  }
0x10: {  	[smem:$0x3FB4] =	sst s8  }
0x11: {  	[smem:$0x3FB5] =	sst s9;
	s0 =	simm.s32 @!p0 $0x0  }
0x12: {  	s1 =	sld [smem:$0x3F9B];
	s0 =	simm.s32 @p0 $0x1  }
0x13: {  	[smem:$0x3FB6] =	sst s0;
	s0 =	simm.s32 @!p1 $0x0  }
0x14: {  	s2 =	sld [smem:$0x3F9A];
	s0 =	simm.s32 @p1 $0x1  }
0x15: {  	[smem:$0x3FB7] =	sst s0;
	s0 =	simm.s32 @!p2 $0x0  }
0x16: {  	s3 =	sld [smem:$0x3FDB];
	s0 =	simm.s32 @p2 $0x1  }
0x17: {  	s4 =	simm.s32 $0x1BF5;
	[smem:$0x3FB9] =	sst s0  }
0x18: {  	s0 =	sld [smem:$0x3F9C];
	_ =	swait.ge [sflag:s4], $0x0  }
0x19: {  	s7 =	sld [smem:$0x3F9D]  }
0x1a: {  	s8 =	sadd.s32 $0xFFFFE003, lr  }
0x1b: {  	s9 =	sadd.s32 $0xFFFFFEF7, lr;
	s5 =	simm.s32 $0xFFFFFFFF;
	p2 =	slt.u32 s8, $0xFFFFF086  }
0x1c: {  	p1 =	slt.u32 s9, $0xF7A;
	s5 =	simm.s32 @!p2 $0x0  }
0x1d: {  	s5 =	simm.s32 @p1 $0x1;
	p0 =	seq.s32 s7, s2  }
0x1e: {  	s7 =	smul.u32 @!p0 $0xF7A, s2;
	p2 =	seq.s32 @!p0 s5, $0x0  }
0x1f: {  	s9 =	smul.u32 $0xF7A, s1;
	s8 =	simm.s32 @!p0 $0x1BF5;
	p2 =	por !p2, p0  }
0x20: {  	[sflag:s8] =	ssyncset.s32 @!p0 $0xFFFFF086;
	s6 =	sadd.s32 @!p0 s3, s7;
	s7 =	simm.s32 @!p0 $0x108  }
0x21: {  	s3 =	sadd.s32 s3, s9;
	s6 =	sadd.s32 @!p0 $0x88, s6;
	s7 =	simm.s32 @p2 $0x1082  }
0x22: {  	[simem:s7], [sflag:s8] =	dma.local @!p0 [hbm:s6], $0xF7A  }
0x23: {  	s9 =	sor.u32 $0xD0000000, s2;
	s6 =	simm.s32 $0x108;
	_ =	swait.ge @!p0 [sflag:s8], $0x0  }
0x24: {  	s3 =	sadd.s32 $0x88, s3;
	s6 =	simm.s32 @!p1 $0x1082;
	[sflag:s4] =	ssyncset.s32 $0xFFFFF086  }
0x25: {  	[simem:s6], [sflag:s4] =	dma.local [hbm:s3], $0xF7A  }
0x26: {  	[smem:$0x3F9D] =	sst s1;
	(tag) =	ssettag s2;
	_ =	strace s9  }
0x27: {  	s1 =	sld [smem:$0x3FAD]  }
0x28: {  	s2 =	sld [smem:$0x3FAE]  }
0x29: {  	s4 =	sld [smem:$0x3FB0]  }
0x2a: {  	p0 =	seq.s32 s5, $0x0;
	s5 =	sld [smem:$0x3FB1]  }
0x2b: {  	s6 =	sld [smem:$0x3FB2]  }
0x2c: {  	s7 =	sld [smem:$0x3FB3]  }
0x2d: {  	s3 =	simm.s32 $0x108;
	s8 =	sld [smem:$0x3FB4]  }
0x2e: {  	s3 =	simm.s32 @!p0 $0x1082;
	s9 =	sld [smem:$0x3FB5]  }
0x2f: {  	lr =	sadd.s32 s0, s3;
	s0 =	sld [smem:$0x3FAC]  }
0x30: {  	s3 =	sld [smem:$0x3FAF]  }
0x31: {  	[smem:$0x3FB8] =	sst s10  }
0x32: {  	s10 =	sld [smem:$0x3FB6];
	_ =	sdelay $0x3  }
0x33: {  	p0 =	seq.s32 s10, $0x1;
	s10 =	sld [smem:$0x3FB8];
	_ =	sdelay $0x3  }
0x34: {  	[smem:$0x3FB8] =	sst s10  }
0x35: {  	s10 =	sld [smem:$0x3FB7];
	_ =	sdelay $0x3  }
0x36: {  	p1 =	seq.s32 s10, $0x1;
	s10 =	sld [smem:$0x3FB8];
	_ =	sdelay $0x3  }
0x37: {  	[smem:$0x3FB8] =	sst s10  }
0x38: {  	s10 =	sld [smem:$0x3FB9]  }
0x39: {  	_ = 	snop;
	(pc) =	sbr.ind lr, $3  }
0x3a: {  	_ = 	snop  }
0x3b: {  	_ = 	snop  }
0x3c: {  	p2 =	seq.s32 s10, $0x1;
	s10 =	sld [smem:$0x3FB8]  }
0x3d: {  	_ =	shalt  }
0x3e: {  	_ =	shalt  }
0x3f: {  	_ =	shalt  }
0x40: {  	_ =	shalt  }
0x41: {  	_ =	shalt  }
0x42: {  	_ =	shalt  }
0x43: {  	_ =	shalt  }
0x44: {  	_ =	shalt  }
0x45: {  	_ =	shalt  }
0x46: {  	_ =	shalt  }
0x47: {  	_ =	shalt  }
0x48: {  	_ =	shalt  }
0x49: {  	_ =	shalt  }
0x4a: {  	_ =	shalt  }
0x4b: {  	_ =	shalt  }
0x4c: {  	_ =	shalt  }
0x4d: {  	_ =	shalt  }
0x4e: {  	_ =	shalt  }
0x4f: {  	_ =	shalt  }
0x50: {  	_ =	shalt  }
0x51: {  	_ =	shalt  }
0x52: {  	_ =	shalt  }
0x53: {  	_ =	shalt  }
0x54: {  	_ =	shalt  }
0x55: {  	_ =	shalt  }
0x56: {  	_ =	shalt  }
0x57: {  	_ =	shalt  }
0x58: {  	_ =	shalt  }
0x59: {  	_ =	shalt  }
0x5a: {  	_ =	shalt  }
0x5b: {  	_ =	shalt  }
0x5c: {  	_ =	shalt  }
0x5d: {  	_ =	shalt  }
0x5e: {  	_ =	shalt  }
0x5f: {  	_ =	shalt  }
0x60: {  	_ =	shalt  }
0x61: {  	_ =	shalt  }
0x62: {  	_ =	shalt  }
0x63: {  	_ =	shalt  }
0x64: {  	_ =	shalt  }
0x65: {  	_ =	shalt  }
0x66: {  	_ =	shalt  }
0x67: {  	_ =	shalt  }
0x68: {  	_ =	shalt  }
0x69: {  	_ =	shalt  }
0x6a: {  	_ =	shalt  }
0x6b: {  	_ =	shalt  }
0x6c: {  	_ =	shalt  }
0x6d: {  	_ =	shalt  }
0x6e: {  	_ =	shalt  }
0x6f: {  	_ =	shalt  }
0x70: {  	_ =	shalt  }
0x71: {  	_ =	shalt  }
0x72: {  	_ =	shalt  }
0x73: {  	_ =	shalt  }
0x74: {  	_ =	shalt  }
0x75: {  	_ =	shalt  }
0x76: {  	_ =	shalt  }
0x77: {  	_ =	shalt  }
0x78: {  	_ =	shalt  }
0x79: {  	_ =	shalt  }
0x7a: {  	_ =	shalt  }
0x7b: {  	_ =	shalt  }
0x7c: {  	_ =	shalt  }
0x7d: {  	_ =	shalt  }
0x7e: {  	_ =	shalt  }
0x7f: {  	_ =	shalt  }
0x80: {  	_ =	shalt  }
0x81: {  	_ =	shalt  }
0x82: {  	_ =	shalt  }
0x83: {  	_ =	shalt  }
0x84: {  	_ =	shalt  }
0x85: {  	_ =	shalt  }
0x86: {  	_ =	shalt  }
0x87: {  	_ =	shalt  }
.Lfunc_end0:
.L_simem_size_0:
called_computation.2_lowered:
.L_overlay_start_0:
0x88: {  	s2 =	sld [smem:$0x3FD9]  }
0x89: {  	s3 =	sld [smem:$0x3FFE];
	_ =	sdelay $0x1  }
0x8a: {  	s1 =	srdreg.scid  }
0x8b: {  	s0 =	sand.u32 $0x1, s1  }
0x8c: {  	s15 =	sshll.u32 s0, $0xA;
	s2 =	sadd.s32 s3, s2  }
0x8d: {  	s2 =	sadd.s32 s2, s15  }
0x8e: {  	[smem:$0x3FC4] =	sst s2  }
0x8f: {  	_ = 	snop  }
0x90: {  	s2 =	sld [smem:$0x3FD0];
	_ =	sdelay $0x1  }
0x91: {  	s16 =	sld [smem:$0x3FC9]  }
0x92: {  	s5 =	simm.s32 $0xA;
	s6 =	simm.s32 $0x10;
	s4 =	sld [smem:$0x3FC7]  }
0x93: {  	[smem:s6], [sflag:s5] =	dma.local [hbm:s2], $0x1  }
0x94: {  	_ =	swait.eq [sflag:s5], $0x1  }
0x95: {  	s17 =	sld [smem:$0x10];
	[sflag:s5] =	ssyncset.done $0x0  }
0x96: {  	s18 =	sld [smem:$0x11];
	[sflag:s5] =	ssyncadd.s32 $0xFFFFFFFF  }
0x97: {  	s19 =	sld [smem:$0x13];
	(tm) =	ssettm $0x1  }
0x98: {  	s7 =	sld [smem:$0x3FFB];
	_ =	sdelay $0x3  }
0x99: {  	_ =	strace s7  }
0x9a: {  	s7 =	sld [smem:$0x3FFC];
	_ =	sdelay $0x3  }
0x9b: {  	_ =	strace s7  }
0x9c: {  	s7 =	sld [smem:$0x3FFD];
	_ =	sdelay $0x3  }
0x9d: {  	_ =	strace s7  }
0x9e: {  	_ =	strace $0x8FFFFFFF  }
0x9f: {  	s20 =	sld [smem:$0x3FDB];
	_ =	sdelay $0x1  }
0xa0: {  	s8 =	simm.s32 $_scs_section_size  }
0xa1: {  	s9 =	simm.s32 $_size__tile_overlayer_lowered;
	s10 =	simm.s32 $_tile_overlayer_lowered  }
0xa2: {  	s23 =	simm.s32 $0x1BFF;
	s22 =	sshll.u32 s10, $0x1;
	s7 =	sadd.s32 s8, s20  }
0xa3: {  	s11 =	simm.s32 $0x0;
	s21 =	sshll.u32 s9, $0x1;
	s9 =	sadd.s32 s22, s7  }
0xa4: {  	[timem:s11], [sflag:s23] =	dma.local [hbm:s9], s21  }
0xa5: {  	_ =	swait.ge [sflag:s23], s21  }
0xa6: {  	s8 =	ssub.s32 $0x0, s21;
	[sflag:s23] =	ssyncset.done $0x0  }
0xa7: {  	[sflag:s23] =	ssyncadd.s32 s8;
	_ =	sdelay $0x1  }
0xa8: {  	s24 =	simm.s32 $0x1B8B  }
0xa9: {  	_ =	swait.ge [sflag:s24], $0x1  }
0xaa: {  	[sflag:s24] =	ssyncset.done $0x0  }
0xab: {  	s25 =	simm.s32 $0x1B8E;
	[sflag:s24] =	ssyncadd.s32 $0xFFFFFFFF  }
0xac: {  	s26 =	simm.s32 $execute0_lowered;
	[smem:$0x3FD2] =	sst s25  }
0xad: {  	s8 =	sshll.u32 s26, $0x1;
	_ =	strace $0x8000004C;
	[dreg:$0x1] =	wrdreg $0xFFFFFFFF  }
0xae: {  	s28 =	simm.s32 $_size_execute0_lowered;
	s7 =	sadd.s32 s7, s8;
	[dreg:$0x0] =	wrdreg $0x0  }
0xaf: {  	s8 =	sshll.u32 s28, $0x1;
	[dreg:$0x2] =	wrdreg s7  }
0xb0: {  	[dreg:$0x3] =	wrdreg s8  }
0xb1: {  	[dreg:$0x4] =	wrdreg $0xC0  }
0xb2: {  	_ =	task [dreg:s11], $0x5FFFF  }
0xb3: {  	[dreg:$0x1] =	wrdreg $0xFFFFFFFF  }
0xb4: {  	[dreg:$0x0] =	wrdreg $0x60  }
0xb5: {  	[dreg:$0x2] =	wrdreg s16  }
0xb6: {  	[dreg:$0x3] =	wrdreg s4  }
0xb7: {  	[dreg:$0x4] =	wrdreg s18  }
0xb8: {  	[dreg:$0x5] =	wrdreg s17  }
0xb9: {  	[dreg:$0x6] =	wrdreg s19  }
0xba: {  	[dreg:$0x7] =	wrdreg $0x9  }
0xbb: {  	_ =	task.clear_ibuf [dreg:s11], $0x8FFFF;
	_ =	strace $0x9000004C  }
0xbc: {  	s29 =	simm.s32 $0x9;
	_ =	strace $0x8000004E  }
0xbd: {  	_ =	swait.ge [sflag:s29], $0x1  }
0xbe: {  	[sflag:s29] =	ssyncadd.s32 $0xFFFFFFFF  }
0xbf: {  	_ =	strace $0x9000004E  }
0xc0: {  	_ =	sfence  }
0xc1: {  	s30 =	sld [smem:$0x0];
	_ =	sdelay $0x2  }
0xc2: {  	s31 =	sshll.u32 s1, $0xD;
	s1 =	sshrl.u32 s1, $0x2  }
0xc3: {  	s3 =	sand.u32 $0x4000, s31;
	s1 =	sadd.s32 s1, s30  }
0xc4: {  	s0 =	sor.u32 s3, s0;
	s1 =	sshll.u32 s1, $0x11  }
0xc5: {  	s0 =	sor.u32 s1, s0  }
0xc6: {  	s0 =	sadd.s32 $0x8F2B, s0  }
0xc7: {  	[sflag:s0] =	ssyncadd.remote.s32 $0x1  }
0xc8: {  	_ =	sfence.sel $0xFFFF  }
0xc9: {  	[dreg:$0x0] =	wrdreg $0xFFFFFFFF;
	(pc) =	sbr.abs _section_cstart, $3  }
0xca: {  	[dreg:$0x1] =	wrdreg $0xFFFFFFFF  }
0xcb: {  	_ =	task.clear_ibuf [dreg:s11], $0x2FFFF;
	_ =	strace $0x9FFFFFFF  }
0xcc: {  	(tm) =	ssettm $0x7FFFFFFF  }
0xcd: {  	_ =	shalt  }
tec
execute0_lowered:
.L_overlay_start_1:
0x0: {  	(tag) =	ssettag $0x1  }
0x1: {  	s0 =	rddreg [dreg:$0x0]  }
0x2: {  	s2 =	rddreg [dreg:$0x1]  }
0x3: {  	s3 =	rddreg [dreg:$0x2]  }
0x4: {  	s1 =	rddreg [dreg:$0x3];
	s4 =	simm.s32 $0x0  }
0x5: {  	[smem:$0x7FF] =	sst s4;
	s12 =	sadd.s32 $0x100, s1  }
0x6: {  	s13 =	sadd.s32 $0x200, s1;
	_ =	strace $0x8000004D;
	[dreg:$0xd] =	wrdreg s12  }
0x7: {  	s14 =	sadd.s32 $0x300, s1;
	[dreg:$0xe] =	wrdreg s13  }
0x8: {  	s15 =	sadd.s32 $0x400, s1;
	[dreg:$0xf] =	wrdreg s14  }
0x9: {  	s16 =	sadd.s32 $0x500, s1;
	[dreg:$0x10] =	wrdreg s15  }
0xa: {  	s5 =	srdreg.scid;
	s17 =	sadd.s32 $0x600, s1;
	[dreg:$0x11] =	wrdreg s16  }
0xb: {  	s23 =	stileid.u32;
	s18 =	sadd.s32 $0x700, s1;
	[dreg:$0x12] =	wrdreg s17  }
0xc: {  	s5 =	sand.u32 $0x1, s5;
	s19 =	sadd.s32 $0x800, s1;
	[dreg:$0x13] =	wrdreg s18  }
0xd: {  	s20 =	sadd.s32 $0x900, s1;
	s21 =	sadd.s32 $0xA00, s1;
	[dreg:$0x14] =	wrdreg s19  }
0xe: {  	s22 =	sadd.s32 $0xB00, s1;
	s24 =	sadd.s32 $0xC00, s1;
	[dreg:$0x15] =	wrdreg s20  }
0xf: {  	s26 =	sadd.s32 $0xD00, s1;
	s28 =	sshll.u32 s23, $0x11;
	[dreg:$0x16] =	wrdreg s21  }
0x10: {  	s29 =	sadd.s32 $0xE00, s1;
	s6 =	ssub.s32 $0x2, s5;
	[dreg:$0x17] =	wrdreg s22  }
0x11: {  	vm0 =	vcmask $0xF0C;
	vm1 =	vcmask $0x704;
	vm2 =	vcmask $0xB08;
	s8 =	sshll.u32 s5, $0x4;
	[dreg:$0x18] =	wrdreg s24;
	s25 =	sshll.u32 s5, $0x15  }
0x12: {  	vm3 =	vcmask $0x300;
	vm0 =	vmor vm1, vm0;
	vm1 =	vcmask $0x1714;
	[dreg:$0x19] =	wrdreg s26;
	s7 =	sshrl.u32 s6, $0x1;
	s31 =	sor.u32 s23, s8  }
0x13: {  	v0 =	vlaneseq.u32;
	[dreg:$0x1a] =	wrdreg s29;
	vm0 =	vmor vm0, vm1;
	vm1 =	vcmask $0x1F1C;
	s6 =	ssub.s32 s6, s7;
	s8 =	sshll.u32 s31, $0x6  }
0x14: {  	v1 =	vimm.s32 $0x0;
	vm0 =	vmor vm0, vm1;
	vm1 =	vcmask $0x2724;
	s9 =	sshll.u32 s31, $0x5;
	s7 =	sshll.u32 s31, $0x11;
	s31 =	sadd.s32 $0xF00, s1  }
0x15: {  	v3 =	vshrl.u32 v0, $0x3;
	s5 =	simm.s32 $0x1300;
	vm0 =	vmor vm0, vm1;
	vm1 =	vcmask $0x2F2C;
	s3 =	sadd.s32 s3, s8;
	[dreg:$0x1b] =	wrdreg s31  }
0x16: {  	s23 =	simm.s32 $0x200;
	s2 =	sadd.s32 s2, s9;
	vm0 =	vmor vm0, vm1;
	vm1 =	vmor vm3, vm2;
	vm2 =	vcmask $0x1310;
	[dreg:$0x6] =	wrdreg s3  }
0x17: {  	v2 =	vand.u32 $0x7, v0;
	s1 =	simm.s32 $0x300;
	s10 =	sadd.s32 s0, s7;
	[dreg:$0x7] =	wrdreg s2;
	vm1 =	vmor vm1, vm2;
	vm2 =	vcmask $0x1B18  }
.Ltmp0:
0x18: {  	v3 =	vmul.u32 $0x8, v3;
	s30 =	smax.u32 s6, $0x1;
	[dreg:$0x8] =	wrdreg s10;
	vm1 =	vmor vm1, vm2;
	vm2 =	vcmask $0x2320;
	(pc) =	sbr.rel .LBB2_1-.Ltmp0, $4  }
0x19: {  	s0 =	sadd.s32 s25, s0;
	vm3 =	vcmask $0x3734;
	s11 =	sadd.s32 $0x1000, s10;
	[dreg:$0xc] =	wrdreg s30;
	vm1 =	vmor vm1, vm2;
	vm2 =	vcmask $0x2B28  }
0x1a: {  	s25 =	simm.s32 $0x12500;
	s2 =	sadd.s32 $0x2000, s10;
	vm0 =	vmor vm0, vm3;
	[dreg:$0x9] =	wrdreg s11;
	vm1 =	vmor vm1, vm2;
	vm2 =	vcmask $0x3330  }
0x1b: {  	s6 =	simm.s32 $0x0;
	s0 =	sadd.s32 s28, s0;
	vm3 =	vcmask $0x3F3C;
	[dreg:$0xa] =	wrdreg s2;
	vm1 =	vmor vm1, vm2;
	vm2 =	vcmask $0x3B38  }
0x1c: {  	s3 =	simm.s32 $0x2400;
	[dreg:$0xb] =	wrdreg s0;
	s0 =	simm.s32 $0x2300;
	vm0 =	vmor vm0, vm3;
	vm1 =	vmor vm1, vm2;
	vm2 =	vmmov $0xffff  }
.LBB2_6:
0x1d: {  	s10 =	simm.s32 $0x1  }
0x1e: {  	_ =	swait.ge [sflag:s10], $0x8000  }
0x1f: {  	[sflag:s10] =	ssyncset.done $0x0  }
0x20: {  	[sflag:s10] =	ssyncadd.s32 $0xFFFF8000  }
0x21: {  	v4 =	vld.msk [tilespmem:$0x1200], $0xff;
	_ =	sdelay $0x4  }
0x22: {  	v5 =	vshll.u32 v4, $0x5  }
0x23: {  	v4 =	vand.u32 $0x7, v4;
	v5 =	vand.u32 $0xFFFFFF00, v5  }
0x24: {  	v4 =	vor.u32 v4, v5  }
0x25: {  	v4 =	vperm.xlane v4, v2;
	_ =	sdelay $0x1  }
0x26: {  	v4 =	vadd.s32 v3, v4;
	_ =	sdelay $0x3  }
0x27: {  	s0 =	simm.s32 $0x2500;
	s6 =	rddreg [dreg:$0x3]  }
0x28: {  	[hbm4b:s6+s4] =	stream.indirect_vreg.scatter [tilespmem:s0], [sflag:$0x2], $0x80, v4, vm2, $0xb8;
	[tilespmem:$0x1A500] =	vst v63  }
0x29: {  	s26 =	simm.s32 $0x2D00;
	s11 =	rddreg [dreg:$0xd]  }
0x2a: {  	[hbm4b:s11+s4] =	stream.indirect_vreg.scatter [tilespmem:s26], [sflag:$0x2], $0x80, v4, vm2, $0xb8;
	[tilespmem:$0x1A500] =	vst v63  }
0x2b: {  	s28 =	simm.s32 $0x3500;
	s12 =	rddreg [dreg:$0xe]  }
0x2c: {  	[hbm4b:s12+s4] =	stream.indirect_vreg.scatter [tilespmem:s28], [sflag:$0x2], $0x80, v4, vm2, $0xb8;
	[tilespmem:$0x1A500] =	vst v63  }
0x2d: {  	s29 =	simm.s32 $0x3D00;
	s13 =	rddreg [dreg:$0xf]  }
0x2e: {  	[hbm4b:s13+s4] =	stream.indirect_vreg.scatter [tilespmem:s29], [sflag:$0x2], $0x80, v4, vm2, $0xb8;
	[tilespmem:$0x1A500] =	vst v63  }
0x2f: {  	s30 =	simm.s32 $0x4500;
	s14 =	rddreg [dreg:$0x10]  }
0x30: {  	[hbm4b:s14+s4] =	stream.indirect_vreg.scatter [tilespmem:s30], [sflag:$0x2], $0x80, v4, vm2, $0xb8;
	[tilespmem:$0x1A500] =	vst v63  }
0x31: {  	s15 =	rddreg [dreg:$0x11];
	s28 =	simm.s32 $0x4D00  }
0x32: {  	[hbm4b:s15+s4] =	stream.indirect_vreg.scatter [tilespmem:s28], [sflag:$0x2], $0x80, v4, vm2, $0xb8;
	[tilespmem:$0x1A500] =	vst v63  }
0x33: {  	s16 =	rddreg [dreg:$0x12];
	s29 =	simm.s32 $0x5500  }
0x34: {  	[hbm4b:s16+s4] =	stream.indirect_vreg.scatter [tilespmem:s29], [sflag:$0x2], $0x80, v4, vm2, $0xb8;
	[tilespmem:$0x1A500] =	vst v63  }
0x35: {  	s8 =	simm.s32 $0x5D00;
	s17 =	rddreg [dreg:$0x13]  }
0x36: {  	[hbm4b:s17+s4] =	stream.indirect_vreg.scatter [tilespmem:s8], [sflag:$0x2], $0x80, v4, vm2, $0xb8;
	[tilespmem:$0x1A500] =	vst v63  }
0x37: {  	s1 =	simm.s32 $0x6500;
	s18 =	rddreg [dreg:$0x14]  }
0x38: {  	[hbm4b:s18+s4] =	stream.indirect_vreg.scatter [tilespmem:s1], [sflag:$0x2], $0x80, v4, vm2, $0xb8;
	[tilespmem:$0x1A500] =	vst v63  }
0x39: {  	s19 =	rddreg [dreg:$0x15];
	s30 =	simm.s32 $0x6D00  }
0x3a: {  	[hbm4b:s19+s4] =	stream.indirect_vreg.scatter [tilespmem:s30], [sflag:$0x2], $0x80, v4, vm2, $0xb8;
	[tilespmem:$0x1A500] =	vst v63  }
0x3b: {  	s31 =	simm.s32 $0x7500;
	s20 =	rddreg [dreg:$0x16]  }
0x3c: {  	[hbm4b:s20+s4] =	stream.indirect_vreg.scatter [tilespmem:s31], [sflag:$0x2], $0x80, v4, vm2, $0xb8;
	[tilespmem:$0x1A500] =	vst v63  }
0x3d: {  	s21 =	rddreg [dreg:$0x17];
	s0 =	simm.s32 $0x7D00  }
0x3e: {  	[hbm4b:s21+s4] =	stream.indirect_vreg.scatter [tilespmem:s0], [sflag:$0x2], $0x80, v4, vm2, $0xb8;
	[tilespmem:$0x1A500] =	vst v63  }
0x3f: {  	s3 =	simm.s32 $0x8500;
	s22 =	rddreg [dreg:$0x18]  }
0x40: {  	[hbm4b:s22+s4] =	stream.indirect_vreg.scatter [tilespmem:s3], [sflag:$0x2], $0x80, v4, vm2, $0xb8;
	[tilespmem:$0x1A500] =	vst v63  }
0x41: {  	s2 =	simm.s32 $0x8D00;
	s24 =	rddreg [dreg:$0x19]  }
0x42: {  	[hbm4b:s24+s4] =	stream.indirect_vreg.scatter [tilespmem:s2], [sflag:$0x2], $0x80, v4, vm2, $0xb8;
	[tilespmem:$0x1A500] =	vst v63  }
0x43: {  	s9 =	simm.s32 $0x9500;
	s26 =	rddreg [dreg:$0x1a]  }
0x44: {  	[hbm4b:s26+s4] =	stream.indirect_vreg.scatter [tilespmem:s9], [sflag:$0x2], $0x80, v4, vm2, $0xb8;
	[tilespmem:$0x1A500] =	vst v63  }
0x45: {  	s7 =	simm.s32 $0x9D00;
	s5 =	rddreg [dreg:$0x1b]  }
0x46: {  	[hbm4b:s5+s4] =	stream.indirect_vreg.scatter [tilespmem:s7], [sflag:$0x2], $0x80, v4, vm2, $0xb8;
	[tilespmem:$0x1A500] =	vst v63  }
0x47: {  	v4 =	vld.msk [tilespmem:$0x2200], $0xff;
	_ =	sdelay $0x4  }
0x48: {  	v5 =	vshll.u32 v4, $0x5  }
0x49: {  	v4 =	vand.u32 $0x7, v4;
	v5 =	vand.u32 $0xFFFFFF00, v5  }
0x4a: {  	v4 =	vor.u32 v4, v5  }
0x4b: {  	v4 =	vperm.xlane v4, v2;
	_ =	sdelay $0x1  }
0x4c: {  	v4 =	vadd.s32 v3, v4;
	_ =	sdelay $0x3  }
0x4d: {  	s23 =	simm.s32 $0x2500  }
0x4e: {  	[hbm4b:s6+s4] =	stream.indirect_vreg.scatter [tilespmem:s23], [sflag:$0x2], $0x80, v4, vm2, $0xb8;
	[tilespmem:$0x1A500] =	vst v63  }
0x4f: {  	s23 =	simm.s32 $0x2D00  }
0x50: {  	[hbm4b:s11+s4] =	stream.indirect_vreg.scatter [tilespmem:s23], [sflag:$0x2], $0x80, v4, vm2, $0xb8;
	[tilespmem:$0x1A500] =	vst v63  }
0x51: {  	s23 =	simm.s32 $0x3500  }
0x52: {  	[hbm4b:s12+s4] =	stream.indirect_vreg.scatter [tilespmem:s23], [sflag:$0x2], $0x80, v4, vm2, $0xb8;
	[tilespmem:$0x1A500] =	vst v63  }
0x53: {  	s23 =	simm.s32 $0x3D00  }
0x54: {  	[hbm4b:s13+s4] =	stream.indirect_vreg.scatter [tilespmem:s23], [sflag:$0x2], $0x80, v4, vm2, $0xb8;
	[tilespmem:$0x1A500] =	vst v63  }
0x55: {  	s23 =	simm.s32 $0x4500  }
0x56: {  	[hbm4b:s14+s4] =	stream.indirect_vreg.scatter [tilespmem:s23], [sflag:$0x2], $0x80, v4, vm2, $0xb8;
	[tilespmem:$0x1A500] =	vst v63  }
0x57: {  	_ = 	snop  }
0x58: {  	[hbm4b:s15+s4] =	stream.indirect_vreg.scatter [tilespmem:s28], [sflag:$0x2], $0x80, v4, vm2, $0xb8;
	[tilespmem:$0x1A500] =	vst v63  }
0x59: {  	_ = 	snop  }
0x5a: {  	[hbm4b:s16+s4] =	stream.indirect_vreg.scatter [tilespmem:s29], [sflag:$0x2], $0x80, v4, vm2, $0xb8;
	[tilespmem:$0x1A500] =	vst v63  }
0x5b: {  	_ = 	snop  }
0x5c: {  	[hbm4b:s17+s4] =	stream.indirect_vreg.scatter [tilespmem:s8], [sflag:$0x2], $0x80, v4, vm2, $0xb8;
	[tilespmem:$0x1A500] =	vst v63  }
0x5d: {  	_ = 	snop  }
0x5e: {  	[hbm4b:s18+s4] =	stream.indirect_vreg.scatter [tilespmem:s1], [sflag:$0x2], $0x80, v4, vm2, $0xb8;
	[tilespmem:$0x1A500] =	vst v63  }
0x5f: {  	_ = 	snop  }
0x60: {  	[hbm4b:s19+s4] =	stream.indirect_vreg.scatter [tilespmem:s30], [sflag:$0x2], $0x80, v4, vm2, $0xb8;
	[tilespmem:$0x1A500] =	vst v63  }
0x61: {  	_ = 	snop  }
0x62: {  	[hbm4b:s20+s4] =	stream.indirect_vreg.scatter [tilespmem:s31], [sflag:$0x2], $0x80, v4, vm2, $0xb8;
	[tilespmem:$0x1A500] =	vst v63  }
0x63: {  	_ = 	snop  }
0x64: {  	[hbm4b:s21+s4] =	stream.indirect_vreg.scatter [tilespmem:s0], [sflag:$0x2], $0x80, v4, vm2, $0xb8;
	[tilespmem:$0x1A500] =	vst v63  }
0x65: {  	_ = 	snop  }
0x66: {  	[hbm4b:s22+s4] =	stream.indirect_vreg.scatter [tilespmem:s3], [sflag:$0x2], $0x80, v4, vm2, $0xb8;
	[tilespmem:$0x1A500] =	vst v63  }
0x67: {  	_ = 	snop  }
0x68: {  	[hbm4b:s24+s4] =	stream.indirect_vreg.scatter [tilespmem:s2], [sflag:$0x2], $0x80, v4, vm2, $0xb8;
	[tilespmem:$0x1A500] =	vst v63  }
0x69: {  	_ = 	snop  }
0x6a: {  	[hbm4b:s26+s4] =	stream.indirect_vreg.scatter [tilespmem:s9], [sflag:$0x2], $0x80, v4, vm2, $0xb8;
	[tilespmem:$0x1A500] =	vst v63  }
0x6b: {  	_ = 	snop  }
0x6c: {  	[hbm4b:s5+s4] =	stream.indirect_vreg.scatter [tilespmem:s7], [sflag:$0x2], $0x80, v4, vm2, $0xb8;
	[tilespmem:$0x1A500] =	vst v63  }
0x6d: {  	_ =	swait.ge [sflag:s10], $0x8000  }
0x6e: {  	[sflag:s10] =	ssyncset.done $0x0  }
0x6f: {  	[sflag:s10] =	ssyncadd.s32 $0xFFFF8000  }
0x70: {  	v4 =	vld.msk [tilespmem:$0x1280], $0xff;
	_ =	sdelay $0x4  }
0x71: {  	v5 =	vshll.u32 v4, $0x5  }
0x72: {  	v4 =	vand.u32 $0x7, v4;
	v5 =	vand.u32 $0xFFFFFF00, v5  }
0x73: {  	v4 =	vor.u32 v4, v5  }
0x74: {  	v4 =	vperm.xlane v4, v2;
	_ =	sdelay $0x1  }
0x75: {  	v4 =	vadd.s32 v3, v4;
	_ =	sdelay $0x3  }
0x76: {  	s2 =	simm.s32 $0xA500  }
0x77: {  	[hbm4b:s6+s4] =	stream.indirect_vreg.scatter [tilespmem:s2], [sflag:$0x2], $0x80, v4, vm2, $0xb8;
	[tilespmem:$0x1A500] =	vst v63  }
0x78: {  	s31 =	simm.s32 $0xAD00  }
0x79: {  	[hbm4b:s11+s4] =	stream.indirect_vreg.scatter [tilespmem:s31], [sflag:$0x2], $0x80, v4, vm2, $0xb8;
	[tilespmem:$0x1A500] =	vst v63  }
0x7a: {  	s3 =	simm.s32 $0xB500  }
0x7b: {  	[hbm4b:s12+s4] =	stream.indirect_vreg.scatter [tilespmem:s3], [sflag:$0x2], $0x80, v4, vm2, $0xb8;
	[tilespmem:$0x1A500] =	vst v63  }
0x7c: {  	s6 =	simm.s32 $0xBD00  }
0x7d: {  	[hbm4b:s13+s4] =	stream.indirect_vreg.scatter [tilespmem:s6], [sflag:$0x2], $0x80, v4, vm2, $0xb8;
	[tilespmem:$0x1A500] =	vst v63  }
0x7e: {  	s7 =	simm.s32 $0xC500  }
0x7f: {  	[hbm4b:s14+s4] =	stream.indirect_vreg.scatter [tilespmem:s7], [sflag:$0x2], $0x80, v4, vm2, $0xb8;
	[tilespmem:$0x1A500] =	vst v63  }
0x80: {  	s8 =	simm.s32 $0xCD00  }
0x81: {  	[hbm4b:s15+s4] =	stream.indirect_vreg.scatter [tilespmem:s8], [sflag:$0x2], $0x80, v4, vm2, $0xb8;
	[tilespmem:$0x1A500] =	vst v63  }
0x82: {  	s10 =	simm.s32 $0xD500  }
0x83: {  	[hbm4b:s16+s4] =	stream.indirect_vreg.scatter [tilespmem:s10], [sflag:$0x2], $0x80, v4, vm2, $0xb8;
	[tilespmem:$0x1A500] =	vst v63  }
0x84: {  	s23 =	simm.s32 $0xDD00  }
0x85: {  	[hbm4b:s17+s4] =	stream.indirect_vreg.scatter [tilespmem:s23], [sflag:$0x2], $0x80, v4, vm2, $0xb8;
	[tilespmem:$0x1A500] =	vst v63  }
0x86: {  	s28 =	simm.s32 $0xE500  }
0x87: {  	[hbm4b:s18+s4] =	stream.indirect_vreg.scatter [tilespmem:s28], [sflag:$0x2], $0x80, v4, vm2, $0xb8;
	[tilespmem:$0x1A500] =	vst v63  }
0x88: {  	s29 =	simm.s32 $0xED00  }
0x89: {  	[hbm4b:s19+s4] =	stream.indirect_vreg.scatter [tilespmem:s29], [sflag:$0x2], $0x80, v4, vm2, $0xb8;
	[tilespmem:$0x1A500] =	vst v63  }
0x8a: {  	s30 =	simm.s32 $0xF500  }
0x8b: {  	[hbm4b:s20+s4] =	stream.indirect_vreg.scatter [tilespmem:s30], [sflag:$0x2], $0x80, v4, vm2, $0xb8;
	[tilespmem:$0x1A500] =	vst v63  }
0x8c: {  	s31 =	simm.s32 $0xFD00  }
0x8d: {  	[hbm4b:s21+s4] =	stream.indirect_vreg.scatter [tilespmem:s31], [sflag:$0x2], $0x80, v4, vm2, $0xb8;
	[tilespmem:$0x1A500] =	vst v63  }
0x8e: {  	s9 =	simm.s32 $0x10500  }
0x8f: {  	[hbm4b:s22+s4] =	stream.indirect_vreg.scatter [tilespmem:s9], [sflag:$0x2], $0x80, v4, vm2, $0xb8;
	[tilespmem:$0x1A500] =	vst v63  }
0x90: {  	s1 =	simm.s32 $0x10D00  }
0x91: {  	[hbm4b:s24+s4] =	stream.indirect_vreg.scatter [tilespmem:s1], [sflag:$0x2], $0x80, v4, vm2, $0xb8;
	[tilespmem:$0x1A500] =	vst v63  }
0x92: {  	s1 =	simm.s32 $0x11500  }
0x93: {  	[hbm4b:s26+s4] =	stream.indirect_vreg.scatter [tilespmem:s1], [sflag:$0x2], $0x80, v4, vm2, $0xb8;
	[tilespmem:$0x1A500] =	vst v63  }
0x94: {  	s1 =	simm.s32 $0x11D00  }
0x95: {  	[hbm4b:s5+s4] =	stream.indirect_vreg.scatter [tilespmem:s1], [sflag:$0x2], $0x80, v4, vm2, $0xb8;
	[tilespmem:$0x1A500] =	vst v63  }
0x96: {  	v4 =	vld.msk [tilespmem:$0x2280], $0xff;
	_ =	sdelay $0x4  }
0x97: {  	v5 =	vshll.u32 v4, $0x5  }
0x98: {  	v4 =	vand.u32 $0x7, v4;
	v5 =	vand.u32 $0xFFFFFF00, v5  }
0x99: {  	v4 =	vor.u32 v4, v5  }
0x9a: {  	v4 =	vperm.xlane v4, v2;
	_ =	sdelay $0x1  }
0x9b: {  	v4 =	vadd.s32 v3, v4;
	_ =	sdelay $0x3  }
0x9c: {  	s1 =	rddreg [dreg:$0x3]  }
0x9d: {  	[hbm4b:s1+s4] =	stream.indirect_vreg.scatter [tilespmem:s2], [sflag:$0x2], $0x80, v4, vm2, $0xb8;
	[tilespmem:$0x1A500] =	vst v63  }
0x9e: {  	s2 =	simm.s32 $0xAD00  }
0x9f: {  	[hbm4b:s11+s4] =	stream.indirect_vreg.scatter [tilespmem:s2], [sflag:$0x2], $0x80, v4, vm2, $0xb8;
	[tilespmem:$0x1A500] =	vst v63  }
0xa0: {  	_ = 	snop  }
0xa1: {  	[hbm4b:s12+s4] =	stream.indirect_vreg.scatter [tilespmem:s3], [sflag:$0x2], $0x80, v4, vm2, $0xb8;
	[tilespmem:$0x1A500] =	vst v63  }
0xa2: {  	_ = 	snop  }
0xa3: {  	[hbm4b:s13+s4] =	stream.indirect_vreg.scatter [tilespmem:s6], [sflag:$0x2], $0x80, v4, vm2, $0xb8;
	[tilespmem:$0x1A500] =	vst v63  }
0xa4: {  	_ = 	snop  }
0xa5: {  	[hbm4b:s14+s4] =	stream.indirect_vreg.scatter [tilespmem:s7], [sflag:$0x2], $0x80, v4, vm2, $0xb8;
	[tilespmem:$0x1A500] =	vst v63  }
0xa6: {  	_ = 	snop  }
0xa7: {  	[hbm4b:s15+s4] =	stream.indirect_vreg.scatter [tilespmem:s8], [sflag:$0x2], $0x80, v4, vm2, $0xb8;
	[tilespmem:$0x1A500] =	vst v63  }
0xa8: {  	_ = 	snop  }
0xa9: {  	[hbm4b:s16+s4] =	stream.indirect_vreg.scatter [tilespmem:s10], [sflag:$0x2], $0x80, v4, vm2, $0xb8;
	[tilespmem:$0x1A500] =	vst v63  }
0xaa: {  	_ = 	snop  }
0xab: {  	[hbm4b:s17+s4] =	stream.indirect_vreg.scatter [tilespmem:s23], [sflag:$0x2], $0x80, v4, vm2, $0xb8;
	[tilespmem:$0x1A500] =	vst v63  }
0xac: {  	_ = 	snop  }
0xad: {  	[hbm4b:s18+s4] =	stream.indirect_vreg.scatter [tilespmem:s28], [sflag:$0x2], $0x80, v4, vm2, $0xb8;
	[tilespmem:$0x1A500] =	vst v63  }
0xae: {  	_ = 	snop  }
0xaf: {  	[hbm4b:s19+s4] =	stream.indirect_vreg.scatter [tilespmem:s29], [sflag:$0x2], $0x80, v4, vm2, $0xb8;
	[tilespmem:$0x1A500] =	vst v63  }
0xb0: {  	_ = 	snop  }
0xb1: {  	[hbm4b:s20+s4] =	stream.indirect_vreg.scatter [tilespmem:s30], [sflag:$0x2], $0x80, v4, vm2, $0xb8;
	[tilespmem:$0x1A500] =	vst v63  }
0xb2: {  	_ = 	snop  }
0xb3: {  	[hbm4b:s21+s4] =	stream.indirect_vreg.scatter [tilespmem:s31], [sflag:$0x2], $0x80, v4, vm2, $0xb8;
	[tilespmem:$0x1A500] =	vst v63  }
0xb4: {  	_ = 	snop  }
0xb5: {  	[hbm4b:s22+s4] =	stream.indirect_vreg.scatter [tilespmem:s9], [sflag:$0x2], $0x80, v4, vm2, $0xb8;
	[tilespmem:$0x1A500] =	vst v63  }
0xb6: {  	s23 =	simm.s32 $0x10D00  }
0xb7: {  	[hbm4b:s24+s4] =	stream.indirect_vreg.scatter [tilespmem:s23], [sflag:$0x2], $0x80, v4, vm2, $0xb8;
	[tilespmem:$0x1A500] =	vst v63  }
0xb8: {  	s24 =	simm.s32 $0x11500  }
0xb9: {  	[hbm4b:s26+s4] =	stream.indirect_vreg.scatter [tilespmem:s24], [sflag:$0x2], $0x80, v4, vm2, $0xb8;
	[tilespmem:$0x1A500] =	vst v63  }
0xba: {  	s0 =	simm.s32 $0x2;
	s28 =	simm.s32 $0x11D00  }
0xbb: {  	[hbm4b:s5+s4] =	stream.indirect_vreg.scatter [tilespmem:s28], [sflag:$0x2], $0x80, v4, vm2, $0xb8;
	[tilespmem:$0x1A500] =	vst v63  }
0xbc: {  	_ =	swait.ge [sflag:s0], $0x8000  }
0xbd: {  	[sflag:s0] =	ssyncset.done $0x0  }
0xbe: {  	[sflag:s0] =	ssyncadd.s32 $0xFFFF8000  }
0xbf: {  	_ =	swait.ge [sflag:s0], $0x8000  }
0xc0: {  	[sflag:s0] =	ssyncset.done $0x0  }
0xc1: {  	[sflag:s0] =	ssyncadd.s32 $0xFFFF8000  }
0xc2: {  	_ =	swait.ge [sflag:s0], $0x8000  }
0xc3: {  	[sflag:s0] =	ssyncset.done $0x0  }
0xc4: {  	[sflag:s0] =	ssyncadd.s32 $0xFFFF8000  }
0xc5: {  	_ =	swait.ge [sflag:s0], $0x8000  }
0xc6: {  	[sflag:s0] =	ssyncset.done $0x0  }
0xc7: {  	[sflag:s0] =	ssyncadd.s32 $0xFFFF8000  }
0xc8: {  	_ =	swait.ge [sflag:s0], $0x8000  }
0xc9: {  	[sflag:s0] =	ssyncset.done $0x0  }
0xca: {  	[sflag:s0] =	ssyncadd.s32 $0xFFFF8000  }
0xcb: {  	_ =	swait.ge [sflag:s0], $0x8000  }
0xcc: {  	[sflag:s0] =	ssyncset.done $0x0  }
0xcd: {  	s29 =	simm.s32 $0x3;
	[sflag:s0] =	ssyncadd.s32 $0xFFFF8000  }
0xce: {  	_ =	swait.ge [sflag:s29], $0x80  }
0xcf: {  	[sflag:s29] =	ssyncset.done $0x0  }
0xd0: {  	[sflag:s29] =	ssyncadd.s32 $0xFFFFFF80  }
0xd1: {  	_ =	swait.ge [sflag:s29], $0x80  }
0xd2: {  	[sflag:s29] =	ssyncset.done $0x0  }
0xd3: {  	[sflag:s29] =	ssyncadd.s32 $0xFFFFFF80  }
0xd4: {  	_ =	swait.ge [sflag:s29], $0x80  }
0xd5: {  	[sflag:s29] =	ssyncset.done $0x0  }
0xd6: {  	[sflag:s29] =	ssyncadd.s32 $0xFFFFFF80  }
0xd7: {  	_ =	swait.ge [sflag:s29], $0x80  }
0xd8: {  	s30 =	rddreg [dreg:$0x1c]  }
0xd9: {  	s31 =	rddreg [dreg:$0xc];
	s6 =	sadd.s32 $0x1, s30  }
0xda: {  	p0 =	sne.s32 s6, s31  }
.Ltmp1:
0xdb: {  	_ = 	snop;
	(pc) =	sbr.rel @!p0 .LBB2_7-.Ltmp1, $4  }
0xdc: {  	_ = 	snop  }
0xdd: {  	s1 =	simm.s32 $0x300  }
0xde: {  	s3 =	simm.s32 $0x2400;
	s23 =	simm.s32 $0x200;
	[sflag:s29] =	ssyncset.done $0x0  }
0xdf: {  	s5 =	simm.s32 $0x1300;
	s0 =	simm.s32 $0x2300;
	[sflag:s29] =	ssyncadd.s32 $0xFFFFFF80  }
.LBB2_1:
0xe0: {  	v4 =	vmov s4  }
0xe1: {  	vm3 =	veq.s32 v4, v0  }
0xe2: {  	v4 =	vor.u32 s4, v0;
	vm3 =	vmand vm3, vm0  }
0xe3: {  	v4 =	vshrl.u32 v4, $0x1;
	v5 =	vsel vm3, $0xFFFFFFFF, v1  }
0xe4: {  	[dreg:$0x1c] =	wrdreg s6;
	v4 =	vadd.s32 v5, v4  }
0xe5: {  	s2 =	rddreg [dreg:$0x6];
	s30 =	simm.s32 $0x10;
	s7 =	simm.s32 $0x4;
	v5 =	vshra.s32 v4, $0x1F  }
0xe6: {  	[tilespmem:s4], [sflag:$0x4] =	stream.linear.gather [hbm4b:s2+s4], $0x200, $0x38;
	v6 =	vshrl.u32 v5, $0x1D;
	[tilespmem:$0x1A500] =	vst v63  }
0xe7: {  	v9 =	vmov s30;
	_ =	swait.ge [sflag:s7], $0x200;
	v8 =	vadd.s32 v6, v4  }
0xe8: {  	v7 =	vor.u32 s30, v0;
	[sflag:s7] =	ssyncset.done $0x0;
	vm3 =	veq.s32 v9, v0;
	v8 =	vshra.s32 v8, $0x3  }
0xe9: {  	s31 =	rddreg [dreg:$0x7];
	[sflag:s7] =	ssyncadd.s32 $0xFFFFFE00;
	v5 =	vshrl.u32 v5, $0x19;
	v6 =	vshrl.u32 v7, $0x1;
	v7 =	vshll.u32 v8, $0x3  }
0xea: {  	[tilespmem:s23], [sflag:$0x4] =	stream.linear.gather [hbm4b:s31+s4], $0x100, $0x38;
	vm4 =	vlt.s32 v4, $0x1;
	v10 =	vadd.s32 v5, v4;
	vm5 =	vne.s32 v4, v7;
	[tilespmem:$0x1A500] =	vst v63  }
0xeb: {  	vm3 =	vmand vm3, vm0;
	_ =	swait.ge [sflag:s7], $0x100;
	v5 =	vand.u32 $0xFFFFFF80, v10;
	vm5 =	vmand vm4, vm5  }
0xec: {  	[sflag:s7] =	ssyncset.done $0x0;
	v7 =	vsel vm3, $0xFFFFFFFF, v1;
	vm3 =	vne.s32 v4, v5;
	v9 =	vsel vm5, $0xFFFFFFFF, v1  }
0xed: {  	[sflag:s7] =	ssyncadd.s32 $0xFFFFFF00;
	v10 =	vshrl.u32 v10, $0x7;
	vm3 =	vmand vm4, vm3;
	v9 =	vadd.s32 v9, v8  }
0xee: {  	s2 =	simm.s32 $0x0;
	s7 =	simm.s32 $0x20;
	v5 =	vld [tilespmem:s4+$0x0];
	v11 =	vsel vm3, $0xFFFFFFFF, v1;
	v8 =	vand.u32 $0x7, v4;
	v9 =	vshll.u32 v9, $0x7  }
.LBB2_2:
0xef: {  	p0 =	sne.s32 s7, $0x1F0;
	v6 =	vadd.s32 v7, v6;
	v7 =	vor.u32 v8, v9;
	v8 =	vadd.s32 v11, v10  }
0xf0: {  	v10 =	vand.u32 $0x7F, v4;
	v9 =	vshra.s32 v6, $0x1F;
	v8 =	vshll.u32 v8, $0x7;
	v4 =	vmovc v6  }
0xf1: {  	v6 =	vshrl.u32 v9, $0x1D;
	v8 =	vor.u32 v10, v8  }
0xf2: {  	v10 =	vor.u32 s7, v0;
	v11 =	vadd.s32 v6, v4  }
0xf3: {  	v12 =	vmov s7;
	v6 =	vshrl.u32 v10, $0x1;
	v10 =	vshra.s32 v11, $0x3  }
0xf4: {  	vm3 =	veq.s32 v12, v0;
	v9 =	vshrl.u32 v9, $0x19;
	v11 =	vshll.u32 v10, $0x3;
	[tilespmem:v7+s1+$0x0] =	vst.idx.msk vm1, v5  }
.Ltmp2:
0xf5: {  	vm4 =	vlt.s32 v4, $0x1;
	vm5 =	vne.s32 v4, v11;
	v11 =	vadd.s32 v9, v4;
	[tilespmem:v7+s5+$0x0] =	vst.idx.msk vm0, v5;
	(pc) =	sbr.rel @p0 .LBB2_2-.Ltmp2, $4  }
0xf6: {  	vm3 =	vmand vm3, vm0;
	vm5 =	vmand vm4, vm5;
	v9 =	vand.u32 $0xFFFFFF80, v11;
	[tilespmem:v8+s0+$0x0] =	vst.idx.msk vm1, v5  }
0xf7: {  	s2 =	sadd.s32 $0x10, s2;
	v7 =	vsel vm3, $0xFFFFFFFF, v1;
	v12 =	vsel vm5, $0xFFFFFFFF, v1;
	vm3 =	vne.s32 v4, v9;
	[tilespmem:v8+s3+$0x0] =	vst.idx.msk vm0, v5  }
0xf8: {  	v8 =	vand.u32 $0x7, v4;
	v5 =	vld [tilespmem:s2+$0x0];
	v9 =	vadd.s32 v12, v10;
	vm3 =	vmand vm4, vm3  }
0xf9: {  	s7 =	sadd.s32 $0x10, s7;
	v10 =	vshrl.u32 v11, $0x7;
	v9 =	vshll.u32 v9, $0x7;
	v11 =	vsel vm3, $0xFFFFFFFF, v1  }
0xfa: {  	v6 =	vadd.s32 v7, v6  }
0xfb: {  	v7 =	vshra.s32 v6, $0x1F  }
0xfc: {  	v8 =	vor.u32 v8, v9;
	v56 =	vadd.s32 v11, v10;
	v57 =	vshrl.u32 v7, $0x1D  }
0xfd: {  	v4 =	vand.u32 $0x7F, v4;
	v9 =	vshll.u32 v56, $0x7;
	v10 =	vadd.s32 v57, v6  }
0xfe: {  	v4 =	vor.u32 v4, v9;
	v58 =	vshra.s32 v10, $0x3  }
0xff: {  	v7 =	vshrl.u32 v7, $0x19;
	v10 =	vshll.u32 v58, $0x3  }
0x100: {  	vm3 =	vlt.s32 v6, $0x1;
	v7 =	vadd.s32 v7, v6;
	vm4 =	vne.s32 v6, v10  }
0x101: {  	v59 =	vand.u32 $0xFFFFFF80, v7;
	[tilespmem:v8+s1+$0x0] =	vst.idx.msk vm1, v5;
	vm4 =	vmand vm3, vm4  }
0x102: {  	vm15 =	vne.s32 v6, v59;
	[tilespmem:v8+s5+$0x0] =	vst.idx.msk vm0, v5;
	v60 =	vsel vm4, $0xFFFFFFFF, v1  }
0x103: {  	v61 =	vand.u32 $0x7, v6;
	[tilespmem:v4+s0+$0x0] =	vst.idx.msk vm1, v5;
	vm3 =	vmand vm3, vm15;
	v8 =	vadd.s32 v60, v58  }
0x104: {  	s2 =	sadd.s32 $0x10, s2;
	[tilespmem:v4+s3+$0x0] =	vst.idx.msk vm0, v5;
	v5 =	vshrl.u32 v7, $0x7;
	v62 =	vsel vm3, $0xFFFFFFFF, v1;
	v4 =	vshll.u32 v8, $0x7  }
0x105: {  	v63 =	vld [tilespmem:s2+$0x0];
	v5 =	vadd.s32 v62, v5;
	v4 =	vor.u32 v61, v4  }
0x106: {  	v6 =	vand.u32 $0x7F, v6;
	v5 =	vshll.u32 v5, $0x7  }
0x107: {  	v5 =	vor.u32 v6, v5;
	_ =	sdelay $0x2  }
0x108: {  	[tilespmem:v4+s1+$0x0] =	vst.idx.msk vm1, v63  }
0x109: {  	[tilespmem:v4+s5+$0x0] =	vst.idx.msk vm0, v63  }
0x10a: {  	[tilespmem:v5+s0+$0x0] =	vst.idx.msk vm1, v63  }
0x10b: {  	s18 =	rddreg [dreg:$0x4];
	s7 =	simm.s32 $0x80;
	[tilespmem:v5+s3+$0x0] =	vst.idx.msk vm0, v63  }
0x10c: {  	[hbm4b:s18+s7] =	stream.indirect.scatter [tilespmem:s23], [sflag:$0x3], $0x1, s0, s7, $0xb8;
	[tilespmem:$0x1A500] =	vst v63  }
0x10d: {  	s19 =	simm.s32 $0x2380  }
0x10e: {  	[hbm4b:s18+s7] =	stream.indirect.scatter [tilespmem:s23], [sflag:$0x3], $0x1, s3, s7, $0xb8;
	[tilespmem:$0x1A500] =	vst v63  }
0x10f: {  	s28 =	simm.s32 $0x280;
	s20 =	simm.s32 $0x2480;
	s22 =	rddreg [dreg:$0x8]  }
0x110: {  	[hbm4b:s18+s7] =	stream.indirect.scatter [tilespmem:s28], [sflag:$0x3], $0x1, s19, s7, $0xb8;
	[tilespmem:$0x1A500] =	vst v63  }
0x111: {  	s21 =	simm.s32 $0x0;
	s24 =	rddreg [dreg:$0x9];
	s29 =	simm.s32 $0x0  }
0x112: {  	[hbm4b:s18+s7] =	stream.indirect.scatter [tilespmem:s28], [sflag:$0x3], $0x1, s20, s7, $0xb8;
	[tilespmem:$0x1A500] =	vst v63  }
0x113: {  	s30 =	simm.s32 $0x1400;
	[dreg:$0x1d] =	wrdreg s29;
	s23 =	simm.s32 $0x2500  }
0x114: {  	[tilespmem:s23], [sflag:$0x1] =	stream.linear.gather [hbm4b:s22+s21], $0x8000, $0x38;
	[tilespmem:$0x1A500] =	vst v63  }
0x115: {  	s26 =	simm.s32 $0xA500;
	[dreg:$0x1e] =	wrdreg s30  }
0x116: {  	[tilespmem:s26], [sflag:$0x1] =	stream.linear.gather [hbm4b:s24+s21], $0x8000, $0x38;
	[tilespmem:$0x1A500] =	vst v63  }
0x117: {  	s31 =	simm.s32 $0x400;
	s28 =	rddreg [dreg:$0xa]  }
0x118: {  	[tilespmem:s25], [sflag:$0x1] =	stream.linear.gather [hbm4b:s28+s21], $0x8000, $0x38;
	[tilespmem:$0x1A500] =	vst v63  }
0x119: {  	[dreg:$0x1f] =	wrdreg s31;
	s25 =	simm.s32 $0x2  }
.LBB2_4:
0x11a: {  	s10 =	simm.s32 $0x1  }
0x11b: {  	_ =	swait.ge [sflag:s10], $0x8000  }
0x11c: {  	[sflag:s10] =	ssyncset.done $0x0  }
0x11d: {  	s0 =	rddreg [dreg:$0x1f];
	[sflag:s10] =	ssyncadd.s32 $0xFFFF8000  }
0x11e: {  	v4 =	vld.msk [tilespmem:s0+$0xFFFFFF00], $0xff;
	_ =	sdelay $0x4  }
0x11f: {  	v5 =	vshll.u32 v4, $0x5  }
0x120: {  	v4 =	vand.u32 $0x7, v4;
	v5 =	vand.u32 $0xFFFFFF00, v5  }
0x121: {  	v4 =	vor.u32 v4, v5  }
0x122: {  	v4 =	vperm.xlane v4, v2;
	_ =	sdelay $0x1  }
0x123: {  	v4 =	vadd.s32 v3, v4;
	_ =	sdelay $0x2  }
0x124: {  	s11 =	rddreg [dreg:$0xd]  }
0x125: {  	s31 =	simm.s32 $0x2500;
	s6 =	rddreg [dreg:$0x3]  }
0x126: {  	[hbm4b:s6+s4] =	stream.indirect_vreg.scatter [tilespmem:s31], [sflag:$0x2], $0x80, v4, vm2, $0xb8;
	[tilespmem:$0x1A500] =	vst v63  }
0x127: {  	s1 =	simm.s32 $0x2D00;
	s12 =	rddreg [dreg:$0xe]  }
0x128: {  	[hbm4b:s11+s4] =	stream.indirect_vreg.scatter [tilespmem:s1], [sflag:$0x2], $0x80, v4, vm2, $0xb8;
	[tilespmem:$0x1A500] =	vst v63  }
0x129: {  	s2 =	simm.s32 $0x3500;
	s13 =	rddreg [dreg:$0xf]  }
0x12a: {  	[hbm4b:s12+s4] =	stream.indirect_vreg.scatter [tilespmem:s2], [sflag:$0x2], $0x80, v4, vm2, $0xb8;
	[tilespmem:$0x1A500] =	vst v63  }
0x12b: {  	s3 =	simm.s32 $0x3D00;
	s14 =	rddreg [dreg:$0x10]  }
0x12c: {  	[hbm4b:s13+s4] =	stream.indirect_vreg.scatter [tilespmem:s3], [sflag:$0x2], $0x80, v4, vm2, $0xb8;
	[tilespmem:$0x1A500] =	vst v63  }
0x12d: {  	s5 =	simm.s32 $0x4500;
	s15 =	rddreg [dreg:$0x11]  }
0x12e: {  	[hbm4b:s14+s4] =	stream.indirect_vreg.scatter [tilespmem:s5], [sflag:$0x2], $0x80, v4, vm2, $0xb8;
	[tilespmem:$0x1A500] =	vst v63  }
0x12f: {  	s7 =	simm.s32 $0x4D00;
	s16 =	rddreg [dreg:$0x12]  }
0x130: {  	[hbm4b:s15+s4] =	stream.indirect_vreg.scatter [tilespmem:s7], [sflag:$0x2], $0x80, v4, vm2, $0xb8;
	[tilespmem:$0x1A500] =	vst v63  }
0x131: {  	s23 =	simm.s32 $0x5500;
	s17 =	rddreg [dreg:$0x13]  }
0x132: {  	[hbm4b:s16+s4] =	stream.indirect_vreg.scatter [tilespmem:s23], [sflag:$0x2], $0x80, v4, vm2, $0xb8;
	[tilespmem:$0x1A500] =	vst v63  }
0x133: {  	s18 =	rddreg [dreg:$0x14];
	s7 =	simm.s32 $0x5D00  }
0x134: {  	[hbm4b:s17+s4] =	stream.indirect_vreg.scatter [tilespmem:s7], [sflag:$0x2], $0x80, v4, vm2, $0xb8;
	[tilespmem:$0x1A500] =	vst v63  }
0x135: {  	s19 =	rddreg [dreg:$0x15];
	s2 =	simm.s32 $0x6500  }
0x136: {  	[hbm4b:s18+s4] =	stream.indirect_vreg.scatter [tilespmem:s2], [sflag:$0x2], $0x80, v4, vm2, $0xb8;
	[tilespmem:$0x1A500] =	vst v63  }
0x137: {  	s30 =	simm.s32 $0x6D00;
	s20 =	rddreg [dreg:$0x16]  }
0x138: {  	[hbm4b:s19+s4] =	stream.indirect_vreg.scatter [tilespmem:s30], [sflag:$0x2], $0x80, v4, vm2, $0xb8;
	[tilespmem:$0x1A500] =	vst v63  }
0x139: {  	s21 =	rddreg [dreg:$0x17];
	s31 =	simm.s32 $0x7500  }
0x13a: {  	[hbm4b:s20+s4] =	stream.indirect_vreg.scatter [tilespmem:s31], [sflag:$0x2], $0x80, v4, vm2, $0xb8;
	[tilespmem:$0x1A500] =	vst v63  }
0x13b: {  	s9 =	simm.s32 $0x7D00;
	s22 =	rddreg [dreg:$0x18]  }
0x13c: {  	[hbm4b:s21+s4] =	stream.indirect_vreg.scatter [tilespmem:s9], [sflag:$0x2], $0x80, v4, vm2, $0xb8;
	[tilespmem:$0x1A500] =	vst v63  }
0x13d: {  	s24 =	rddreg [dreg:$0x19];
	s3 =	simm.s32 $0x8500  }
0x13e: {  	[hbm4b:s22+s4] =	stream.indirect_vreg.scatter [tilespmem:s3], [sflag:$0x2], $0x80, v4, vm2, $0xb8;
	[tilespmem:$0x1A500] =	vst v63  }
0x13f: {  	s28 =	simm.s32 $0x8D00;
	s26 =	rddreg [dreg:$0x1a]  }
0x140: {  	[hbm4b:s24+s4] =	stream.indirect_vreg.scatter [tilespmem:s28], [sflag:$0x2], $0x80, v4, vm2, $0xb8;
	[tilespmem:$0x1A500] =	vst v63  }
0x141: {  	s29 =	simm.s32 $0x9500;
	s1 =	rddreg [dreg:$0x1e]  }
0x142: {  	[hbm4b:s26+s4] =	stream.indirect_vreg.scatter [tilespmem:s29], [sflag:$0x2], $0x80, v4, vm2, $0xb8;
	[tilespmem:$0x1A500] =	vst v63  }
0x143: {  	s8 =	simm.s32 $0x9D00;
	s5 =	rddreg [dreg:$0x1b]  }
0x144: {  	[hbm4b:s5+s4] =	stream.indirect_vreg.scatter [tilespmem:s8], [sflag:$0x2], $0x80, v4, vm2, $0xb8;
	[tilespmem:$0x1A500] =	vst v63  }
0x145: {  	v4 =	vld.msk [tilespmem:s1+$0xFFFFFF00], $0xff;
	_ =	sdelay $0x4  }
0x146: {  	v5 =	vshll.u32 v4, $0x5  }
0x147: {  	v4 =	vand.u32 $0x7, v4;
	v5 =	vand.u32 $0xFFFFFF00, v5  }
0x148: {  	v4 =	vor.u32 v4, v5  }
0x149: {  	v4 =	vperm.xlane v4, v2;
	_ =	sdelay $0x1  }
0x14a: {  	v4 =	vadd.s32 v3, v4;
	_ =	sdelay $0x3  }
0x14b: {  	[dreg:$0x1f] =	wrdreg s0;
	s0 =	simm.s32 $0x2500  }
0x14c: {  	[hbm4b:s6+s4] =	stream.indirect_vreg.scatter [tilespmem:s0], [sflag:$0x2], $0x80, v4, vm2, $0xb8;
	[tilespmem:$0x1A500] =	vst v63  }
0x14d: {  	s0 =	simm.s32 $0x2D00  }
0x14e: {  	[hbm4b:s11+s4] =	stream.indirect_vreg.scatter [tilespmem:s0], [sflag:$0x2], $0x80, v4, vm2, $0xb8;
	[tilespmem:$0x1A500] =	vst v63  }
0x14f: {  	s0 =	simm.s32 $0x3500  }
0x150: {  	[hbm4b:s12+s4] =	stream.indirect_vreg.scatter [tilespmem:s0], [sflag:$0x2], $0x80, v4, vm2, $0xb8;
	[tilespmem:$0x1A500] =	vst v63  }
0x151: {  	s0 =	simm.s32 $0x3D00  }
0x152: {  	[hbm4b:s13+s4] =	stream.indirect_vreg.scatter [tilespmem:s0], [sflag:$0x2], $0x80, v4, vm2, $0xb8;
	[tilespmem:$0x1A500] =	vst v63  }
0x153: {  	s0 =	simm.s32 $0x4500  }
0x154: {  	[hbm4b:s14+s4] =	stream.indirect_vreg.scatter [tilespmem:s0], [sflag:$0x2], $0x80, v4, vm2, $0xb8;
	[tilespmem:$0x1A500] =	vst v63  }
0x155: {  	s0 =	simm.s32 $0x4D00  }
0x156: {  	[hbm4b:s15+s4] =	stream.indirect_vreg.scatter [tilespmem:s0], [sflag:$0x2], $0x80, v4, vm2, $0xb8;
	[tilespmem:$0x1A500] =	vst v63  }
0x157: {  	_ = 	snop  }
0x158: {  	[hbm4b:s16+s4] =	stream.indirect_vreg.scatter [tilespmem:s23], [sflag:$0x2], $0x80, v4, vm2, $0xb8;
	[tilespmem:$0x1A500] =	vst v63  }
0x159: {  	_ = 	snop  }
0x15a: {  	[hbm4b:s17+s4] =	stream.indirect_vreg.scatter [tilespmem:s7], [sflag:$0x2], $0x80, v4, vm2, $0xb8;
	[tilespmem:$0x1A500] =	vst v63  }
0x15b: {  	_ = 	snop  }
0x15c: {  	[hbm4b:s18+s4] =	stream.indirect_vreg.scatter [tilespmem:s2], [sflag:$0x2], $0x80, v4, vm2, $0xb8;
	[tilespmem:$0x1A500] =	vst v63  }
0x15d: {  	_ = 	snop  }
0x15e: {  	[hbm4b:s19+s4] =	stream.indirect_vreg.scatter [tilespmem:s30], [sflag:$0x2], $0x80, v4, vm2, $0xb8;
	[tilespmem:$0x1A500] =	vst v63  }
0x15f: {  	_ = 	snop  }
0x160: {  	[hbm4b:s20+s4] =	stream.indirect_vreg.scatter [tilespmem:s31], [sflag:$0x2], $0x80, v4, vm2, $0xb8;
	[tilespmem:$0x1A500] =	vst v63  }
0x161: {  	_ = 	snop  }
0x162: {  	[hbm4b:s21+s4] =	stream.indirect_vreg.scatter [tilespmem:s9], [sflag:$0x2], $0x80, v4, vm2, $0xb8;
	[tilespmem:$0x1A500] =	vst v63  }
0x163: {  	_ = 	snop  }
0x164: {  	[hbm4b:s22+s4] =	stream.indirect_vreg.scatter [tilespmem:s3], [sflag:$0x2], $0x80, v4, vm2, $0xb8;
	[tilespmem:$0x1A500] =	vst v63  }
0x165: {  	_ = 	snop  }
0x166: {  	[hbm4b:s24+s4] =	stream.indirect_vreg.scatter [tilespmem:s28], [sflag:$0x2], $0x80, v4, vm2, $0xb8;
	[tilespmem:$0x1A500] =	vst v63  }
0x167: {  	_ = 	snop  }
0x168: {  	[hbm4b:s26+s4] =	stream.indirect_vreg.scatter [tilespmem:s29], [sflag:$0x2], $0x80, v4, vm2, $0xb8;
	[tilespmem:$0x1A500] =	vst v63  }
0x169: {  	[dreg:$0x1e] =	wrdreg s1  }
0x16a: {  	[hbm4b:s5+s4] =	stream.indirect_vreg.scatter [tilespmem:s8], [sflag:$0x2], $0x80, v4, vm2, $0xb8;
	[tilespmem:$0x1A500] =	vst v63  }
0x16b: {  	_ =	swait.ge [sflag:s25], $0x8000  }
0x16c: {  	[sflag:s25] =	ssyncset.done $0x0  }
0x16d: {  	[sflag:s25] =	ssyncadd.s32 $0xFFFF8000  }
0x16e: {  	_ =	swait.ge [sflag:s25], $0x8000  }
0x16f: {  	s8 =	rddreg [dreg:$0xb]  }
0x170: {  	s9 =	rddreg [dreg:$0x1d]  }
0x171: {  	s23 =	simm.s32 $0x2500;
	[sflag:s25] =	ssyncset.done $0x0;
	s29 =	sadd.s32 s9, s8  }
0x172: {  	[dreg:$0x1d] =	wrdreg s9;
	[sflag:s25] =	ssyncadd.s32 $0xFFFF8000;
	s28 =	sadd.s32 $0x3000, s29  }
0x173: {  	[tilespmem:s23], [sflag:$0x1] =	stream.linear.gather [hbm4b:s28+s4], $0x8000, $0x38;
	[tilespmem:$0x1A500] =	vst v63  }
0x174: {  	_ =	swait.ge [sflag:s10], $0x8000  }
0x175: {  	[sflag:s10] =	ssyncset.done $0x0  }
0x176: {  	s2 =	rddreg [dreg:$0x1f];
	[sflag:s10] =	ssyncadd.s32 $0xFFFF8000  }
0x177: {  	v4 =	vld.msk [tilespmem:s2+$0xFFFFFF80], $0xff;
	_ =	sdelay $0x4  }
0x178: {  	v5 =	vshll.u32 v4, $0x5  }
0x179: {  	v4 =	vand.u32 $0x7, v4;
	v5 =	vand.u32 $0xFFFFFF00, v5  }
0x17a: {  	v4 =	vor.u32 v4, v5  }
0x17b: {  	v4 =	vperm.xlane v4, v2;
	_ =	sdelay $0x1  }
0x17c: {  	v4 =	vadd.s32 v3, v4;
	_ =	sdelay $0x3  }
0x17d: {  	s28 =	simm.s32 $0xA500  }
0x17e: {  	[hbm4b:s6+s4] =	stream.indirect_vreg.scatter [tilespmem:s28], [sflag:$0x2], $0x80, v4, vm2, $0xb8;
	[tilespmem:$0x1A500] =	vst v63  }
0x17f: {  	s30 =	simm.s32 $0xAD00  }
0x180: {  	[hbm4b:s11+s4] =	stream.indirect_vreg.scatter [tilespmem:s30], [sflag:$0x2], $0x80, v4, vm2, $0xb8;
	[tilespmem:$0x1A500] =	vst v63  }
0x181: {  	s31 =	simm.s32 $0xB500  }
0x182: {  	[hbm4b:s12+s4] =	stream.indirect_vreg.scatter [tilespmem:s31], [sflag:$0x2], $0x80, v4, vm2, $0xb8;
	[tilespmem:$0x1A500] =	vst v63  }
0x183: {  	s0 =	smov.u32 s6;
	s6 =	simm.s32 $0xBD00  }
0x184: {  	[hbm4b:s13+s4] =	stream.indirect_vreg.scatter [tilespmem:s6], [sflag:$0x2], $0x80, v4, vm2, $0xb8;
	[tilespmem:$0x1A500] =	vst v63  }
0x185: {  	s7 =	simm.s32 $0xC500  }
0x186: {  	[hbm4b:s14+s4] =	stream.indirect_vreg.scatter [tilespmem:s7], [sflag:$0x2], $0x80, v4, vm2, $0xb8;
	[tilespmem:$0x1A500] =	vst v63  }
0x187: {  	s6 =	simm.s32 $0xCD00  }
0x188: {  	[hbm4b:s15+s4] =	stream.indirect_vreg.scatter [tilespmem:s6], [sflag:$0x2], $0x80, v4, vm2, $0xb8;
	[tilespmem:$0x1A500] =	vst v63  }
0x189: {  	s7 =	simm.s32 $0xD500  }
0x18a: {  	[hbm4b:s16+s4] =	stream.indirect_vreg.scatter [tilespmem:s7], [sflag:$0x2], $0x80, v4, vm2, $0xb8;
	[tilespmem:$0x1A500] =	vst v63  }
0x18b: {  	s8 =	simm.s32 $0xDD00  }
0x18c: {  	[hbm4b:s17+s4] =	stream.indirect_vreg.scatter [tilespmem:s8], [sflag:$0x2], $0x80, v4, vm2, $0xb8;
	[tilespmem:$0x1A500] =	vst v63  }
0x18d: {  	s23 =	simm.s32 $0xE500  }
0x18e: {  	[hbm4b:s18+s4] =	stream.indirect_vreg.scatter [tilespmem:s23], [sflag:$0x2], $0x80, v4, vm2, $0xb8;
	[tilespmem:$0x1A500] =	vst v63  }
0x18f: {  	s28 =	simm.s32 $0xED00  }
0x190: {  	[hbm4b:s19+s4] =	stream.indirect_vreg.scatter [tilespmem:s28], [sflag:$0x2], $0x80, v4, vm2, $0xb8;
	[tilespmem:$0x1A500] =	vst v63  }
0x191: {  	s30 =	simm.s32 $0xF500  }
0x192: {  	[hbm4b:s20+s4] =	stream.indirect_vreg.scatter [tilespmem:s30], [sflag:$0x2], $0x80, v4, vm2, $0xb8;
	[tilespmem:$0x1A500] =	vst v63  }
0x193: {  	s31 =	simm.s32 $0xFD00  }
0x194: {  	[hbm4b:s21+s4] =	stream.indirect_vreg.scatter [tilespmem:s31], [sflag:$0x2], $0x80, v4, vm2, $0xb8;
	[tilespmem:$0x1A500] =	vst v63  }
0x195: {  	s9 =	simm.s32 $0x10500  }
0x196: {  	[hbm4b:s22+s4] =	stream.indirect_vreg.scatter [tilespmem:s9], [sflag:$0x2], $0x80, v4, vm2, $0xb8;
	[tilespmem:$0x1A500] =	vst v63  }
0x197: {  	s3 =	simm.s32 $0x10D00  }
0x198: {  	[hbm4b:s24+s4] =	stream.indirect_vreg.scatter [tilespmem:s3], [sflag:$0x2], $0x80, v4, vm2, $0xb8;
	[tilespmem:$0x1A500] =	vst v63  }
0x199: {  	s3 =	simm.s32 $0x11500  }
0x19a: {  	[hbm4b:s26+s4] =	stream.indirect_vreg.scatter [tilespmem:s3], [sflag:$0x2], $0x80, v4, vm2, $0xb8;
	[tilespmem:$0x1A500] =	vst v63  }
0x19b: {  	s3 =	simm.s32 $0x11D00  }
0x19c: {  	[hbm4b:s5+s4] =	stream.indirect_vreg.scatter [tilespmem:s3], [sflag:$0x2], $0x80, v4, vm2, $0xb8;
	[tilespmem:$0x1A500] =	vst v63  }
0x19d: {  	v4 =	vld.msk [tilespmem:s1+$0xFFFFFF80], $0xff;
	_ =	sdelay $0x4  }
0x19e: {  	v5 =	vshll.u32 v4, $0x5  }
0x19f: {  	v4 =	vand.u32 $0x7, v4;
	v5 =	vand.u32 $0xFFFFFF00, v5  }
0x1a0: {  	v4 =	vor.u32 v4, v5  }
0x1a1: {  	v4 =	vperm.xlane v4, v2;
	_ =	sdelay $0x1  }
0x1a2: {  	v4 =	vadd.s32 v3, v4;
	_ =	sdelay $0x3  }
0x1a3: {  	s1 =	simm.s32 $0xA500  }
0x1a4: {  	[hbm4b:s0+s4] =	stream.indirect_vreg.scatter [tilespmem:s1], [sflag:$0x2], $0x80, v4, vm2, $0xb8;
	[tilespmem:$0x1A500] =	vst v63  }
0x1a5: {  	s1 =	simm.s32 $0xAD00  }
0x1a6: {  	[hbm4b:s11+s4] =	stream.indirect_vreg.scatter [tilespmem:s1], [sflag:$0x2], $0x80, v4, vm2, $0xb8;
	[tilespmem:$0x1A500] =	vst v63  }
0x1a7: {  	s1 =	simm.s32 $0xB500  }
0x1a8: {  	[hbm4b:s12+s4] =	stream.indirect_vreg.scatter [tilespmem:s1], [sflag:$0x2], $0x80, v4, vm2, $0xb8;
	[tilespmem:$0x1A500] =	vst v63  }
0x1a9: {  	s1 =	simm.s32 $0xBD00  }
0x1aa: {  	[hbm4b:s13+s4] =	stream.indirect_vreg.scatter [tilespmem:s1], [sflag:$0x2], $0x80, v4, vm2, $0xb8;
	[tilespmem:$0x1A500] =	vst v63  }
0x1ab: {  	s1 =	simm.s32 $0xC500  }
0x1ac: {  	[hbm4b:s14+s4] =	stream.indirect_vreg.scatter [tilespmem:s1], [sflag:$0x2], $0x80, v4, vm2, $0xb8;
	[tilespmem:$0x1A500] =	vst v63  }
0x1ad: {  	_ = 	snop  }
0x1ae: {  	[hbm4b:s15+s4] =	stream.indirect_vreg.scatter [tilespmem:s6], [sflag:$0x2], $0x80, v4, vm2, $0xb8;
	[tilespmem:$0x1A500] =	vst v63  }
0x1af: {  	_ = 	snop  }
0x1b0: {  	[hbm4b:s16+s4] =	stream.indirect_vreg.scatter [tilespmem:s7], [sflag:$0x2], $0x80, v4, vm2, $0xb8;
	[tilespmem:$0x1A500] =	vst v63  }
0x1b1: {  	_ = 	snop  }
0x1b2: {  	[hbm4b:s17+s4] =	stream.indirect_vreg.scatter [tilespmem:s8], [sflag:$0x2], $0x80, v4, vm2, $0xb8;
	[tilespmem:$0x1A500] =	vst v63  }
0x1b3: {  	_ = 	snop  }
0x1b4: {  	[hbm4b:s18+s4] =	stream.indirect_vreg.scatter [tilespmem:s23], [sflag:$0x2], $0x80, v4, vm2, $0xb8;
	[tilespmem:$0x1A500] =	vst v63  }
0x1b5: {  	_ = 	snop  }
0x1b6: {  	[hbm4b:s19+s4] =	stream.indirect_vreg.scatter [tilespmem:s28], [sflag:$0x2], $0x80, v4, vm2, $0xb8;
	[tilespmem:$0x1A500] =	vst v63  }
0x1b7: {  	_ = 	snop  }
0x1b8: {  	[hbm4b:s20+s4] =	stream.indirect_vreg.scatter [tilespmem:s30], [sflag:$0x2], $0x80, v4, vm2, $0xb8;
	[tilespmem:$0x1A500] =	vst v63  }
0x1b9: {  	_ = 	snop  }
0x1ba: {  	[hbm4b:s21+s4] =	stream.indirect_vreg.scatter [tilespmem:s31], [sflag:$0x2], $0x80, v4, vm2, $0xb8;
	[tilespmem:$0x1A500] =	vst v63  }
0x1bb: {  	_ = 	snop  }
0x1bc: {  	[hbm4b:s22+s4] =	stream.indirect_vreg.scatter [tilespmem:s9], [sflag:$0x2], $0x80, v4, vm2, $0xb8;
	[tilespmem:$0x1A500] =	vst v63  }
0x1bd: {  	s8 =	simm.s32 $0x10D00  }
0x1be: {  	[hbm4b:s24+s4] =	stream.indirect_vreg.scatter [tilespmem:s8], [sflag:$0x2], $0x80, v4, vm2, $0xb8;
	[tilespmem:$0x1A500] =	vst v63  }
0x1bf: {  	s9 =	simm.s32 $0x11500  }
0x1c0: {  	[hbm4b:s26+s4] =	stream.indirect_vreg.scatter [tilespmem:s9], [sflag:$0x2], $0x80, v4, vm2, $0xb8;
	[tilespmem:$0x1A500] =	vst v63  }
0x1c1: {  	s3 =	simm.s32 $0x11D00  }
0x1c2: {  	[hbm4b:s5+s4] =	stream.indirect_vreg.scatter [tilespmem:s3], [sflag:$0x2], $0x80, v4, vm2, $0xb8;
	[tilespmem:$0x1A500] =	vst v63  }
0x1c3: {  	_ =	swait.ge [sflag:s25], $0x8000  }
0x1c4: {  	[sflag:s25] =	ssyncset.done $0x0  }
0x1c5: {  	[sflag:s25] =	ssyncadd.s32 $0xFFFF8000  }
0x1c6: {  	_ =	swait.ge [sflag:s25], $0x8000  }
0x1c7: {  	[sflag:s25] =	ssyncset.done $0x0  }
0x1c8: {  	s23 =	sadd.s32 $0x4000, s29;
	[sflag:s25] =	ssyncadd.s32 $0xFFFF8000;
	s25 =	simm.s32 $0xA500  }
0x1c9: {  	[tilespmem:s25], [sflag:$0x1] =	stream.linear.gather [hbm4b:s23+s4], $0x8000, $0x38;
	[tilespmem:$0x1A500] =	vst v63  }
0x1ca: {  	_ =	swait.ge [sflag:s10], $0x8000  }
0x1cb: {  	[sflag:s10] =	ssyncset.done $0x0  }
0x1cc: {  	[sflag:s10] =	ssyncadd.s32 $0xFFFF8000  }
0x1cd: {  	v4 =	vld.msk [tilespmem:s2+$0x0], $0xff;
	_ =	sdelay $0x4  }
0x1ce: {  	v5 =	vshll.u32 v4, $0x5  }
0x1cf: {  	v4 =	vand.u32 $0x7, v4;
	v5 =	vand.u32 $0xFFFFFF00, v5  }
0x1d0: {  	v4 =	vor.u32 v4, v5  }
0x1d1: {  	v4 =	vperm.xlane v4, v2;
	_ =	sdelay $0x1  }
0x1d2: {  	v4 =	vadd.s32 v3, v4;
	_ =	sdelay $0x3  }
0x1d3: {  	s28 =	simm.s32 $0x12500  }
0x1d4: {  	[hbm4b:s0+s4] =	stream.indirect_vreg.scatter [tilespmem:s28], [sflag:$0x2], $0x80, v4, vm2, $0xb8;
	[tilespmem:$0x1A500] =	vst v63  }
0x1d5: {  	s30 =	simm.s32 $0x12D00  }
0x1d6: {  	[hbm4b:s11+s4] =	stream.indirect_vreg.scatter [tilespmem:s30], [sflag:$0x2], $0x80, v4, vm2, $0xb8;
	[tilespmem:$0x1A500] =	vst v63  }
0x1d7: {  	s31 =	simm.s32 $0x13500  }
0x1d8: {  	[hbm4b:s12+s4] =	stream.indirect_vreg.scatter [tilespmem:s31], [sflag:$0x2], $0x80, v4, vm2, $0xb8;
	[tilespmem:$0x1A500] =	vst v63  }
0x1d9: {  	s2 =	simm.s32 $0x13D00  }
0x1da: {  	[hbm4b:s13+s4] =	stream.indirect_vreg.scatter [tilespmem:s2], [sflag:$0x2], $0x80, v4, vm2, $0xb8;
	[tilespmem:$0x1A500] =	vst v63  }
0x1db: {  	s3 =	simm.s32 $0x14500  }
0x1dc: {  	[hbm4b:s14+s4] =	stream.indirect_vreg.scatter [tilespmem:s3], [sflag:$0x2], $0x80, v4, vm2, $0xb8;
	[tilespmem:$0x1A500] =	vst v63  }
0x1dd: {  	s6 =	simm.s32 $0x14D00  }
0x1de: {  	[hbm4b:s15+s4] =	stream.indirect_vreg.scatter [tilespmem:s6], [sflag:$0x2], $0x80, v4, vm2, $0xb8;
	[tilespmem:$0x1A500] =	vst v63  }
0x1df: {  	s7 =	simm.s32 $0x15500  }
0x1e0: {  	[hbm4b:s16+s4] =	stream.indirect_vreg.scatter [tilespmem:s7], [sflag:$0x2], $0x80, v4, vm2, $0xb8;
	[tilespmem:$0x1A500] =	vst v63  }
0x1e1: {  	s8 =	simm.s32 $0x15D00  }
0x1e2: {  	[hbm4b:s17+s4] =	stream.indirect_vreg.scatter [tilespmem:s8], [sflag:$0x2], $0x80, v4, vm2, $0xb8;
	[tilespmem:$0x1A500] =	vst v63  }
0x1e3: {  	s9 =	simm.s32 $0x16500  }
0x1e4: {  	[hbm4b:s18+s4] =	stream.indirect_vreg.scatter [tilespmem:s9], [sflag:$0x2], $0x80, v4, vm2, $0xb8;
	[tilespmem:$0x1A500] =	vst v63  }
0x1e5: {  	s10 =	simm.s32 $0x16D00  }
0x1e6: {  	[hbm4b:s19+s4] =	stream.indirect_vreg.scatter [tilespmem:s10], [sflag:$0x2], $0x80, v4, vm2, $0xb8;
	[tilespmem:$0x1A500] =	vst v63  }
0x1e7: {  	s23 =	simm.s32 $0x17500  }
0x1e8: {  	[hbm4b:s20+s4] =	stream.indirect_vreg.scatter [tilespmem:s23], [sflag:$0x2], $0x80, v4, vm2, $0xb8;
	[tilespmem:$0x1A500] =	vst v63  }
0x1e9: {  	s25 =	simm.s32 $0x17D00  }
0x1ea: {  	[hbm4b:s21+s4] =	stream.indirect_vreg.scatter [tilespmem:s25], [sflag:$0x2], $0x80, v4, vm2, $0xb8;
	[tilespmem:$0x1A500] =	vst v63  }
0x1eb: {  	s28 =	simm.s32 $0x18500  }
0x1ec: {  	[hbm4b:s22+s4] =	stream.indirect_vreg.scatter [tilespmem:s28], [sflag:$0x2], $0x80, v4, vm2, $0xb8;
	[tilespmem:$0x1A500] =	vst v63  }
0x1ed: {  	s30 =	simm.s32 $0x18D00  }
0x1ee: {  	[hbm4b:s24+s4] =	stream.indirect_vreg.scatter [tilespmem:s30], [sflag:$0x2], $0x80, v4, vm2, $0xb8;
	[tilespmem:$0x1A500] =	vst v63  }
0x1ef: {  	s31 =	simm.s32 $0x19500  }
0x1f0: {  	[hbm4b:s26+s4] =	stream.indirect_vreg.scatter [tilespmem:s31], [sflag:$0x2], $0x80, v4, vm2, $0xb8;
	[tilespmem:$0x1A500] =	vst v63  }
0x1f1: {  	s1 =	simm.s32 $0x19D00  }
0x1f2: {  	[hbm4b:s5+s4] =	stream.indirect_vreg.scatter [tilespmem:s1], [sflag:$0x2], $0x80, v4, vm2, $0xb8;
	[tilespmem:$0x1A500] =	vst v63  }
0x1f3: {  	s1 =	rddreg [dreg:$0x1e]  }
0x1f4: {  	v4 =	vld.msk [tilespmem:s1+$0x0], $0xff;
	_ =	sdelay $0x4  }
0x1f5: {  	v5 =	vshll.u32 v4, $0x5  }
0x1f6: {  	v4 =	vand.u32 $0x7, v4;
	v5 =	vand.u32 $0xFFFFFF00, v5  }
0x1f7: {  	v4 =	vor.u32 v4, v5  }
0x1f8: {  	v4 =	vperm.xlane v4, v2;
	_ =	sdelay $0x1  }
0x1f9: {  	v4 =	vadd.s32 v3, v4;
	_ =	sdelay $0x3  }
0x1fa: {  	s0 =	rddreg [dreg:$0x3];
	s1 =	simm.s32 $0x12500  }
0x1fb: {  	[hbm4b:s0+s4] =	stream.indirect_vreg.scatter [tilespmem:s1], [sflag:$0x2], $0x80, v4, vm2, $0xb8;
	[tilespmem:$0x1A500] =	vst v63  }
0x1fc: {  	s1 =	simm.s32 $0x12D00  }
0x1fd: {  	[hbm4b:s11+s4] =	stream.indirect_vreg.scatter [tilespmem:s1], [sflag:$0x2], $0x80, v4, vm2, $0xb8;
	[tilespmem:$0x1A500] =	vst v63  }
0x1fe: {  	s11 =	simm.s32 $0x13500  }
0x1ff: {  	[hbm4b:s12+s4] =	stream.indirect_vreg.scatter [tilespmem:s11], [sflag:$0x2], $0x80, v4, vm2, $0xb8;
	[tilespmem:$0x1A500] =	vst v63  }
0x200: {  	_ = 	snop  }
0x201: {  	[hbm4b:s13+s4] =	stream.indirect_vreg.scatter [tilespmem:s2], [sflag:$0x2], $0x80, v4, vm2, $0xb8;
	[tilespmem:$0x1A500] =	vst v63  }
0x202: {  	_ = 	snop  }
0x203: {  	[hbm4b:s14+s4] =	stream.indirect_vreg.scatter [tilespmem:s3], [sflag:$0x2], $0x80, v4, vm2, $0xb8;
	[tilespmem:$0x1A500] =	vst v63  }
0x204: {  	_ = 	snop  }
0x205: {  	[hbm4b:s15+s4] =	stream.indirect_vreg.scatter [tilespmem:s6], [sflag:$0x2], $0x80, v4, vm2, $0xb8;
	[tilespmem:$0x1A500] =	vst v63  }
0x206: {  	_ = 	snop  }
0x207: {  	[hbm4b:s16+s4] =	stream.indirect_vreg.scatter [tilespmem:s7], [sflag:$0x2], $0x80, v4, vm2, $0xb8;
	[tilespmem:$0x1A500] =	vst v63  }
0x208: {  	_ = 	snop  }
0x209: {  	[hbm4b:s17+s4] =	stream.indirect_vreg.scatter [tilespmem:s8], [sflag:$0x2], $0x80, v4, vm2, $0xb8;
	[tilespmem:$0x1A500] =	vst v63  }
0x20a: {  	_ = 	snop  }
0x20b: {  	[hbm4b:s18+s4] =	stream.indirect_vreg.scatter [tilespmem:s9], [sflag:$0x2], $0x80, v4, vm2, $0xb8;
	[tilespmem:$0x1A500] =	vst v63  }
0x20c: {  	_ = 	snop  }
0x20d: {  	[hbm4b:s19+s4] =	stream.indirect_vreg.scatter [tilespmem:s10], [sflag:$0x2], $0x80, v4, vm2, $0xb8;
	[tilespmem:$0x1A500] =	vst v63  }
0x20e: {  	_ = 	snop  }
0x20f: {  	[hbm4b:s20+s4] =	stream.indirect_vreg.scatter [tilespmem:s23], [sflag:$0x2], $0x80, v4, vm2, $0xb8;
	[tilespmem:$0x1A500] =	vst v63  }
0x210: {  	_ = 	snop  }
0x211: {  	[hbm4b:s21+s4] =	stream.indirect_vreg.scatter [tilespmem:s25], [sflag:$0x2], $0x80, v4, vm2, $0xb8;
	[tilespmem:$0x1A500] =	vst v63  }
0x212: {  	_ = 	snop  }
0x213: {  	[hbm4b:s22+s4] =	stream.indirect_vreg.scatter [tilespmem:s28], [sflag:$0x2], $0x80, v4, vm2, $0xb8;
	[tilespmem:$0x1A500] =	vst v63  }
0x214: {  	_ = 	snop  }
0x215: {  	[hbm4b:s24+s4] =	stream.indirect_vreg.scatter [tilespmem:s30], [sflag:$0x2], $0x80, v4, vm2, $0xb8;
	[tilespmem:$0x1A500] =	vst v63  }
0x216: {  	_ = 	snop  }
0x217: {  	[hbm4b:s26+s4] =	stream.indirect_vreg.scatter [tilespmem:s31], [sflag:$0x2], $0x80, v4, vm2, $0xb8;
	[tilespmem:$0x1A500] =	vst v63  }
0x218: {  	s31 =	rddreg [dreg:$0x1d]  }
0x219: {  	p0 =	seq.s32 s31, $0x1B000  }
.Ltmp3:
0x21a: {  	_ = 	snop;
	(pc) =	sbr.rel @p0 .LBB2_6-.Ltmp3, $3  }
0x21b: {  	_ =	sdelay $0x1  }
0x21c: {  	s0 =	simm.s32 $0x2;
	s25 =	simm.s32 $0x12500;
	s30 =	simm.s32 $0x19D00  }
0x21d: {  	[hbm4b:s5+s4] =	stream.indirect_vreg.scatter [tilespmem:s30], [sflag:$0x2], $0x80, v4, vm2, $0xb8;
	[tilespmem:$0x1A500] =	vst v63  }
0x21e: {  	_ =	swait.ge [sflag:s0], $0x8000  }
0x21f: {  	[sflag:s0] =	ssyncset.done $0x0  }
0x220: {  	[sflag:s0] =	ssyncadd.s32 $0xFFFF8000  }
0x221: {  	_ =	swait.ge [sflag:s0], $0x8000  }
0x222: {  	s28 =	sadd.s32 $0x5000, s29;
	s29 =	rddreg [dreg:$0x1d]  }
0x223: {  	s30 =	rddreg [dreg:$0x1e]  }
0x224: {  	[sflag:s0] =	ssyncset.done $0x0;
	s31 =	rddreg [dreg:$0x1f]  }
.Ltmp4:
0x225: {  	[sflag:s0] =	ssyncadd.s32 $0xFFFF8000;
	s0 =	sadd.s32 $0x3000, s29;
	(pc) =	sbr.rel .LBB2_4-.Ltmp4, $4  }
0x226: {  	[tilespmem:s25], [sflag:$0x1] =	stream.linear.gather [hbm4b:s28+s4], $0x8000, $0x38;
	[tilespmem:$0x1A500] =	vst v63  }
0x227: {  	[dreg:$0x1d] =	wrdreg s0;
	s0 =	sadd.s32 $0x180, s30  }
0x228: {  	[dreg:$0x1e] =	wrdreg s0;
	s0 =	sadd.s32 $0x180, s31  }
0x229: {  	s25 =	simm.s32 $0x2;
	[dreg:$0x1f] =	wrdreg s0  }
.LBB2_7:
0x22a: {  	_ =	sfence.sel $0x180000  }
0x22b: {  	[bflag:$0x0] =	sbarrier.arrive $0xFFFF  }
0x22c: {  	_ =	strace $0x9000004D  }
0x22d: {  	s0 =	stileid.u32;
	[bflag:$0x2] =	sbarrier.arrive $0xFFFF  }
0x22e: {  	p0 =	sne.s32 s0, $0x0;
	s0 =	rddreg [dreg:$0x5]  }
0x22f: {  	s0 =	sadd.s32 @!p0 $0x100000, s0  }
0x230: {  	[sflag:s0] =	ssyncadd.tile.s32 @!p0 $0x1;
	_ =	shalt  }
.Lfunc_end2:
_tile_overlayer_lowered:
.L_overlay_start_2:
0x231: {  	(tag) =	ssettag $0x2  }
0x232: {  	s0 =	rddreg [dreg:$0x0];
	s2 =	stileid.u32  }
0x233: {  	s1 =	rddreg [dreg:$0x1];
	p0 =	sne.s32 s2, $0x0  }
0x234: {  	s3 =	rddreg [dreg:$0x2];
	[bflag:$0x3] =	sbarrier.arrive $0xFFFF;
	s2 =	simm.s32 @!p0 $0x1C04  }
0x235: {  	[timem:s3], [sflag:s2] =	dma.local @!p0 [hbm:s0], s1  }
0x236: {  	s0 =	simm.s32 @!p0 $0x4  }
0x237: {  	_ =	swait.ge @!p0 [sflag:s0], s1  }
0x238: {  	s1 =	ssub.s32 @!p0 $0x0, s1;
	[sflag:s0] =	ssyncset.done @!p0 $0x0  }
0x239: {  	[sflag:s0] =	ssyncadd.s32 @!p0 s1  }
0x23a: {  	[bflag:$0x3] =	sbarrier.arrive $0xFFFF  }
0x23b: {  	_ =	shalt  }

// kernel: kernel.5.cloned.1.call-start
scs
__scs_entry_jumppad:
0x0: {  	(pc) =	sbr.rel $0x88, $3  }
0x1: {  	(tag) =	ssettag $0x0;
	lr =	simm.s32 $0x1  }
0x2: {  	[smem:$0x3F9D] =	sst lr;
	_ =	strace $0xD0000000  }
0x3: {  	_ = 	snop  }
0x4: {  	_ = 	snop  }
0x5: {  	_ = 	snop  }
0x6: {  	_ = 	snop  }
0x7: {  	_ = 	snop  }
__scs_overlays_trampoline_lowered:
0x8: {  	[smem:$0x3FAC] =	sst s0  }
0x9: {  	[smem:$0x3FAD] =	sst s1  }
0xa: {  	[smem:$0x3FAE] =	sst s2  }
0xb: {  	[smem:$0x3FAF] =	sst s3  }
0xc: {  	[smem:$0x3FB0] =	sst s4  }
0xd: {  	[smem:$0x3FB1] =	sst s5  }
0xe: {  	[smem:$0x3FB2] =	sst s6  }
0xf: {  	[smem:$0x3FB3] =	sst s7  }
0x10: {  	[smem:$0x3FB4] =	sst s8  }
0x11: {  	[smem:$0x3FB5] =	sst s9;
	s0 =	simm.s32 @!p0 $0x0  }
0x12: {  	s1 =	sld [smem:$0x3F9B];
	s0 =	simm.s32 @p0 $0x1  }
0x13: {  	[smem:$0x3FB6] =	sst s0;
	s0 =	simm.s32 @!p1 $0x0  }
0x14: {  	s2 =	sld [smem:$0x3F9A];
	s0 =	simm.s32 @p1 $0x1  }
0x15: {  	[smem:$0x3FB7] =	sst s0;
	s0 =	simm.s32 @!p2 $0x0  }
0x16: {  	s3 =	sld [smem:$0x3FDB];
	s0 =	simm.s32 @p2 $0x1  }
0x17: {  	s4 =	simm.s32 $0x1BF5;
	[smem:$0x3FB9] =	sst s0  }
0x18: {  	s0 =	sld [smem:$0x3F9C];
	_ =	swait.ge [sflag:s4], $0x0  }
0x19: {  	s7 =	sld [smem:$0x3F9D]  }
0x1a: {  	s8 =	sadd.s32 $0xFFFFE003, lr  }
0x1b: {  	s9 =	sadd.s32 $0xFFFFFEF7, lr;
	s5 =	simm.s32 $0xFFFFFFFF;
	p2 =	slt.u32 s8, $0xFFFFF086  }
0x1c: {  	p1 =	slt.u32 s9, $0xF7A;
	s5 =	simm.s32 @!p2 $0x0  }
0x1d: {  	s5 =	simm.s32 @p1 $0x1;
	p0 =	seq.s32 s7, s2  }
0x1e: {  	s7 =	smul.u32 @!p0 $0xF7A, s2;
	p2 =	seq.s32 @!p0 s5, $0x0  }
0x1f: {  	s9 =	smul.u32 $0xF7A, s1;
	s8 =	simm.s32 @!p0 $0x1BF5;
	p2 =	por !p2, p0  }
0x20: {  	[sflag:s8] =	ssyncset.s32 @!p0 $0xFFFFF086;
	s6 =	sadd.s32 @!p0 s3, s7;
	s7 =	simm.s32 @!p0 $0x108  }
0x21: {  	s3 =	sadd.s32 s3, s9;
	s6 =	sadd.s32 @!p0 $0x88, s6;
	s7 =	simm.s32 @p2 $0x1082  }
0x22: {  	[simem:s7], [sflag:s8] =	dma.local @!p0 [hbm:s6], $0xF7A  }
0x23: {  	s9 =	sor.u32 $0xD0000000, s2;
	s6 =	simm.s32 $0x108;
	_ =	swait.ge @!p0 [sflag:s8], $0x0  }
0x24: {  	s3 =	sadd.s32 $0x88, s3;
	s6 =	simm.s32 @!p1 $0x1082;
	[sflag:s4] =	ssyncset.s32 $0xFFFFF086  }
0x25: {  	[simem:s6], [sflag:s4] =	dma.local [hbm:s3], $0xF7A  }
0x26: {  	[smem:$0x3F9D] =	sst s1;
	(tag) =	ssettag s2;
	_ =	strace s9  }
0x27: {  	s1 =	sld [smem:$0x3FAD]  }
0x28: {  	s2 =	sld [smem:$0x3FAE]  }
0x29: {  	s4 =	sld [smem:$0x3FB0]  }
0x2a: {  	p0 =	seq.s32 s5, $0x0;
	s5 =	sld [smem:$0x3FB1]  }
0x2b: {  	s6 =	sld [smem:$0x3FB2]  }
0x2c: {  	s7 =	sld [smem:$0x3FB3]  }
0x2d: {  	s3 =	simm.s32 $0x108;
	s8 =	sld [smem:$0x3FB4]  }
0x2e: {  	s3 =	simm.s32 @!p0 $0x1082;
	s9 =	sld [smem:$0x3FB5]  }
0x2f: {  	lr =	sadd.s32 s0, s3;
	s0 =	sld [smem:$0x3FAC]  }
0x30: {  	s3 =	sld [smem:$0x3FAF]  }
0x31: {  	[smem:$0x3FB8] =	sst s10  }
0x32: {  	s10 =	sld [smem:$0x3FB6];
	_ =	sdelay $0x3  }
0x33: {  	p0 =	seq.s32 s10, $0x1;
	s10 =	sld [smem:$0x3FB8];
	_ =	sdelay $0x3  }
0x34: {  	[smem:$0x3FB8] =	sst s10  }
0x35: {  	s10 =	sld [smem:$0x3FB7];
	_ =	sdelay $0x3  }
0x36: {  	p1 =	seq.s32 s10, $0x1;
	s10 =	sld [smem:$0x3FB8];
	_ =	sdelay $0x3  }
0x37: {  	[smem:$0x3FB8] =	sst s10  }
0x38: {  	s10 =	sld [smem:$0x3FB9]  }
0x39: {  	_ = 	snop;
	(pc) =	sbr.ind lr, $3  }
0x3a: {  	_ = 	snop  }
0x3b: {  	_ = 	snop  }
0x3c: {  	p2 =	seq.s32 s10, $0x1;
	s10 =	sld [smem:$0x3FB8]  }
0x3d: {  	_ =	shalt  }
0x3e: {  	_ =	shalt  }
0x3f: {  	_ =	shalt  }
0x40: {  	_ =	shalt  }
0x41: {  	_ =	shalt  }
0x42: {  	_ =	shalt  }
0x43: {  	_ =	shalt  }
0x44: {  	_ =	shalt  }
0x45: {  	_ =	shalt  }
0x46: {  	_ =	shalt  }
0x47: {  	_ =	shalt  }
0x48: {  	_ =	shalt  }
0x49: {  	_ =	shalt  }
0x4a: {  	_ =	shalt  }
0x4b: {  	_ =	shalt  }
0x4c: {  	_ =	shalt  }
0x4d: {  	_ =	shalt  }
0x4e: {  	_ =	shalt  }
0x4f: {  	_ =	shalt  }
0x50: {  	_ =	shalt  }
0x51: {  	_ =	shalt  }
0x52: {  	_ =	shalt  }
0x53: {  	_ =	shalt  }
0x54: {  	_ =	shalt  }
0x55: {  	_ =	shalt  }
0x56: {  	_ =	shalt  }
0x57: {  	_ =	shalt  }
0x58: {  	_ =	shalt  }
0x59: {  	_ =	shalt  }
0x5a: {  	_ =	shalt  }
0x5b: {  	_ =	shalt  }
0x5c: {  	_ =	shalt  }
0x5d: {  	_ =	shalt  }
0x5e: {  	_ =	shalt  }
0x5f: {  	_ =	shalt  }
0x60: {  	_ =	shalt  }
0x61: {  	_ =	shalt  }
0x62: {  	_ =	shalt  }
0x63: {  	_ =	shalt  }
0x64: {  	_ =	shalt  }
0x65: {  	_ =	shalt  }
0x66: {  	_ =	shalt  }
0x67: {  	_ =	shalt  }
0x68: {  	_ =	shalt  }
0x69: {  	_ =	shalt  }
0x6a: {  	_ =	shalt  }
0x6b: {  	_ =	shalt  }
0x6c: {  	_ =	shalt  }
0x6d: {  	_ =	shalt  }
0x6e: {  	_ =	shalt  }
0x6f: {  	_ =	shalt  }
0x70: {  	_ =	shalt  }
0x71: {  	_ =	shalt  }
0x72: {  	_ =	shalt  }
0x73: {  	_ =	shalt  }
0x74: {  	_ =	shalt  }
0x75: {  	_ =	shalt  }
0x76: {  	_ =	shalt  }
0x77: {  	_ =	shalt  }
0x78: {  	_ =	shalt  }
0x79: {  	_ =	shalt  }
0x7a: {  	_ =	shalt  }
0x7b: {  	_ =	shalt  }
0x7c: {  	_ =	shalt  }
0x7d: {  	_ =	shalt  }
0x7e: {  	_ =	shalt  }
0x7f: {  	_ =	shalt  }
0x80: {  	_ =	shalt  }
0x81: {  	_ =	shalt  }
0x82: {  	_ =	shalt  }
0x83: {  	_ =	shalt  }
0x84: {  	_ =	shalt  }
0x85: {  	_ =	shalt  }
0x86: {  	_ =	shalt  }
0x87: {  	_ =	shalt  }
.Lfunc_end0:
.L_simem_size_0:
called_computation_lowered:
.L_overlay_start_0:
0x88: {  	s2 =	sld [smem:$0x3FD9]  }
0x89: {  	s3 =	sld [smem:$0x3FFE];
	_ =	sdelay $0x1  }
0x8a: {  	s1 =	srdreg.scid  }
0x8b: {  	s0 =	sand.u32 $0x1, s1  }
0x8c: {  	s15 =	sshll.u32 s0, $0xA;
	s2 =	sadd.s32 s3, s2  }
0x8d: {  	s2 =	sadd.s32 s2, s15  }
0x8e: {  	[smem:$0x3FC4] =	sst s2  }
0x8f: {  	_ = 	snop  }
0x90: {  	s2 =	sld [smem:$0x3FD0];
	_ =	sdelay $0x2  }
0x91: {  	s16 =	simm.s32 $0xA;
	s4 =	simm.s32 $0x10  }
0x92: {  	[smem:s4], [sflag:s16] =	dma.local [hbm:s2], $0x1  }
0x93: {  	_ =	swait.eq [sflag:s16], $0x1  }
0x94: {  	[sflag:s16] =	ssyncset.done $0x0  }
0x95: {  	s17 =	sld [smem:$0x10];
	[sflag:s16] =	ssyncadd.s32 $0xFFFFFFFF  }
0x96: {  	s18 =	sld [smem:$0x13];
	(tm) =	ssettm $0x1  }
0x97: {  	s19 =	sld [smem:$0x3FFB];
	_ =	sdelay $0x3  }
0x98: {  	_ =	strace s19  }
0x99: {  	s4 =	sld [smem:$0x3FFC];
	_ =	sdelay $0x3  }
0x9a: {  	_ =	strace s4  }
0x9b: {  	s4 =	sld [smem:$0x3FFD];
	_ =	sdelay $0x3  }
0x9c: {  	_ =	strace s4  }
0x9d: {  	_ =	strace $0x8FFFFFFF  }
0x9e: {  	s20 =	sld [smem:$0x3FDB];
	_ =	sdelay $0x1  }
0x9f: {  	s5 =	simm.s32 $_scs_section_size  }
0xa0: {  	s6 =	simm.s32 $_size__tile_overlayer_lowered;
	s7 =	simm.s32 $_tile_overlayer_lowered  }
0xa1: {  	s23 =	simm.s32 $0x1BFF;
	s22 =	sshll.u32 s7, $0x1;
	s4 =	sadd.s32 s5, s20  }
0xa2: {  	s8 =	simm.s32 $0x0;
	s21 =	sshll.u32 s6, $0x1;
	s6 =	sadd.s32 s22, s4  }
0xa3: {  	[timem:s8], [sflag:s23] =	dma.local [hbm:s6], s21  }
0xa4: {  	_ =	swait.ge [sflag:s23], s21  }
0xa5: {  	s5 =	ssub.s32 $0x0, s21;
	[sflag:s23] =	ssyncset.done $0x0  }
0xa6: {  	[sflag:s23] =	ssyncadd.s32 s5;
	_ =	sdelay $0x1  }
0xa7: {  	s24 =	simm.s32 $0x1B8B  }
0xa8: {  	_ =	swait.ge [sflag:s24], $0x1  }
0xa9: {  	[sflag:s24] =	ssyncset.done $0x0  }
0xaa: {  	s25 =	simm.s32 $0x1B8E;
	[sflag:s24] =	ssyncadd.s32 $0xFFFFFFFF  }
0xab: {  	s26 =	simm.s32 $execute0_lowered;
	[smem:$0x3FD2] =	sst s25  }
0xac: {  	s5 =	sshll.u32 s26, $0x1;
	_ =	strace $0x80000046;
	[dreg:$0x1] =	wrdreg $0xFFFFFFFF  }
0xad: {  	s28 =	simm.s32 $_size_execute0_lowered;
	s4 =	sadd.s32 s4, s5;
	[dreg:$0x0] =	wrdreg $0x0  }
0xae: {  	s5 =	sshll.u32 s28, $0x1;
	[dreg:$0x2] =	wrdreg s4  }
0xaf: {  	[dreg:$0x3] =	wrdreg s5  }
0xb0: {  	[dreg:$0x4] =	wrdreg $0xC0  }
0xb1: {  	_ =	task [dreg:s8], $0x5FFFF  }
0xb2: {  	[dreg:$0x1] =	wrdreg $0xFFFFFFFF  }
0xb3: {  	[dreg:$0x0] =	wrdreg $0x60  }
0xb4: {  	[dreg:$0x2] =	wrdreg s18  }
0xb5: {  	[dreg:$0x3] =	wrdreg s17  }
0xb6: {  	[dreg:$0x4] =	wrdreg $0x9  }
0xb7: {  	_ =	task.clear_ibuf [dreg:s8], $0x5FFFF;
	_ =	strace $0x90000046  }
0xb8: {  	s29 =	simm.s32 $0x9;
	_ =	strace $0x80000048  }
0xb9: {  	_ =	swait.ge [sflag:s29], $0x1  }
0xba: {  	[sflag:s29] =	ssyncadd.s32 $0xFFFFFFFF  }
0xbb: {  	_ =	strace $0x90000048  }
0xbc: {  	_ =	sfence  }
0xbd: {  	s30 =	sld [smem:$0x0];
	_ =	sdelay $0x2  }
0xbe: {  	s31 =	sshll.u32 s1, $0xD;
	s1 =	sshrl.u32 s1, $0x2  }
0xbf: {  	s3 =	sand.u32 $0x4000, s31;
	s1 =	sadd.s32 s1, s30  }
0xc0: {  	s0 =	sor.u32 s3, s0;
	s1 =	sshll.u32 s1, $0x11  }
0xc1: {  	s0 =	sor.u32 s1, s0  }
0xc2: {  	s0 =	sadd.s32 $0x8F2B, s0  }
0xc3: {  	[sflag:s0] =	ssyncadd.remote.s32 $0x1  }
0xc4: {  	_ =	sfence.sel $0xFFFF  }
0xc5: {  	[dreg:$0x0] =	wrdreg $0xFFFFFFFF;
	(pc) =	sbr.abs _section_cstart, $3  }
0xc6: {  	[dreg:$0x1] =	wrdreg $0xFFFFFFFF  }
0xc7: {  	_ =	task.clear_ibuf [dreg:s8], $0x2FFFF;
	_ =	strace $0x9FFFFFFF  }
0xc8: {  	(tm) =	ssettm $0x7FFFFFFF  }
0xc9: {  	_ =	shalt  }
tec
execute0_lowered:
.L_overlay_start_1:
0x0: {  	(tag) =	ssettag $0x1  }
0x1: {  	vm0 =	vmmov $0x1;
	v1 =	vimm.s32 $0x0  }
0x2: {  	v1 =	vsel vm0, $0xFFFFFFFF, v1  }
0x3: {  	vm7 =	vmmov $0x3;
	[tilespmem:$0x1FF20] =	vst v1;
	v1 =	vimm.s32 $0x0  }
0x4: {  	v1 =	vsel vm7, $0xFFFFFFFF, v1  }
0x5: {  	vm8 =	vmmov $0x7;
	[tilespmem:$0x1FF30] =	vst v1;
	v1 =	vimm.s32 $0x0  }
0x6: {  	s3 =	rddreg [dreg:$0x0];
	v1 =	vsel vm8, $0xFFFFFFFF, v1  }
0x7: {  	s4 =	rddreg [dreg:$0x1];
	s1 =	simm.s32 $0x0;
	vm9 =	vmmov $0xf;
	[tilespmem:$0x1FF40] =	vst v1;
	v1 =	vimm.s32 $0x0  }
0x8: {  	[smem:$0x7FF] =	sst s1;
	v1 =	vsel vm9, $0xFFFFFFFF, v1  }
0x9: {  	s0 =	rddreg [dreg:$0x2];
	vm10 =	vmmov $0x1f;
	_ =	strace $0x80000047;
	[tilespmem:$0x1FF50] =	vst v1;
	v1 =	vimm.s32 $0x0  }
0xa: {  	v1 =	vsel vm10, $0xFFFFFFFF, v1  }
0xb: {  	vm11 =	vmmov $0x3f;
	[tilespmem:$0x1FF60] =	vst v1;
	v1 =	vimm.s32 $0x0  }
0xc: {  	v1 =	vsel vm11, $0xFFFFFFFF, v1  }
0xd: {  	vm4 =	vmmov $0x7f;
	[tilespmem:$0x1FF70] =	vst v1;
	v1 =	vimm.s32 $0x0  }
0xe: {  	v1 =	vsel vm4, $0xFFFFFFFF, v1  }
0xf: {  	vm5 =	vmmov $0xff;
	[tilespmem:$0x1FF80] =	vst v1;
	v1 =	vimm.s32 $0x0  }
0x10: {  	v1 =	vsel vm5, $0xFFFFFFFF, v1  }
0x11: {  	vm6 =	vmmov $0x1ff;
	[tilespmem:$0x1FF90] =	vst v1;
	v1 =	vimm.s32 $0x0  }
0x12: {  	v1 =	vsel vm6, $0xFFFFFFFF, v1  }
0x13: {  	vm7 =	vmmov $0x3ff;
	[tilespmem:$0x1FFA0] =	vst v1;
	v1 =	vimm.s32 $0x0  }
0x14: {  	v1 =	vsel vm7, $0xFFFFFFFF, v1  }
0x15: {  	vm8 =	vmmov $0x7ff;
	[tilespmem:$0x1FFB0] =	vst v1;
	v1 =	vimm.s32 $0x0  }
0x16: {  	v1 =	vsel vm8, $0xFFFFFFFF, v1  }
0x17: {  	s2 =	srdreg.scid;
	vm9 =	vmmov $0xfff;
	[tilespmem:$0x1FFC0] =	vst v1;
	v1 =	vimm.s32 $0x0  }
0x18: {  	s5 =	sand.u32 $0x1, s2;
	v1 =	vsel vm9, $0xFFFFFFFF, v1  }
0x19: {  	s2 =	stileid.u32;
	s6 =	ssub.s32 $0x2, s5;
	s5 =	sshll.u32 s5, $0x4;
	vm10 =	vmmov $0x1fff;
	[tilespmem:$0x1FFD0] =	vst v1;
	v1 =	vimm.s32 $0x0  }
0x1a: {  	s7 =	sshrl.u32 s6, $0x1;
	s5 =	sor.u32 s2, s5;
	v1 =	vsel vm10, $0xFFFFFFFF, v1  }
0x1b: {  	s8 =	simm.s32 $0x0;
	s6 =	ssub.s32 s6, s7;
	s31 =	sshll.u32 s5, $0x6;
	vm11 =	vmmov $0x3fff;
	[tilespmem:$0x1FFE0] =	vst v1;
	v1 =	vimm.s32 $0x0  }
0x1c: {  	s5 =	sshll.u32 s5, $0x1;
	s7 =	simm.s32 $0x200;
	s3 =	sadd.s32 s3, s31;
	v1 =	vsel vm11, $0xFFFFFFFF, v1  }
0x1d: {  	v0 =	vimm.s32 $0x0;
	vm14 =	vmmov $0x7fff;
	s4 =	sadd.s32 s4, s5;
	s5 =	smax.u32 s6, $0x1;
	s6 =	simm.s32 $0x1;
	[tilespmem:$0x1FFF0] =	vst v1  }
.LBB2_1:
0x1e: {  	[tilespmem:s1], [sflag:$0x1] =	stream.linear.gather [hbm4b:s3+s1], $0x200, $0x38;
	[tilespmem:$0x280] =	vst v63  }
0x1f: {  	_ =	swait.ge [sflag:s6], $0x200  }
0x20: {  	[sflag:s6] =	ssyncset.done $0x0  }
0x21: {  	s9 =	simm.s32 $0x0;
	[sflag:s6] =	ssyncadd.s32 $0xFFFFFE00  }
0x22: {  	v2 =	vld [tilespmem:s9+$0x0]  }
0x23: {  	v7 =	vimm.s32 $0x0;
	v8 =	vimm.s32 $0x0;
	v9 =	vimm.s32 $0x0  }
0x24: {  	v10 =	vimm.s32 $0x0;
	v11 =	vimm.s32 $0x0;
	v12 =	vimm.s32 $0x0  }
0x25: {  	v13 =	vimm.s32 $0x0;
	v14 =	vimm.s32 $0x0;
	v15 =	vimm.s32 $0x0  }
0x26: {  	v16 =	vimm.s32 $0x0;
	v6 =	vimm.s32 $0x0;
	v4 =	vimm.s32 $0x0  }
0x27: {  	v5 =	vimm.s32 $0x0;
	v3 =	vimm.s32 $0x0;
	vm15 =	veq.s32 v2, $0x0  }
0x28: {  	vm0 =	veq.s32 v2, $0x1;
	vm1 =	veq.s32 v2, $0xF;
	vm2 =	veq.s32 v2, $0x2  }
0x29: {  	vm3 =	veq.s32 v2, $0x3;
	vm4 =	veq.s32 v2, $0x5;
	vm5 =	veq.s32 v2, $0x6  }
0x2a: {  	vm6 =	veq.s32 v2, $0x7;
	vm7 =	veq.s32 v2, $0x8;
	vm8 =	veq.s32 v2, $0x9  }
0x2b: {  	vm9 =	veq.s32 v2, $0xA;
	vm10 =	veq.s32 v2, $0xB;
	vm11 =	veq.s32 v2, $0xC  }
0x2c: {  	vm12 =	veq.s32 v2, $0xD;
	vm13 =	veq.s32 v2, $0xE;
	v1 =	vsel vm1, $0x1, v0  }
0x2d: {  	vm1 =	veq.s32 v2, $0x4;
	v22 =	vsel vm15, $0x1, v0;
	v23 =	vsel vm0, $0x1, v0  }
0x2e: {  	v24 =	vsel vm2, $0x1, v0;
	v25 =	vsel vm3, $0x1, v0;
	v27 =	vsel vm4, $0x1, v0  }
0x2f: {  	v28 =	vsel vm5, $0x1, v0;
	v29 =	vsel vm6, $0x1, v0;
	v30 =	vsel vm7, $0x1, v0  }
0x30: {  	v31 =	vsel vm8, $0x1, v0;
	v21 =	vsel vm9, $0x1, v0;
	v19 =	vsel vm10, $0x1, v0  }
0x31: {  	v20 =	vsel vm11, $0x1, v0;
	v18 =	vsel vm12, $0x1, v0;
	v17 =	vsel vm13, $0x1, v0  }
0x32: {  	s10 =	simm.s32 $0x10;
	s9 =	simm.s32 $0x80;
	v2 =	vimm.s32 $0x0;
	v1 =	vadd.s32 v1, v0;
	v26 =	vsel vm1, $0x1, v0  }
.LBB2_2:
0x33: {  	p0 =	sne.s32 s9, $0x7C0;
	v32 =	vld [tilespmem:s10+$0x0];
	v7 =	vadd.s32 v22, v7;
	v8 =	vadd.s32 v23, v8;
	v9 =	vadd.s32 v24, v9  }
0x34: {  	v10 =	vadd.s32 v25, v10;
	v11 =	vadd.s32 v26, v11;
	v12 =	vadd.s32 v27, v12  }
0x35: {  	v13 =	vadd.s32 v28, v13;
	v14 =	vadd.s32 v29, v14;
	v15 =	vadd.s32 v30, v15  }
0x36: {  	v16 =	vadd.s32 v31, v16;
	v6 =	vadd.s32 v21, v6;
	v4 =	vadd.s32 v19, v4  }
0x37: {  	v5 =	vadd.s32 v20, v5;
	v3 =	vadd.s32 v18, v3;
	v2 =	vadd.s32 v17, v2  }
0x38: {  	vm0 =	veq.s32 v32, $0x0;
	vm1 =	veq.s32 v32, $0x1;
	vm2 =	veq.s32 v32, $0xF  }
0x39: {  	vm3 =	veq.s32 v32, $0x2;
	vm4 =	veq.s32 v32, $0x3;
	v17 =	vsel vm2, $0x1, v0  }
0x3a: {  	vm5 =	veq.s32 v32, $0x5;
	vm2 =	veq.s32 v32, $0x4;
	v1 =	vadd.s32 v17, v1  }
0x3b: {  	vm6 =	veq.s32 v32, $0x6;
	vm7 =	veq.s32 v32, $0x7;
	vm8 =	veq.s32 v32, $0x8  }
0x3c: {  	vm9 =	veq.s32 v32, $0x9;
	vm10 =	veq.s32 v32, $0xA;
	vm11 =	veq.s32 v32, $0xB  }
0x3d: {  	vm12 =	veq.s32 v32, $0xC;
	vm13 =	veq.s32 v32, $0xD;
	vm15 =	veq.s32 v32, $0xE  }
.Ltmp0:
0x3e: {  	v22 =	vsel vm0, $0x1, v0;
	v23 =	vsel vm1, $0x1, v0;
	v24 =	vsel vm3, $0x1, v0;
	(pc) =	sbr.rel @p0 .LBB2_2-.Ltmp0, $4  }
0x3f: {  	v25 =	vsel vm4, $0x1, v0;
	v27 =	vsel vm5, $0x1, v0;
	v26 =	vsel vm2, $0x1, v0  }
0x40: {  	v28 =	vsel vm6, $0x1, v0;
	v29 =	vsel vm7, $0x1, v0;
	v30 =	vsel vm8, $0x1, v0  }
0x41: {  	v31 =	vsel vm9, $0x1, v0;
	v21 =	vsel vm10, $0x1, v0;
	v19 =	vsel vm11, $0x1, v0  }
0x42: {  	s10 =	sshra.s32 s9, $0x2;
	s9 =	sadd.s32 $0x40, s9;
	v20 =	vsel vm12, $0x1, v0;
	v18 =	vsel vm13, $0x1, v0;
	v17 =	vsel vm15, $0x1, v0  }
0x43: {  	v32 =	vld [tilespmem:s10+$0x0];
	v7 =	vadd.s32 v22, v7  }
0x44: {  	v8 =	vadd.s32 v23, v8;
	v9 =	vadd.s32 v24, v9;
	v10 =	vadd.s32 v25, v10  }
0x45: {  	v11 =	vadd.s32 v26, v11;
	v12 =	vadd.s32 v27, v12;
	v13 =	vadd.s32 v28, v13  }
0x46: {  	v14 =	vadd.s32 v29, v14;
	v15 =	vadd.s32 v30, v15;
	v16 =	vadd.s32 v31, v16  }
0x47: {  	v6 =	vadd.s32 v21, v6;
	v4 =	vadd.s32 v19, v4;
	v5 =	vadd.s32 v20, v5  }
0x48: {  	v3 =	vadd.s32 v18, v3;
	v2 =	vadd.s32 v17, v2;
	vm0 =	veq.s32 v32, $0x0  }
0x49: {  	vm8 =	veq.s32 v32, $0x1;
	vm9 =	veq.s32 v32, $0x2;
	v55 =	vsel vm0, $0x1, v0  }
0x4a: {  	vm10 =	veq.s32 v32, $0x3;
	v56 =	vsel vm8, $0x1, v0;
	v7 =	vadd.s32 v55, v7  }
0x4b: {  	vm11 =	veq.s32 v32, $0x4;
	v57 =	vsel vm9, $0x1, v0;
	v8 =	vadd.s32 v56, v8;
	(xrf0) =	vadd.scan.msk.s32 $0xffff, v7  }
0x4c: {  	vm4 =	veq.s32 v32, $0x5;
	v58 =	vsel vm10, $0x1, v0;
	v9 =	vadd.s32 v57, v9;
	(xrf0) =	vadd.scan.msk.s32 $0xffff, v8  }
0x4d: {  	vm5 =	veq.s32 v32, $0x6;
	v59 =	vsel vm11, $0x1, v0;
	v10 =	vadd.s32 v58, v10;
	(xrf0) =	vadd.scan.msk.s32 $0xffff, v9  }
0x4e: {  	vm6 =	veq.s32 v32, $0x7;
	v60 =	vsel vm4, $0x1, v0;
	v11 =	vadd.s32 v59, v11;
	(xrf0) =	vadd.scan.msk.s32 $0xffff, v10  }
0x4f: {  	vm7 =	veq.s32 v32, $0x8;
	v61 =	vsel vm5, $0x1, v0;
	v12 =	vadd.s32 v60, v12;
	(xrf0) =	vadd.scan.msk.s32 $0xffff, v11  }
0x50: {  	v62 =	vsel vm6, $0x1, v0;
	v63 =	vsel vm7, $0x1, v0;
	v13 =	vadd.s32 v61, v13;
	(xrf0) =	vadd.scan.msk.s32 $0xffff, v12  }
0x51: {  	v36 =	vld [tilespmem:$0x1FF20];
	vm8 =	veq.s32 v32, $0x9;
	vm9 =	veq.s32 v32, $0xA;
	v7 =	vadd.s32 v62, v14;
	v25, _, _ =	vpop (xrf0);
	(xrf0) =	vadd.scan.msk.s32 $0xffff, v13  }
0x52: {  	vm10 =	veq.s32 v32, $0xB;
	v19 =	vsel vm8, $0x1, v0;
	v8 =	vadd.s32 v63, v15;
	v27, _, _ =	vpop (xrf0);
	(xrf0) =	vadd.scan.msk.s32 $0xffff, v7  }
0x53: {  	vm11 =	veq.s32 v32, $0xC;
	v20 =	vsel vm9, $0x1, v0;
	v28 =	vadd.s32 v19, v16;
	v31, _, _ =	vpop (xrf0);
	(xrf0) =	vadd.scan.msk.s32 $0xffff, v8  }
0x54: {  	v39 =	vld [tilespmem:$0x1FF30];
	vm4 =	veq.s32 v32, $0xD;
	v23 =	vsel vm10, $0x1, v0;
	v6 =	vadd.s32 v20, v6;
	v35, _, _ =	vpop (xrf0);
	(xrf0) =	vadd.scan.msk.s32 $0xffff, v28  }
0x55: {  	vm5 =	veq.s32 v32, $0xE;
	v24 =	vsel vm11, $0x1, v0;
	v4 =	vadd.s32 v23, v4;
	v38, _, _ =	vpop (xrf0);
	(xrf0) =	vadd.scan.msk.s32 $0xffff, v6  }
0x56: {  	v42 =	vld [tilespmem:$0x1FF40];
	vm6 =	vnez.u8 v36;
	v26 =	vsel vm4, $0x1, v0;
	v5 =	vadd.s32 v24, v5;
	v41, _, _ =	vpop (xrf0);
	(xrf0) =	vadd.scan.msk.s32 $0xffff, v4  }
0x57: {  	v45 =	vld [tilespmem:$0x1FF50];
	v33 =	vsel vm5, $0x1, v0;
	vm10 =	veq.s32 v32, $0xF;
	v3 =	vadd.s32 v26, v3;
	v44, _, _ =	vpop (xrf0);
	(xrf0) =	vadd.scan.msk.s32 $0xffff, v5  }
0x58: {  	v2 =	vadd.s32 v33, v2;
	v29 =	vbroadcast v25, $0xF;
	v30 =	vbroadcast v27, $0xF;
	v47, _, _ =	vpop (xrf0);
	(xrf0) =	vadd.scan.msk.s32 $0xffff, v3;
	v3 =	vld [tilespmem:$0x1FF60]  }
0x59: {  	v51 =	vld [tilespmem:$0x1FF70];
	vm7 =	vnez.u8 v39;
	v34 =	vbroadcast v31, $0xF;
	v49, _, _ =	vpop (xrf0);
	(xrf0) =	vadd.scan.msk.s32 $0xffff, v2;
	v2 =	vsel vm10, $0x1, v0  }
0x5a: {  	v7 =	vsel vm6, v29, v30;
	v37 =	vbroadcast v35, $0xF;
	v1 =	vadd.s32 v2, v1;
	v2 =	vld [tilespmem:$0x1FF80]  }
0x5b: {  	v54 =	vld [tilespmem:$0x1FF90];
	vm8 =	vnez.u8 v42;
	v6 =	vsel vm7, v7, v34;
	v40 =	vbroadcast v38, $0xF  }
0x5c: {  	vm9 =	vnez.u8 v45;
	v57 =	vld [tilespmem:$0x1FFA0];
	v4 =	vsel vm8, v6, v37;
	v43 =	vbroadcast v41, $0xF  }
0x5d: {  	v59 =	vld [tilespmem:$0x1FFB0];
	v4 =	vsel vm9, v4, v40;
	v46 =	vbroadcast v44, $0xF;
	vm1 =	vnez.u8 v3  }
0x5e: {  	vm11 =	vnez.u8 v51;
	v61 =	vld [tilespmem:$0x1FFC0];
	v48 =	vbroadcast v47, $0xF;
	v3 =	vsel vm1, v4, v43  }
0x5f: {  	v62 =	vld [tilespmem:$0x1FFD0];
	v50, _, _ =	vpop (xrf0);
	v52 =	vbroadcast v49, $0xF;
	v3 =	vsel vm11, v3, v46;
	vm4 =	vnez.u8 v2  }
0x60: {  	vm5 =	vnez.u8 v54;
	v63 =	vld [tilespmem:$0x1FFE0];
	v53, _, _ =	vpop (xrf0);
	v2 =	vsel vm4, v3, v48;
	v3 =	vbroadcast v50, $0xF  }
0x61: {  	vm6 =	vnez.u8 v57;
	v55 =	vbroadcast v53, $0xF;
	v56, _, _ =	vpop (xrf0);
	v2 =	vsel vm5, v2, v52  }
0x62: {  	vm7 =	vnez.u8 v59;
	(xrf0) =	vadd.scan.msk.s32 $0xffff, v1;
	v1, _, _ =	vpop (xrf0);
	v2 =	vsel vm6, v2, v3;
	v3 =	vbroadcast v56, $0xF  }
0x63: {  	vm8 =	vnez.u8 v61;
	v58, _, _ =	vpop (xrf0);
	v1 =	vbroadcast v1, $0xF;
	v2 =	vsel vm7, v2, v55  }
0x64: {  	vm9 =	vnez.u8 v62;
	v2 =	vsel vm8, v2, v3;
	v3 =	vbroadcast v58, $0xF  }
0x65: {  	vm10 =	vnez.u8 v63;
	v1 =	vsel vm9, v2, v1  }
0x66: {  	v1 =	vsel vm10, v1, v3;
	v3 =	vld [tilespmem:$0x1FFF0]  }
0x67: {  	v60, _, _ =	vpop (xrf0)  }
0x68: {  	v2 =	vbroadcast v60, $0xF;
	_ =	sdelay $0x2  }
0x69: {  	vm11 =	vnez.u8 v3  }
0x6a: {  	s8 =	sadd.s32 $0x1, s8;
	v1 =	vsel vm11, v1, v2;
	v2, _, _ =	vpop (xrf0)  }
0x6b: {  	p0 =	sne.s32 s8, s5;
	v1 =	vsel vm14, v1, v2  }
.Ltmp1:
0x6c: {  	[tilespmem:$0x200] =	vst v1;
	(pc) =	sbr.rel @p0 .LBB2_1-.Ltmp1, $4  }
0x6d: {  	[hbm4b:s4+s1] =	stream.linear.scatter [tilespmem:s7], [sflag:$0x1], $0x10, $0x38;
	[tilespmem:$0x280] =	vst v63  }
0x6e: {  	_ =	swait.ge [sflag:s6], $0x10  }
0x6f: {  	[sflag:s6] =	ssyncset.done $0x0  }
0x70: {  	[sflag:s6] =	ssyncadd.s32 $0xFFFFFFF0  }
0x71: {  	_ =	sfence.sel $0x180000  }
0x72: {  	[bflag:$0x0] =	sbarrier.arrive $0xFFFF  }
0x73: {  	p0 =	sne.s32 s2, $0x0;
	_ =	strace $0x90000047  }
0x74: {  	s0 =	sadd.s32 @!p0 $0x100000, s0;
	[bflag:$0x2] =	sbarrier.arrive $0xFFFF  }
0x75: {  	[sflag:s0] =	ssyncadd.tile.s32 @!p0 $0x1;
	_ =	shalt  }
.Lfunc_end2:
_tile_overlayer_lowered:
.L_overlay_start_2:
0x76: {  	(tag) =	ssettag $0x2  }
0x77: {  	s0 =	rddreg [dreg:$0x0];
	s2 =	stileid.u32  }
0x78: {  	s1 =	rddreg [dreg:$0x1];
	p0 =	sne.s32 s2, $0x0  }
0x79: {  	s3 =	rddreg [dreg:$0x2];
	[bflag:$0x3] =	sbarrier.arrive $0xFFFF;
	s2 =	simm.s32 @!p0 $0x1C01  }
0x7a: {  	[timem:s3], [sflag:s2] =	dma.local @!p0 [hbm:s0], s1  }
0x7b: {  	s0 =	simm.s32 @!p0 $0x1  }
0x7c: {  	_ =	swait.ge @!p0 [sflag:s0], s1  }
0x7d: {  	s1 =	ssub.s32 @!p0 $0x0, s1;
	[sflag:s0] =	ssyncset.done @!p0 $0x0  }
0x7e: {  	[sflag:s0] =	ssyncadd.s32 @!p0 s1  }
0x7f: {  	[bflag:$0x3] =	sbarrier.arrive $0xFFFF  }
0x80: {  	_ =	shalt  }

// kernel: kernel.8.cloned.1.call-start
scs
__scs_entry_jumppad:
0x0: {  	(pc) =	sbr.rel $0x88, $3  }
0x1: {  	(tag) =	ssettag $0x0;
	lr =	simm.s32 $0x1  }
0x2: {  	[smem:$0x3F9D] =	sst lr;
	_ =	strace $0xD0000000  }
0x3: {  	_ = 	snop  }
0x4: {  	_ = 	snop  }
0x5: {  	_ = 	snop  }
0x6: {  	_ = 	snop  }
0x7: {  	_ = 	snop  }
__scs_overlays_trampoline_lowered:
0x8: {  	[smem:$0x3FAC] =	sst s0  }
0x9: {  	[smem:$0x3FAD] =	sst s1  }
0xa: {  	[smem:$0x3FAE] =	sst s2  }
0xb: {  	[smem:$0x3FAF] =	sst s3  }
0xc: {  	[smem:$0x3FB0] =	sst s4  }
0xd: {  	[smem:$0x3FB1] =	sst s5  }
0xe: {  	[smem:$0x3FB2] =	sst s6  }
0xf: {  	[smem:$0x3FB3] =	sst s7  }
0x10: {  	[smem:$0x3FB4] =	sst s8  }
0x11: {  	[smem:$0x3FB5] =	sst s9;
	s0 =	simm.s32 @!p0 $0x0  }
0x12: {  	s1 =	sld [smem:$0x3F9B];
	s0 =	simm.s32 @p0 $0x1  }
0x13: {  	[smem:$0x3FB6] =	sst s0;
	s0 =	simm.s32 @!p1 $0x0  }
0x14: {  	s2 =	sld [smem:$0x3F9A];
	s0 =	simm.s32 @p1 $0x1  }
0x15: {  	[smem:$0x3FB7] =	sst s0;
	s0 =	simm.s32 @!p2 $0x0  }
0x16: {  	s3 =	sld [smem:$0x3FDB];
	s0 =	simm.s32 @p2 $0x1  }
0x17: {  	s4 =	simm.s32 $0x1BF5;
	[smem:$0x3FB9] =	sst s0  }
0x18: {  	s0 =	sld [smem:$0x3F9C];
	_ =	swait.ge [sflag:s4], $0x0  }
0x19: {  	s7 =	sld [smem:$0x3F9D]  }
0x1a: {  	s8 =	sadd.s32 $0xFFFFE003, lr  }
0x1b: {  	s9 =	sadd.s32 $0xFFFFFEF7, lr;
	s5 =	simm.s32 $0xFFFFFFFF;
	p2 =	slt.u32 s8, $0xFFFFF086  }
0x1c: {  	p1 =	slt.u32 s9, $0xF7A;
	s5 =	simm.s32 @!p2 $0x0  }
0x1d: {  	s5 =	simm.s32 @p1 $0x1;
	p0 =	seq.s32 s7, s2  }
0x1e: {  	s7 =	smul.u32 @!p0 $0xF7A, s2;
	p2 =	seq.s32 @!p0 s5, $0x0  }
0x1f: {  	s9 =	smul.u32 $0xF7A, s1;
	s8 =	simm.s32 @!p0 $0x1BF5;
	p2 =	por !p2, p0  }
0x20: {  	[sflag:s8] =	ssyncset.s32 @!p0 $0xFFFFF086;
	s6 =	sadd.s32 @!p0 s3, s7;
	s7 =	simm.s32 @!p0 $0x108  }
0x21: {  	s3 =	sadd.s32 s3, s9;
	s6 =	sadd.s32 @!p0 $0x88, s6;
	s7 =	simm.s32 @p2 $0x1082  }
0x22: {  	[simem:s7], [sflag:s8] =	dma.local @!p0 [hbm:s6], $0xF7A  }
0x23: {  	s9 =	sor.u32 $0xD0000000, s2;
	s6 =	simm.s32 $0x108;
	_ =	swait.ge @!p0 [sflag:s8], $0x0  }
0x24: {  	s3 =	sadd.s32 $0x88, s3;
	s6 =	simm.s32 @!p1 $0x1082;
	[sflag:s4] =	ssyncset.s32 $0xFFFFF086  }
0x25: {  	[simem:s6], [sflag:s4] =	dma.local [hbm:s3], $0xF7A  }
0x26: {  	[smem:$0x3F9D] =	sst s1;
	(tag) =	ssettag s2;
	_ =	strace s9  }
0x27: {  	s1 =	sld [smem:$0x3FAD]  }
0x28: {  	s2 =	sld [smem:$0x3FAE]  }
0x29: {  	s4 =	sld [smem:$0x3FB0]  }
0x2a: {  	p0 =	seq.s32 s5, $0x0;
	s5 =	sld [smem:$0x3FB1]  }
0x2b: {  	s6 =	sld [smem:$0x3FB2]  }
0x2c: {  	s7 =	sld [smem:$0x3FB3]  }
0x2d: {  	s3 =	simm.s32 $0x108;
	s8 =	sld [smem:$0x3FB4]  }
0x2e: {  	s3 =	simm.s32 @!p0 $0x1082;
	s9 =	sld [smem:$0x3FB5]  }
0x2f: {  	lr =	sadd.s32 s0, s3;
	s0 =	sld [smem:$0x3FAC]  }
0x30: {  	s3 =	sld [smem:$0x3FAF]  }
0x31: {  	[smem:$0x3FB8] =	sst s10  }
0x32: {  	s10 =	sld [smem:$0x3FB6];
	_ =	sdelay $0x3  }
0x33: {  	p0 =	seq.s32 s10, $0x1;
	s10 =	sld [smem:$0x3FB8];
	_ =	sdelay $0x3  }
0x34: {  	[smem:$0x3FB8] =	sst s10  }
0x35: {  	s10 =	sld [smem:$0x3FB7];
	_ =	sdelay $0x3  }
0x36: {  	p1 =	seq.s32 s10, $0x1;
	s10 =	sld [smem:$0x3FB8];
	_ =	sdelay $0x3  }
0x37: {  	[smem:$0x3FB8] =	sst s10  }
0x38: {  	s10 =	sld [smem:$0x3FB9]  }
0x39: {  	_ = 	snop;
	(pc) =	sbr.ind lr, $3  }
0x3a: {  	_ = 	snop  }
0x3b: {  	_ = 	snop  }
0x3c: {  	p2 =	seq.s32 s10, $0x1;
	s10 =	sld [smem:$0x3FB8]  }
0x3d: {  	_ =	shalt  }
0x3e: {  	_ =	shalt  }
0x3f: {  	_ =	shalt  }
0x40: {  	_ =	shalt  }
0x41: {  	_ =	shalt  }
0x42: {  	_ =	shalt  }
0x43: {  	_ =	shalt  }
0x44: {  	_ =	shalt  }
0x45: {  	_ =	shalt  }
0x46: {  	_ =	shalt  }
0x47: {  	_ =	shalt  }
0x48: {  	_ =	shalt  }
0x49: {  	_ =	shalt  }
0x4a: {  	_ =	shalt  }
0x4b: {  	_ =	shalt  }
0x4c: {  	_ =	shalt  }
0x4d: {  	_ =	shalt  }
0x4e: {  	_ =	shalt  }
0x4f: {  	_ =	shalt  }
0x50: {  	_ =	shalt  }
0x51: {  	_ =	shalt  }
0x52: {  	_ =	shalt  }
0x53: {  	_ =	shalt  }
0x54: {  	_ =	shalt  }
0x55: {  	_ =	shalt  }
0x56: {  	_ =	shalt  }
0x57: {  	_ =	shalt  }
0x58: {  	_ =	shalt  }
0x59: {  	_ =	shalt  }
0x5a: {  	_ =	shalt  }
0x5b: {  	_ =	shalt  }
0x5c: {  	_ =	shalt  }
0x5d: {  	_ =	shalt  }
0x5e: {  	_ =	shalt  }
0x5f: {  	_ =	shalt  }
0x60: {  	_ =	shalt  }
0x61: {  	_ =	shalt  }
0x62: {  	_ =	shalt  }
0x63: {  	_ =	shalt  }
0x64: {  	_ =	shalt  }
0x65: {  	_ =	shalt  }
0x66: {  	_ =	shalt  }
0x67: {  	_ =	shalt  }
0x68: {  	_ =	shalt  }
0x69: {  	_ =	shalt  }
0x6a: {  	_ =	shalt  }
0x6b: {  	_ =	shalt  }
0x6c: {  	_ =	shalt  }
0x6d: {  	_ =	shalt  }
0x6e: {  	_ =	shalt  }
0x6f: {  	_ =	shalt  }
0x70: {  	_ =	shalt  }
0x71: {  	_ =	shalt  }
0x72: {  	_ =	shalt  }
0x73: {  	_ =	shalt  }
0x74: {  	_ =	shalt  }
0x75: {  	_ =	shalt  }
0x76: {  	_ =	shalt  }
0x77: {  	_ =	shalt  }
0x78: {  	_ =	shalt  }
0x79: {  	_ =	shalt  }
0x7a: {  	_ =	shalt  }
0x7b: {  	_ =	shalt  }
0x7c: {  	_ =	shalt  }
0x7d: {  	_ =	shalt  }
0x7e: {  	_ =	shalt  }
0x7f: {  	_ =	shalt  }
0x80: {  	_ =	shalt  }
0x81: {  	_ =	shalt  }
0x82: {  	_ =	shalt  }
0x83: {  	_ =	shalt  }
0x84: {  	_ =	shalt  }
0x85: {  	_ =	shalt  }
0x86: {  	_ =	shalt  }
0x87: {  	_ =	shalt  }
.Lfunc_end0:
.L_simem_size_0:
called_computation.1_lowered:
.L_overlay_start_0:
0x88: {  	s2 =	sld [smem:$0x3FD9]  }
0x89: {  	s3 =	sld [smem:$0x3FFE];
	_ =	sdelay $0x1  }
0x8a: {  	s1 =	srdreg.scid  }
0x8b: {  	s0 =	sand.u32 $0x1, s1  }
0x8c: {  	s15 =	sshll.u32 s0, $0xA;
	s2 =	sadd.s32 s3, s2  }
0x8d: {  	s2 =	sadd.s32 s2, s15  }
0x8e: {  	[smem:$0x3FC4] =	sst s2  }
0x8f: {  	_ = 	snop  }
0x90: {  	s2 =	sld [smem:$0x3FD0];
	_ =	sdelay $0x2  }
0x91: {  	s16 =	simm.s32 $0xA;
	s4 =	simm.s32 $0x10  }
0x92: {  	[smem:s4], [sflag:s16] =	dma.local [hbm:s2], $0x1  }
0x93: {  	_ =	swait.eq [sflag:s16], $0x1  }
0x94: {  	s17 =	sld [smem:$0x10]  }
0x95: {  	s18 =	sld [smem:$0x11];
	[sflag:s16] =	ssyncset.done $0x0  }
0x96: {  	s5 =	sld [smem:$0x12];
	[sflag:s16] =	ssyncadd.s32 $0xFFFFFFFF  }
0x97: {  	s19 =	sld [smem:$0x13];
	(tm) =	ssettm $0x1  }
0x98: {  	s6 =	sld [smem:$0x3FFB];
	_ =	sdelay $0x3  }
0x99: {  	_ =	strace s6  }
0x9a: {  	s6 =	sld [smem:$0x3FFC];
	_ =	sdelay $0x3  }
0x9b: {  	_ =	strace s6  }
0x9c: {  	s6 =	sld [smem:$0x3FFD];
	_ =	sdelay $0x3  }
0x9d: {  	_ =	strace s6  }
0x9e: {  	_ =	strace $0x8FFFFFFF  }
0x9f: {  	s20 =	sld [smem:$0x3FDB];
	_ =	sdelay $0x1  }
0xa0: {  	s7 =	simm.s32 $_scs_section_size  }
0xa1: {  	s8 =	simm.s32 $_size__tile_overlayer_lowered;
	s9 =	simm.s32 $_tile_overlayer_lowered  }
0xa2: {  	s23 =	simm.s32 $0x1BFF;
	s22 =	sshll.u32 s9, $0x1;
	s6 =	sadd.s32 s7, s20  }
0xa3: {  	s10 =	simm.s32 $0x0;
	s21 =	sshll.u32 s8, $0x1;
	s8 =	sadd.s32 s22, s6  }
0xa4: {  	[timem:s10], [sflag:s23] =	dma.local [hbm:s8], s21  }
0xa5: {  	_ =	swait.ge [sflag:s23], s21  }
0xa6: {  	s7 =	ssub.s32 $0x0, s21;
	[sflag:s23] =	ssyncset.done $0x0  }
0xa7: {  	[sflag:s23] =	ssyncadd.s32 s7;
	_ =	sdelay $0x1  }
0xa8: {  	s24 =	simm.s32 $0x1B8B  }
0xa9: {  	_ =	swait.ge [sflag:s24], $0x1  }
0xaa: {  	[sflag:s24] =	ssyncset.done $0x0  }
0xab: {  	s25 =	simm.s32 $0x1B8E;
	[sflag:s24] =	ssyncadd.s32 $0xFFFFFFFF  }
0xac: {  	s26 =	simm.s32 $execute0_lowered;
	[smem:$0x3FD2] =	sst s25  }
0xad: {  	s7 =	sshll.u32 s26, $0x1;
	_ =	strace $0x80000049;
	[dreg:$0x1] =	wrdreg $0xFFFFFFFF  }
0xae: {  	s28 =	simm.s32 $_size_execute0_lowered;
	s6 =	sadd.s32 s6, s7;
	[dreg:$0x0] =	wrdreg $0x0  }
0xaf: {  	s7 =	sshll.u32 s28, $0x1;
	[dreg:$0x2] =	wrdreg s6  }
0xb0: {  	[dreg:$0x3] =	wrdreg s7  }
0xb1: {  	[dreg:$0x4] =	wrdreg $0xC0  }
0xb2: {  	_ =	task [dreg:s10], $0x5FFFF  }
0xb3: {  	[dreg:$0x1] =	wrdreg $0xFFFFFFFF  }
0xb4: {  	[dreg:$0x0] =	wrdreg $0x60  }
0xb5: {  	[dreg:$0x2] =	wrdreg s19  }
0xb6: {  	[dreg:$0x3] =	wrdreg s17  }
0xb7: {  	[dreg:$0x4] =	wrdreg s18  }
0xb8: {  	[dreg:$0x5] =	wrdreg s5  }
0xb9: {  	[dreg:$0x6] =	wrdreg $0x9  }
0xba: {  	_ =	task.clear_ibuf [dreg:s10], $0x7FFFF;
	_ =	strace $0x90000049  }
0xbb: {  	s29 =	simm.s32 $0x9;
	_ =	strace $0x8000004B  }
0xbc: {  	_ =	swait.ge [sflag:s29], $0x1  }
0xbd: {  	[sflag:s29] =	ssyncadd.s32 $0xFFFFFFFF  }
0xbe: {  	_ =	strace $0x9000004B  }
0xbf: {  	_ =	sfence  }
0xc0: {  	s30 =	sld [smem:$0x0];
	_ =	sdelay $0x2  }
0xc1: {  	s31 =	sshll.u32 s1, $0xD;
	s1 =	sshrl.u32 s1, $0x2  }
0xc2: {  	s3 =	sand.u32 $0x4000, s31;
	s1 =	sadd.s32 s1, s30  }
0xc3: {  	s0 =	sor.u32 s3, s0;
	s1 =	sshll.u32 s1, $0x11  }
0xc4: {  	s0 =	sor.u32 s1, s0  }
0xc5: {  	s0 =	sadd.s32 $0x8F2B, s0  }
0xc6: {  	[sflag:s0] =	ssyncadd.remote.s32 $0x1  }
0xc7: {  	_ =	sfence.sel $0xFFFF  }
0xc8: {  	[dreg:$0x0] =	wrdreg $0xFFFFFFFF;
	(pc) =	sbr.abs _section_cstart, $3  }
0xc9: {  	[dreg:$0x1] =	wrdreg $0xFFFFFFFF  }
0xca: {  	_ =	task.clear_ibuf [dreg:s10], $0x2FFFF;
	_ =	strace $0x9FFFFFFF  }
0xcb: {  	(tm) =	ssettm $0x7FFFFFFF  }
tec
execute0_lowered:
.L_overlay_start_1:
0x0: {  	(tag) =	ssettag $0x1  }
0x1: {  	s5 =	rddreg [dreg:$0x0]  }
0x2: {  	s1 =	rddreg [dreg:$0x1];
	s3 =	srdreg.scid  }
0x3: {  	s6 =	rddreg [dreg:$0x2];
	s8 =	sand.u32 $0x1, s3  }
0x4: {  	s2 =	rddreg [dreg:$0x3];
	s3 =	stileid.u32;
	s9 =	sshll.u32 s8, $0x4  }
0x5: {  	s0 =	rddreg [dreg:$0x4];
	s12 =	sor.u32 s3, s9  }
0x6: {  	s4 =	simm.s32 $0x0;
	s9 =	sshll.u32 s12, $0x6;
	p0 =	seq.s32 s12, $0x1F  }
0x7: {  	s5 =	sadd.s32 s5, s9;
	s6 =	sadd.s32 s6, s9;
	s9 =	simm.s32 @!p0 $0x0  }
0x8: {  	[smem:$0x7FF] =	sst s4;
	s9 =	simm.s32 @p0 $0x1;
	p0 =	sgt.u32 s12, $0x1D  }
0x9: {  	_ =	strace $0x8000004A;
	[smem:$0x7E4] =	sst s9;
	s9 =	simm.s32 @!p0 $0x0  }
0xa: {  	s9 =	simm.s32 @p0 $0x1;
	p0 =	sgt.u32 s12, $0x1C  }
0xb: {  	[smem:$0x7E5] =	sst s9;
	s9 =	simm.s32 @!p0 $0x0  }
0xc: {  	s9 =	simm.s32 @p0 $0x1;
	p0 =	sgt.u32 s12, $0x1B  }
0xd: {  	[smem:$0x7E6] =	sst s9;
	s9 =	simm.s32 @!p0 $0x0  }
0xe: {  	s9 =	simm.s32 @p0 $0x1;
	p0 =	sgt.u32 s12, $0x1A  }
0xf: {  	[smem:$0x7E7] =	sst s9;
	s9 =	simm.s32 @!p0 $0x0  }
0x10: {  	s9 =	simm.s32 @p0 $0x1;
	p0 =	sgt.u32 s12, $0x19  }
0x11: {  	[smem:$0x7E8] =	sst s9;
	s9 =	simm.s32 @!p0 $0x0  }
0x12: {  	s9 =	simm.s32 @p0 $0x1;
	p0 =	seq.s32 s8, $0x0  }
0x13: {  	s7 =	ssub.s32 $0x2, s8;
	s8 =	simm.s32 @!p0 $0x0  }
0x14: {  	s8 =	simm.s32 @p0 $0x1;
	p0 =	sgt.u32 s12, $0x18  }
0x15: {  	s13 =	simm.s32 @!p0 $0x0  }
0x16: {  	s13 =	simm.s32 @p0 $0x1;
	p0 =	sgt.u32 s12, $0x17  }
0x17: {  	[smem:$0x7EB] =	sst s13;
	s13 =	simm.s32 @!p0 $0x0  }
0x18: {  	s13 =	simm.s32 @p0 $0x1;
	p0 =	sgt.u32 s12, $0x16  }
0x19: {  	[smem:$0x7EC] =	sst s13;
	s13 =	simm.s32 @!p0 $0x0  }
0x1a: {  	s13 =	simm.s32 @p0 $0x1;
	p0 =	sgt.u32 s12, $0x15  }
0x1b: {  	[smem:$0x7ED] =	sst s13;
	s13 =	simm.s32 @!p0 $0x0  }
0x1c: {  	s13 =	simm.s32 @p0 $0x1;
	p0 =	sgt.u32 s12, $0x14  }
0x1d: {  	[smem:$0x7EE] =	sst s13;
	s13 =	simm.s32 @!p0 $0x0  }
0x1e: {  	s13 =	simm.s32 @p0 $0x1;
	p0 =	sgt.u32 s12, $0x13  }
0x1f: {  	[smem:$0x7EF] =	sst s13;
	s13 =	simm.s32 @!p0 $0x0  }
0x20: {  	s13 =	simm.s32 @p0 $0x1;
	p0 =	sgt.u32 s12, $0x12  }
0x21: {  	[smem:$0x7F0] =	sst s13;
	s13 =	simm.s32 @!p0 $0x0  }
0x22: {  	s13 =	simm.s32 @p0 $0x1;
	p0 =	sgt.u32 s12, $0x11  }
0x23: {  	[smem:$0x7F1] =	sst s13;
	s13 =	simm.s32 @!p0 $0x0  }
0x24: {  	s13 =	simm.s32 @p0 $0x1;
	p0 =	sgt.u32 s12, $0x10  }
0x25: {  	[smem:$0x7F2] =	sst s13;
	s13 =	simm.s32 @!p0 $0x0  }
0x26: {  	s13 =	simm.s32 @p0 $0x1;
	p0 =	sgt.u32 s12, $0xE  }
0x27: {  	[smem:$0x7F3] =	sst s13;
	s13 =	simm.s32 @!p0 $0x0  }
0x28: {  	s13 =	simm.s32 @p0 $0x1;
	p0 =	sgt.u32 s12, $0xD  }
0x29: {  	[smem:$0x7F4] =	sst s13;
	s13 =	simm.s32 @!p0 $0x0  }
0x2a: {  	s13 =	simm.s32 @p0 $0x1;
	p0 =	sgt.u32 s12, $0xC  }
0x2b: {  	[smem:$0x7F5] =	sst s13;
	s13 =	simm.s32 @!p0 $0x0  }
0x2c: {  	s13 =	simm.s32 @p0 $0x1;
	p0 =	sgt.u32 s12, $0xB  }
0x2d: {  	[smem:$0x7F6] =	sst s13;
	s13 =	simm.s32 @!p0 $0x0  }
0x2e: {  	s13 =	simm.s32 @p0 $0x1;
	p0 =	sgt.u32 s12, $0xA  }
0x2f: {  	s11 =	simm.s32 $0x0;
	[smem:$0x7F7] =	sst s13;
	s13 =	simm.s32 @!p0 $0x0  }
0x30: {  	s10 =	sshrl.u32 s7, $0x1;
	s13 =	simm.s32 @p0 $0x1;
	p0 =	sgt.u32 s12, $0x9  }
0x31: {  	s7 =	ssub.s32 s7, s10;
	[smem:$0x7F8] =	sst s13;
	s13 =	simm.s32 @!p0 $0x0  }
0x32: {  	s10 =	simm.s32 $0x400;
	s13 =	simm.s32 @p0 $0x1;
	p0 =	sgt.u32 s12, $0x8  }
0x33: {  	p5 =	sgt.u32 s12, $0x4;
	[smem:$0x7F9] =	sst s13;
	s13 =	simm.s32 @!p0 $0x0  }
0x34: {  	p6 =	sgt.u32 s12, $0x3;
	s13 =	simm.s32 @p0 $0x1;
	p0 =	sgt.u32 s12, $0x7  }
0x35: {  	p1 =	sgt.u32 s12, $0x1;
	[smem:$0x7FA] =	sst s13;
	s13 =	simm.s32 @!p0 $0x0  }
0x36: {  	p2 =	sne.s32 s12, $0x0;
	s13 =	simm.s32 @p0 $0x1;
	p0 =	sgt.u32 s12, $0x6  }
0x37: {  	p3 =	seq.s32 s12, $0x0;
	[smem:$0x7FB] =	sst s13;
	s13 =	simm.s32 @!p0 $0x0  }
0x38: {  	[smem:$0x7E9] =	sst s9;
	s13 =	simm.s32 @p0 $0x1;
	p0 =	sgt.u32 s12, $0x5  }
0x39: {  	vm0 =	vmmov $0x1;
	v0 =	vimm.s32 $0x0;
	s7 =	smax.u32 s7, $0x1;
	[smem:$0x7FC] =	sst s13;
	s13 =	simm.s32 @!p0 $0x0  }
0x3a: {  	v0 =	vsel vm0, $0xFFFFFFFF, v0;
	s9 =	simm.s32 $0x200;
	[smem:$0x7EA] =	sst s8;
	s13 =	simm.s32 @p0 $0x1  }
0x3b: {  	vm15 =	vmmov $0x7fff;
	[tilespmem:$0x1FFF0] =	vst v0;
	v0 =	vimm.s32 $0x0;
	s8 =	simm.s32 $0x1;
	p0 =	sgt.u32 s12, $0x2;
	[smem:$0x7FD] =	sst s13  }
.LBB2_1:
0x3c: {  	[tilespmem:s4], [sflag:$0x1] =	stream.linear.gather [hbm4b:s5+s4], $0x200, $0x38;
	[tilespmem:$0x680] =	vst v63  }
0x3d: {  	_ =	swait.ge [sflag:s8], $0x200  }
0x3e: {  	[sflag:s8] =	ssyncset.done $0x0  }
0x3f: {  	[sflag:s8] =	ssyncadd.s32 $0xFFFFFE00  }
0x40: {  	[tilespmem:s9], [sflag:$0x1] =	stream.linear.gather [hbm4b:s1+s4], $0x200, $0x38;
	[tilespmem:$0x680] =	vst v63  }
0x41: {  	_ =	swait.ge [sflag:s8], $0x200  }
0x42: {  	[sflag:s8] =	ssyncset.done $0x0  }
0x43: {  	[sflag:s8] =	ssyncadd.s32 $0xFFFFFE00  }
0x44: {  	v1 =	vld [tilespmem:$0x200]  }
0x45: {  	v2 =	vld [tilespmem:$0x210]  }
0x46: {  	v3 =	vld [tilespmem:$0x220]  }
0x47: {  	v4 =	vld [tilespmem:$0x230]  }
0x48: {  	v5 =	vld [tilespmem:$0x240]  }
0x49: {  	v6 =	vld [tilespmem:$0x250]  }
0x4a: {  	v8 =	vld [tilespmem:$0x260];
	v7 =	vadd.s32 v1, v2  }
0x4b: {  	v9 =	vld [tilespmem:$0x270];
	v7 =	vadd.s32 v3, v7  }
0x4c: {  	v10 =	vld [tilespmem:$0x280];
	v7 =	vadd.s32 v4, v7  }
0x4d: {  	v11 =	vld [tilespmem:$0x290];
	v7 =	vadd.s32 v5, v7  }
0x4e: {  	v12 =	vld [tilespmem:$0x2A0];
	v7 =	vadd.s32 v6, v7  }
0x4f: {  	v13 =	vld [tilespmem:$0x2B0];
	v7 =	vadd.s32 v8, v7  }
0x50: {  	v14 =	vld [tilespmem:$0x2C0];
	v7 =	vadd.s32 v9, v7  }
0x51: {  	s12 =	sld [smem:$0x7FD];
	v15 =	vld [tilespmem:$0x2D0];
	v1 =	vpsel p3, $0x0, v1;
	v2 =	vpsel !p1, $0x0, v2;
	v7 =	vadd.s32 v10, v7  }
0x52: {  	s24 =	sld [smem:$0x7FC];
	v16 =	vld [tilespmem:$0x2E0];
	v1 =	vadd.s32 v1, v2;
	v2 =	vpsel !p0, $0x0, v3;
	v7 =	vadd.s32 v11, v7  }
0x53: {  	s25 =	sld [smem:$0x7FB];
	v1 =	vadd.s32 v2, v1;
	v2 =	vpsel !p6, $0x0, v4;
	v3 =	vadd.s32 v12, v7;
	v7 =	vld [tilespmem:$0x2F0]  }
0x54: {  	s26 =	sld [smem:$0x7FA];
	p4 =	seq.s32 s12, $0x1;
	v4 =	vld [tilespmem:$0x300];
	v1 =	vadd.s32 v2, v1;
	v2 =	vpsel !p5, $0x0, v5;
	v3 =	vadd.s32 v13, v3  }
0x55: {  	s28 =	sld [smem:$0x7F9];
	v5 =	vld [tilespmem:$0x310];
	v1 =	vadd.s32 v2, v1;
	v2 =	vpsel !p4, $0x0, v6;
	p4 =	seq.s32 s24, $0x1;
	v3 =	vadd.s32 v14, v3  }
0x56: {  	s29 =	sld [smem:$0x7F8];
	v6 =	vld [tilespmem:$0x320];
	v1 =	vadd.s32 v2, v1;
	v2 =	vpsel !p4, $0x0, v8;
	p4 =	seq.s32 s25, $0x1;
	v3 =	vadd.s32 v15, v3  }
0x57: {  	s30 =	sld [smem:$0x7F7];
	v8 =	vld [tilespmem:$0x330];
	v1 =	vadd.s32 v2, v1;
	v2 =	vpsel !p4, $0x0, v9;
	p4 =	seq.s32 s26, $0x1;
	v3 =	vadd.s32 v16, v3  }
0x58: {  	s31 =	sld [smem:$0x7F6];
	v9 =	vld [tilespmem:$0x340];
	v1 =	vadd.s32 v2, v1;
	v2 =	vpsel !p4, $0x0, v10;
	p4 =	seq.s32 s28, $0x1;
	v3 =	vadd.s32 v7, v3  }
0x59: {  	s13 =	sld [smem:$0x7F5];
	v10 =	vld [tilespmem:$0x350];
	v1 =	vadd.s32 v2, v1;
	v2 =	vpsel !p4, $0x0, v11;
	p4 =	seq.s32 s29, $0x1;
	v3 =	vadd.s32 v4, v3  }
0x5a: {  	s14 =	sld [smem:$0x7F4];
	v11 =	vld [tilespmem:$0x360];
	v1 =	vadd.s32 v2, v1;
	v2 =	vpsel !p4, $0x0, v12;
	p4 =	seq.s32 s30, $0x1;
	v3 =	vadd.s32 v5, v3  }
0x5b: {  	s15 =	sld [smem:$0x7EA];
	v12 =	vld [tilespmem:$0x370];
	v1 =	vadd.s32 v2, v1;
	v2 =	vpsel !p4, $0x0, v13;
	p4 =	seq.s32 s31, $0x1;
	v3 =	vadd.s32 v6, v3  }
0x5c: {  	s16 =	sld [smem:$0x7F3];
	v13 =	vld [tilespmem:$0x380];
	v1 =	vadd.s32 v2, v1;
	v2 =	vpsel !p4, $0x0, v14;
	p4 =	seq.s32 s13, $0x1;
	v3 =	vadd.s32 v8, v3  }
0x5d: {  	s17 =	sld [smem:$0x7F2];
	v14 =	vld [tilespmem:$0x390];
	v1 =	vadd.s32 v2, v1;
	v2 =	vpsel !p4, $0x0, v15;
	p4 =	seq.s32 s14, $0x1;
	v3 =	vadd.s32 v9, v3  }
0x5e: {  	s18 =	sld [smem:$0x7F1];
	v15 =	vld [tilespmem:$0x3A0];
	v1 =	vadd.s32 v2, v1;
	v2 =	vpsel !p4, $0x0, v16;
	p4 =	seq.s32 s15, $0x1;
	v3 =	vadd.s32 v10, v3  }
0x5f: {  	s19 =	sld [smem:$0x7F0];
	v16 =	vld [tilespmem:$0x3B0];
	v1 =	vadd.s32 v2, v1;
	v2 =	vpsel p4, $0x0, v7;
	p4 =	seq.s32 s16, $0x1;
	v3 =	vadd.s32 v11, v3  }
0x60: {  	s20 =	sld [smem:$0x7EF];
	v7 =	vld [tilespmem:$0x3C0];
	v1 =	vadd.s32 v2, v1;
	v2 =	vpsel !p4, $0x0, v4;
	p4 =	seq.s32 s17, $0x1;
	v3 =	vadd.s32 v12, v3  }
0x61: {  	s21 =	sld [smem:$0x7EE];
	v4 =	vld [tilespmem:$0x3D0];
	v1 =	vadd.s32 v2, v1;
	v2 =	vpsel !p4, $0x0, v5;
	p4 =	seq.s32 s18, $0x1;
	v3 =	vadd.s32 v13, v3  }
0x62: {  	s22 =	sld [smem:$0x7ED];
	v5 =	vld [tilespmem:$0x3E0];
	v1 =	vadd.s32 v2, v1;
	v2 =	vpsel !p4, $0x0, v6;
	p4 =	seq.s32 s19, $0x1;
	v3 =	vadd.s32 v14, v3  }
0x63: {  	s23 =	sld [smem:$0x7EC];
	v6 =	vld [tilespmem:$0x3F0];
	v1 =	vadd.s32 v2, v1;
	v2 =	vpsel !p4, $0x0, v8;
	p4 =	seq.s32 s20, $0x1;
	v3 =	vadd.s32 v15, v3  }
0x64: {  	s24 =	sld [smem:$0x7EB];
	v1 =	vadd.s32 v2, v1;
	v2 =	vpsel !p4, $0x0, v9;
	p4 =	seq.s32 s21, $0x1;
	v3 =	vadd.s32 v16, v3  }
0x65: {  	s25 =	sld [smem:$0x7E9];
	v1 =	vadd.s32 v2, v1;
	v2 =	vpsel !p4, $0x0, v10;
	p4 =	seq.s32 s22, $0x1;
	v3 =	vadd.s32 v7, v3  }
0x66: {  	s26 =	sld [smem:$0x7E8];
	v1 =	vadd.s32 v2, v1;
	v2 =	vpsel !p4, $0x0, v11;
	p4 =	seq.s32 s23, $0x1;
	v3 =	vadd.s32 v4, v3  }
0x67: {  	s28 =	sld [smem:$0x7E7];
	v1 =	vadd.s32 v2, v1;
	v2 =	vpsel !p4, $0x0, v12;
	p4 =	seq.s32 s24, $0x1;
	v3 =	vadd.s32 v5, v3  }
0x68: {  	s29 =	sld [smem:$0x7E6];
	v1 =	vadd.s32 v2, v1;
	v2 =	vpsel !p4, $0x0, v13;
	p4 =	seq.s32 s25, $0x1;
	v3 =	vadd.s32 v6, v3  }
0x69: {  	s30 =	sld [smem:$0x7E5];
	v1 =	vadd.s32 v2, v1;
	v2 =	vpsel !p4, $0x0, v14;
	p4 =	seq.s32 s26, $0x1;
	(xrf0) =	vadd.scan.msk.s32 $0xffff, v3  }
0x6a: {  	s31 =	sld [smem:$0x7E4];
	v1 =	vadd.s32 v2, v1;
	v2 =	vpsel !p4, $0x0, v15;
	p4 =	seq.s32 s28, $0x1  }
0x6b: {  	v1 =	vadd.s32 v2, v1;
	v2 =	vpsel !p4, $0x0, v16;
	p4 =	seq.s32 s29, $0x1  }
0x6c: {  	v1 =	vadd.s32 v2, v1;
	v2 =	vpsel !p4, $0x0, v7;
	p4 =	seq.s32 s30, $0x1  }
0x6d: {  	s12 =	simm.s32 @!p2 $0x0;
	s13 =	simm.s32 @!p2 $0x600;
	v1 =	vadd.s32 v2, v1;
	v2 =	vpsel !p4, $0x0, v4;
	p4 =	seq.s32 s31, $0x1;
	[tilespmem:$0x600] =	vst @!p2 v3  }
0x6e: {  	[hbm4b:s2+s12] =	stream.linear.scatter @!p2 [tilespmem:s13], [sflag:$0x1], $0x80, $0x38;
	[tilespmem:$0x680] =	vst v63  }
0x6f: {  	v1 =	vadd.s32 v2, v1;
	v2 =	vpsel !p4, $0x0, v5;
	s12 =	simm.s32 @!p2 $0x1;
	v4, _, _ =	vpop (xrf0)  }
0x70: {  	v1 =	vadd.s32 v2, v1;
	v2 =	vsub.s32 v4, v3;
	_ =	swait.ge @!p2 [sflag:s12], $0x80  }
0x71: {  	v1 =	vadd.s32 v2, v1;
	v2 =	vld [tilespmem:$0x1FFF0];
	_ =	sdelay $0x4  }
0x72: {  	vm0 =	vnez.u8 v2  }
0x73: {  	v2 =	vnsel vm0, $0x0, v1;
	vm0 =	vcmask $0x308  }
0x74: {  	(xrf0) =	vadd.scan.msk.s32 $0xffff, v2;
	v2 =	vsel vm0, $0x0, v1;
	vm0 =	vcmask $0x70C  }
0x75: {  	(xrf0) =	vadd.scan.msk.s32 $0xffff, v2;
	v2 =	vsel vm0, $0x0, v1;
	vm0 =	vcmask $0xB10  }
0x76: {  	(xrf0) =	vadd.scan.msk.s32 $0xffff, v2;
	v2 =	vsel vm0, $0x0, v1;
	vm0 =	vcmask $0xF14  }
0x77: {  	(xrf0) =	vadd.scan.msk.s32 $0xffff, v2;
	v2 =	vsel vm0, $0x0, v1;
	vm0 =	vcmask $0x1318  }
0x78: {  	(xrf0) =	vadd.scan.msk.s32 $0xffff, v2;
	v2 =	vsel vm0, $0x0, v1;
	vm0 =	vcmask $0x171C  }
0x79: {  	(xrf0) =	vadd.scan.msk.s32 $0xffff, v2;
	v2 =	vsel vm0, $0x0, v1;
	vm0 =	vcmask $0x1B20  }
0x7a: {  	v3, _, _ =	vpop (xrf0);
	(xrf0) =	vadd.scan.msk.s32 $0xffff, v2;
	v2 =	vsel vm0, $0x0, v1;
	vm0 =	vcmask $0x1F24  }
0x7b: {  	[sflag:s12] =	ssyncset.done @!p2 $0x0;
	v4, _, _ =	vpop (xrf0);
	(xrf0) =	vadd.scan.msk.s32 $0xffff, v2;
	v2 =	vsel vm0, $0x0, v1;
	vm0 =	vcmask $0x2328  }
0x7c: {  	[sflag:s12] =	ssyncadd.s32 @!p2 $0xFFFFFF80;
	s12 =	simm.s32 $0x0;
	v5, _, _ =	vpop (xrf0);
	(xrf0) =	vadd.scan.msk.s32 $0xffff, v2;
	v2 =	vsel vm0, $0x0, v1;
	vm0 =	vcmask $0x272C  }
0x7d: {  	v12 =	vld [tilespmem:s12+$0x0];
	v6, _, _ =	vpop (xrf0);
	(xrf0) =	vadd.scan.msk.s32 $0xffff, v2;
	v2 =	vsel vm0, $0x0, v1;
	vm0 =	vcmask $0x2B30  }
0x7e: {  	v7, _, _ =	vpop (xrf0);
	(xrf0) =	vadd.scan.msk.s32 $0xffff, v2;
	v2 =	vsel vm0, $0x0, v1;
	vm0 =	vcmask $0x2F34  }
0x7f: {  	v8, _, _ =	vpop (xrf0);
	(xrf0) =	vadd.scan.msk.s32 $0xffff, v2;
	v2 =	vsel vm0, $0x0, v1;
	vm0 =	vcmask $0x3338  }
0x80: {  	v10, _, _ =	vpop (xrf0);
	(xrf0) =	vadd.scan.msk.s32 $0xffff, v2;
	v2 =	vsel vm0, $0x0, v1;
	vm0 =	vcmask $0x373C  }
0x81: {  	v13, _, _ =	vpop (xrf0);
	(xrf0) =	vadd.scan.msk.s32 $0xffff, v2;
	v2 =	vsel vm0, $0x0, v1  }
0x82: {  	vm6 =	veq.s32 v12, $0x0;
	v1 =	vsel vm15, $0x0, v1;
	v14, _, _ =	vpop (xrf0);
	(xrf0) =	vadd.scan.msk.s32 $0xffff, v2  }
0x83: {  	v15, _, _ =	vpop (xrf0);
	(xrf0) =	vadd.scan.msk.s32 $0xffff, v1;
	v1 =	vsel vm6, $0x1, v0  }
0x84: {  	vm1 =	veq.s32 v12, $0x4;
	v16, _, _ =	vpop (xrf0);
	(xrf0) =	vadd.scan.msk.s32 $0xffff, v1  }
0x85: {  	vm0 =	veq.s32 v12, $0x2;
	v2 =	vsel vm1, $0x1, v0;
	v17, _, _ =	vpop (xrf0)  }
0x86: {  	vm8 =	veq.s32 v12, $0x1;
	v1 =	vsel vm0, $0x1, v0;
	(xrf0) =	vadd.scan.msk.s32 $0xffff, v2;
	v18, _, _ =	vpop (xrf0)  }
0x87: {  	vm3 =	veq.s32 v12, $0x5;
	v2 =	vsel vm8, $0x1, v0;
	(xrf0) =	vadd.scan.msk.s32 $0xffff, v1;
	v19, _, _ =	vpop (xrf0)  }
0x88: {  	vm7 =	veq.s32 v12, $0x3;
	(xrf0) =	vadd.scan.msk.s32 $0xffff, v2;
	v2 =	vsel vm3, $0x1, v0;
	v20, _, _ =	vpop (xrf0)  }
0x89: {  	v1 =	vbroadcast v4, $0xF;
	v4 =	vsel vm7, $0x1, v0;
	v22, _, _ =	vpop (xrf0);
	(xrf0) =	vadd.scan.msk.s32 $0xffff, v2  }
0x8a: {  	vm4 =	veq.s32 v12, $0x7;
	v21 =	vbroadcast v3, $0xF;
	v2 =	vbroadcast v5, $0xF;
	v5, _, _ =	vpop (xrf0);
	(xrf0) =	vadd.scan.msk.s32 $0xffff, v4  }
0x8b: {  	vm5 =	veq.s32 v12, $0x8;
	vm2 =	veq.s32 v12, $0x9;
	v25 =	vmpcnt.ones.xlane vm6  }
0x8c: {  	v11 =	vsel vm4, $0x1, v0;
	v24 =	vsel vm2, $0x1, v0;
	v5 =	vadd.s32 v5, v21;
	v23, _, _ =	vpop (xrf0)  }
0x8d: {  	v34 =	vmpcnt.ones.xlane vm4;
	v3 =	vbroadcast v6, $0xF;
	v5 =	vadd.s32 $0xFFFFFFFF, v5;
	v6, _, _ =	vpop (xrf0)  }
0x8e: {  	v30 =	vmpcnt.ones.xlane vm5;
	v33 =	vbroadcast v13, $0xF;
	v5 =	vnsel vm6, $0x0, v5;
	v9, _, _ =	vpop (xrf0);
	(xrf0) =	vadd.scan.msk.s32 $0xffff, v11  }
0x8f: {  	vm6 =	veq.s32 v12, $0x6;
	v11 =	vsel vm5, $0x1, v0;
	v9 =	vadd.s32 v9, v1;
	(xrf0) =	vadd.scan.msk.s32 $0xffff, v24;
	v26, _, _ =	vpop (xrf0)  }
0x90: {  	v6 =	vadd.s32 v6, v2;
	v27 =	vsel vm6, $0x1, v0;
	v9 =	vadd.s32 $0xFFFFFFFF, v9;
	(xrf0) =	vadd.scan.msk.s32 $0xffff, v11;
	v24, _, _ =	vpop (xrf0)  }
0x91: {  	v6 =	vadd.s32 $0xFFFFFFFF, v6;
	v5 =	vsel vm8, v9, v5;
	(xrf0) =	vadd.scan.msk.s32 $0xffff, v27;
	v24 =	vadd.s32 v24, v3  }
0x92: {  	v6 =	vsel vm0, v6, v5;
	v5 =	vbroadcast v7, $0xF;
	v7 =	vadd.s32 $0xFFFFFFFF, v24  }
0x93: {  	v28 =	vbroadcast v14, $0xF;
	v29 =	vbroadcast v16, $0xF;
	v24 =	vsel vm7, v7, v6  }
0x94: {  	v6 =	vbroadcast v8, $0xF;
	v7 =	vbroadcast v10, $0xF;
	v10 =	vadd.s32 v23, v5;
	v13, _, _ =	vpop (xrf0)  }
0x95: {  	v35 =	vbroadcast v17, $0xF;
	v18 =	vbroadcast v18, $0xF;
	v14 =	vadd.s32 $0xFFFFFFFF, v10;
	v16, _, _ =	vpop (xrf0)  }
0x96: {  	v9 =	vmpcnt.ones.xlane vm0;
	v23 =	vadd.s32 v26, v6;
	v14 =	vsel vm1, v14, v24;
	v24, _, _ =	vpop (xrf0)  }
0x97: {  	v27 =	vmpcnt.ones.xlane vm2;
	vm0 =	veq.s32 v12, $0xA;
	v23 =	vadd.s32 $0xFFFFFFFF, v23;
	v26, _, _ =	vpop (xrf0)  }
0x98: {  	v8 =	vbroadcast v15, $0xF;
	v14 =	vsel vm3, v23, v14;
	v23 =	vadd.s32 v26, v7  }
0x99: {  	v15 =	vmpcnt.ones.xlane vm3;
	v13 =	vadd.s32 v13, v33;
	v23 =	vadd.s32 $0xFFFFFFFF, v23  }
0x9a: {  	v13 =	vadd.s32 $0xFFFFFFFF, v13;
	vm3 =	veq.s32 v12, $0xB;
	v14 =	vsel vm6, v23, v14  }
0x9b: {  	v26 =	vsel vm0, $0x1, v0;
	v13 =	vsel vm4, v13, v14;
	v14 =	vadd.s32 v24, v28  }
0x9c: {  	v10 =	vmpcnt.ones.xlane vm1;
	(xrf0) =	vadd.scan.msk.s32 $0xffff, v26;
	v23 =	vsel vm3, $0x1, v0;
	v14 =	vadd.s32 $0xFFFFFFFF, v14  }
0x9d: {  	v13 =	vsel vm5, v14, v13;
	vm5 =	veq.s32 v12, $0xC;
	v14 =	vadd.s32 v16, v8  }
0x9e: {  	vm4 =	veq.s32 v12, $0xE;
	(xrf0) =	vadd.scan.msk.s32 $0xffff, v23;
	v16 =	vsel vm5, $0x1, v0;
	v14 =	vadd.s32 $0xFFFFFFFF, v14  }
0x9f: {  	vm1 =	veq.s32 v12, $0xF;
	v23 =	vsel vm2, v14, v13;
	v13 =	vsel vm4, $0x1, v0;
	(xrf0) =	vadd.scan.msk.s32 $0xffff, v16  }
0xa0: {  	v17 =	vmpcnt.ones.xlane vm0;
	vm2 =	veq.s32 v12, $0xD;
	v12 =	vsel vm1, $0x1, v0;
	(xrf0) =	vadd.scan.msk.s32 $0xffff, v13  }
0xa1: {  	v4 =	vmpcnt.ones.xlane vm8;
	v11 =	vmpcnt.ones.xlane vm7;
	v14 =	vsel vm2, $0x1, v0;
	(xrf0) =	vadd.scan.msk.s32 $0xffff, v12  }
0xa2: {  	v17 =	vadd.s32 v29, v17;
	v36 =	vmpcnt.ones.xlane vm3;
	v24 =	vmpcnt.ones.xlane vm6;
	v16, _, _ =	vpop (xrf0);
	(xrf0) =	vadd.scan.msk.s32 $0xffff, v14  }
0xa3: {  	v26 =	vmpcnt.ones.xlane vm4;
	v13 =	vbroadcast v20, $0xF;
	v16 =	vadd.s32 v16, v29  }
0xa4: {  	v20 =	vmpcnt.ones.xlane vm5;
	v12 =	vbroadcast v19, $0xF;
	v19, _, _ =	vpop (xrf0);
	v16 =	vadd.s32 $0xFFFFFFFF, v16  }
0xa5: {  	v14 =	vbroadcast v22, $0xF;
	v31 =	vsel vm0, v16, v23;
	v16 =	vadd.s32 v28, v30;
	v28, _, _ =	vpop (xrf0)  }
0xa6: {  	v22 =	vmpcnt.ones.xlane vm2;
	v19 =	vadd.s32 v19, v35;
	v23 =	vmpcnt.ones.xlane vm1;
	v30, _, _ =	vpop (xrf0)  }
0xa7: {  	v29 =	vadd.s32 $0xFFFFFFFF, v19;
	v19 =	vadd.s32 v21, v25;
	v28 =	vadd.s32 v28, v18;
	v32, _, _ =	vpop (xrf0)  }
0xa8: {  	v18 =	vadd.s32 v18, v20;
	v28 =	vadd.s32 $0xFFFFFFFF, v28;
	v20 =	vadd.s32 v30, v13;
	v21, _, _ =	vpop (xrf0)  }
0xa9: {  	v25 =	vadd.s32 $0xFFFFFFFF, v20;
	v20 =	vadd.s32 v32, v14;
	v32 =	vadd.s32 v21, v12  }
0xaa: {  	s13 =	simm.s32 $0x40;
	v30 =	vadd.s32 $0xFFFFFFFF, v20;
	v20 =	vadd.s32 v33, v34;
	v21 =	vadd.s32 v35, v36  }
.LBB2_2:
0xab: {  	s14 =	sshra.s32 s13, $0x2;
	p4 =	sne.s32 s13, $0x7C0;
	s13 =	sadd.s32 $0x40, s13;
	v7 =	vadd.s32 v7, v24;
	v29 =	vsel vm3, v29, v31;
	v13 =	vadd.s32 v13, v26;
	v24 =	vmovc v16  }
0xac: {  	v3 =	vadd.s32 v3, v11;
	v8 =	vadd.s32 v8, v27;
	v31 =	vld [tilespmem:s14+$0x0];
	v11 =	vsel vm5, v28, v29  }
0xad: {  	v26 =	vadd.s32 $0xFFFFFFFF, v32;
	v12 =	vadd.s32 v12, v22;
	v14 =	vadd.s32 v14, v23  }
0xae: {  	v1 =	vadd.s32 v1, v4;
	v6 =	vadd.s32 v6, v15;
	v4 =	vsel vm2, v26, v11  }
0xaf: {  	v2 =	vadd.s32 v2, v9;
	v5 =	vadd.s32 v5, v10;
	v4 =	vsel vm4, v25, v4  }
0xb0: {  	v4 =	vsel vm1, v30, v4  }
0xb1: {  	vm0 =	veq.s32 v31, $0x0;
	vm11 =	veq.s32 v31, $0x4;
	vm1 =	veq.s32 v31, $0xF;
	[tilespmem:s12+$0x400] =	vst v4;
	s12 =	smov.u32 s14  }
0xb2: {  	v4 =	vsel vm0, $0x1, v0;
	v25 =	vmpcnt.ones.xlane vm0;
	v10 =	vsel vm11, $0x1, v0  }
0xb3: {  	vm5 =	veq.s32 v31, $0x1;
	vm13 =	veq.s32 v31, $0x2;
	vm2 =	veq.s32 v31, $0xD;
	(xrf0) =	vadd.scan.msk.s32 $0xffff, v4  }
0xb4: {  	v11 =	vsel vm13, $0x1, v0;
	v9 =	vmpcnt.ones.xlane vm13;
	v4 =	vmpcnt.ones.xlane vm5;
	(xrf0) =	vadd.scan.msk.s32 $0xffff, v10  }
0xb5: {  	vm6 =	veq.s32 v31, $0xA;
	vm3 =	veq.s32 v31, $0xB;
	v15 =	vsel vm5, $0x1, v0;
	(xrf0) =	vadd.scan.msk.s32 $0xffff, v11  }
0xb6: {  	vm14 =	veq.s32 v31, $0x3;
	vm12 =	veq.s32 v31, $0x5;
	v10 =	vmpcnt.ones.xlane vm11;
	(xrf0) =	vadd.scan.msk.s32 $0xffff, v15  }
0xb7: {  	v23 =	vsel vm14, $0x1, v0;
	v11 =	vmpcnt.ones.xlane vm14;
	v15 =	vsel vm12, $0x1, v0  }
0xb8: {  	vm9 =	veq.s32 v31, $0x7;
	vm4 =	veq.s32 v31, $0xE;
	v22 =	vmpcnt.ones.xlane vm2;
	(xrf0) =	vadd.scan.msk.s32 $0xffff, v15  }
0xb9: {  	vm10 =	veq.s32 v31, $0x8;
	vm8 =	veq.s32 v31, $0x9;
	v15 =	vmpcnt.ones.xlane vm12;
	v26, _, _ =	vpop (xrf0);
	(xrf0) =	vadd.scan.msk.s32 $0xffff, v23  }
0xba: {  	vm7 =	veq.s32 v31, $0x6;
	v23 =	vmpcnt.ones.xlane vm1;
	v26 =	vadd.s32 v26, v19;
	v27, _, _ =	vpop (xrf0)  }
0xbb: {  	v28 =	vsel vm1, $0x1, v0;
	v26 =	vadd.s32 $0xFFFFFFFF, v26;
	v27 =	vadd.s32 v27, v5;
	v29, _, _ =	vpop (xrf0)  }
0xbc: {  	v30 =	vnsel vm0, $0x0, v26;
	v29 =	vadd.s32 v29, v2;
	v26 =	vmpcnt.ones.xlane vm4;
	v32, _, _ =	vpop (xrf0)  }
0xbd: {  	v33 =	vsel vm9, $0x1, v0;
	v32 =	vadd.s32 v32, v1;
	v29 =	vadd.s32 $0xFFFFFFFF, v29  }
0xbe: {  	v34 =	vsel vm10, $0x1, v0;
	v35 =	vsel vm8, $0x1, v0;
	v32 =	vadd.s32 $0xFFFFFFFF, v32;
	v36, _, _ =	vpop (xrf0);
	(xrf0) =	vadd.scan.msk.s32 $0xffff, v33  }
0xbf: {  	v27 =	vadd.s32 $0xFFFFFFFF, v27;
	v33 =	vadd.s32 v36, v6;
	v36 =	vmpcnt.ones.xlane vm9;
	v37, _, _ =	vpop (xrf0);
	(xrf0) =	vadd.scan.msk.s32 $0xffff, v35  }
0xc0: {  	v38 =	vmpcnt.ones.xlane vm10;
	v35 =	vsel vm7, $0x1, v0;
	v33 =	vadd.s32 $0xFFFFFFFF, v33;
	(xrf0) =	vadd.scan.msk.s32 $0xffff, v34  }
0xc1: {  	v30 =	vsel vm5, v32, v30;
	v32 =	vadd.s32 v37, v3;
	v34 =	vsel vm6, $0x1, v0;
	(xrf0) =	vadd.scan.msk.s32 $0xffff, v35  }
0xc2: {  	vm5 =	veq.s32 v31, $0xC;
	v32 =	vadd.s32 $0xFFFFFFFF, v32;
	v35 =	vsel vm3, $0x1, v0;
	(xrf0) =	vadd.scan.msk.s32 $0xffff, v34  }
0xc3: {  	v29 =	vsel vm13, v29, v30;
	v30 =	vsel vm5, $0x1, v0;
	v31 =	vmpcnt.ones.xlane vm5;
	(xrf0) =	vadd.scan.msk.s32 $0xffff, v35  }
0xc4: {  	v16 =	vadd.s32 v16, v38;
	v29 =	vsel vm14, v32, v29;
	v32 =	vsel vm4, $0x1, v0;
	v34, _, _ =	vpop (xrf0);
	(xrf0) =	vadd.scan.msk.s32 $0xffff, v30  }
0xc5: {  	v29 =	vsel vm11, v27, v29;
	v27 =	vmpcnt.ones.xlane vm8;
	v30 =	vadd.s32 v34, v20;
	v34, _, _ =	vpop (xrf0);
	(xrf0) =	vadd.scan.msk.s32 $0xffff, v32  }
0xc6: {  	v30 =	vadd.s32 $0xFFFFFFFF, v30;
	v32 =	vadd.s32 v34, v8;
	v34 =	vsel vm2, $0x1, v0;
	v35, _, _ =	vpop (xrf0)  }
0xc7: {  	v38 =	vmpcnt.ones.xlane vm6;
	v29 =	vsel vm12, v33, v29;
	v32 =	vadd.s32 $0xFFFFFFFF, v32;
	v37, _, _ =	vpop (xrf0);
	(xrf0) =	vadd.scan.msk.s32 $0xffff, v28  }
0xc8: {  	v24 =	vadd.s32 v35, v24;
	v35 =	vmpcnt.ones.xlane vm3;
	v28 =	vadd.s32 v37, v7;
	v37, _, _ =	vpop (xrf0);
	(xrf0) =	vadd.scan.msk.s32 $0xffff, v34  }
0xc9: {  	v28 =	vadd.s32 $0xFFFFFFFF, v28;
	v34 =	vadd.s32 v37, v17;
	v17 =	vadd.s32 v17, v38;
	v33, _, _ =	vpop (xrf0)  }
0xca: {  	v24 =	vadd.s32 $0xFFFFFFFF, v24;
	v34 =	vadd.s32 $0xFFFFFFFF, v34;
	v33 =	vadd.s32 v33, v21;
	v37, _, _ =	vpop (xrf0)  }
0xcb: {  	v28 =	vsel vm7, v28, v29;
	v29 =	vadd.s32 $0xFFFFFFFF, v33;
	v33 =	vadd.s32 v37, v18;
	v37, _, _ =	vpop (xrf0)  }
.Ltmp0:
0xcc: {  	v38 =	vsel vm9, v30, v28;
	v18 =	vadd.s32 v18, v31;
	v28 =	vadd.s32 $0xFFFFFFFF, v33;
	(pc) =	sbr.rel @p4 .LBB2_2-.Ltmp0, $4  }
0xcd: {  	v19 =	vadd.s32 v19, v25;
	v24 =	vsel vm10, v24, v38;
	v25 =	vadd.s32 v37, v13;
	v30, _, _ =	vpop (xrf0)  }
0xce: {  	v31 =	vsel vm8, v32, v24;
	v25 =	vadd.s32 $0xFFFFFFFF, v25;
	v30 =	vadd.s32 v30, v14;
	v32, _, _ =	vpop (xrf0)  }
0xcf: {  	v24 =	vmpcnt.ones.xlane vm7;
	v32 =	vadd.s32 v32, v12;
	v30 =	vadd.s32 $0xFFFFFFFF, v30  }
0xd0: {  	v20 =	vadd.s32 v20, v36;
	v21 =	vadd.s32 v21, v35;
	v31 =	vsel vm6, v34, v31  }
0xd1: {  	v1 =	vsel vm3, v29, v31  }
0xd2: {  	v2 =	vadd.s32 $0xFFFFFFFF, v32;
	v1 =	vsel vm5, v28, v1  }
0xd3: {  	v1 =	vsel vm2, v2, v1  }
0xd4: {  	s11 =	sadd.s32 $0x1, s11;
	v1 =	vsel vm4, v25, v1  }
0xd5: {  	p4 =	sne.s32 s11, s7;
	v1 =	vsel vm1, v30, v1  }
.Ltmp1:
0xd6: {  	[tilespmem:s12+$0x400] =	vst v1;
	(pc) =	sbr.rel @p4 .LBB2_1-.Ltmp1, $4  }
0xd7: {  	[hbm4b:s6+s4] =	stream.linear.scatter [tilespmem:s10], [sflag:$0x1], $0x200, $0x38;
	[tilespmem:$0x680] =	vst v63  }
0xd8: {  	_ =	swait.ge [sflag:s8], $0x200  }
0xd9: {  	[sflag:s8] =	ssyncset.done $0x0  }
0xda: {  	[sflag:s8] =	ssyncadd.s32 $0xFFFFFE00  }
0xdb: {  	_ =	sfence.sel $0x180000  }
0xdc: {  	[bflag:$0x0] =	sbarrier.arrive $0xFFFF  }
0xdd: {  	p0 =	sne.s32 s3, $0x0;
	_ =	strace $0x9000004A  }
0xde: {  	s0 =	sadd.s32 @!p0 $0x100000, s0;
	[bflag:$0x2] =	sbarrier.arrive $0xFFFF  }
0xdf: {  	[sflag:s0] =	ssyncadd.tile.s32 @!p0 $0x1;
	_ =	shalt  }
.Lfunc_end2:
_tile_overlayer_lowered:
.L_overlay_start_2:
0xe0: {  	(tag) =	ssettag $0x2  }
0xe1: {  	s0 =	rddreg [dreg:$0x0];
	s2 =	stileid.u32  }
0xe2: {  	s1 =	rddreg [dreg:$0x1];
	p0 =	sne.s32 s2, $0x0  }
0xe3: {  	s3 =	rddreg [dreg:$0x2];
	[bflag:$0x3] =	sbarrier.arrive $0xFFFF;
	s2 =	simm.s32 @!p0 $0x1C01  }
0xe4: {  	[timem:s3], [sflag:s2] =	dma.local @!p0 [hbm:s0], s1  }
0xe5: {  	s0 =	simm.s32 @!p0 $0x1  }
0xe6: {  	_ =	swait.ge @!p0 [sflag:s0], s1  }
0xe7: {  	s1 =	ssub.s32 @!p0 $0x0, s1;
	[sflag:s0] =	ssyncset.done @!p0 $0x0  }
0xe8: {  	[sflag:s0] =	ssyncadd.s32 @!p0 s1  }
0xe9: {  	[bflag:$0x3] =	sbarrier.arrive $0xFFFF  }
0xea: {  	_ =	shalt  }

</sc_bundles>
